<compile_context>
chip_gen: v7x
topology: tpu7x:2x2x1
jax: 0.10.2.dev20260603
libtpu: 0.0.44.dev20260713+nightly
codegen_flags: <defaults>
</compile_context>

<pallas_src>
import functools
import math

import jax
import jax.numpy as jnp
from jax import lax
from jax.experimental import pallas as pl
from jax.experimental.pallas import tpu as pltpu
from jax.experimental.pallas import tpu_sc as plsc

NC = 2
NS = 16
B = 80
IB = 8
BN_EPS = 1e-5
ISQ = 1.0 / math.sqrt(1.0 + BN_EPS)


def _sc_mesh():
    return plsc.VectorSubcoreMesh(
        core_axis_name="c", subcore_axis_name="s", num_cores=NC, num_subcores=NS
    )


def _geometry(E):
    nt = NC * NS
    assert E % (nt * B) == 0
    return nt, E // (nt * B)


def _make_deg_kernel(N, E):
    _, nb = _geometry(E)
    nd = -(-N // 16) * 16
    assert nd == N

    @functools.partial(
        pl.kernel,
        out_type=jax.ShapeDtypeStruct((NC, nd), jnp.float32),
        mesh=_sc_mesh(),
        scratch_types=[
            pltpu.VMEM_SHARED((nd,), jnp.float32),
            pltpu.VMEM((nb, B), jnp.int32),
            pltpu.VMEM((B,), jnp.float32),
            pltpu.VMEM((nd,), jnp.float32),
        ],
    )
    def deg_kernel(dst3_hbm, deg_hbm, deg_sh, idx_v, ones_v, zbuf):
        cid = lax.axis_index("c")
        sid = lax.axis_index("s")
        tid = cid * NS + sid

        for off in range(0, B, 16):
            ones_v[pl.ds(off, 16)] = jnp.ones((16,), jnp.float32)

        @pl.when(sid == 0)
        def _():
            def zstep(i, c):
                zbuf[pl.ds(i * 16, 16)] = jnp.zeros((16,), jnp.float32)
                return c
            lax.fori_loop(0, nd // 16, zstep, 0)
            pltpu.sync_copy(zbuf, deg_sh)

        plsc.subcore_barrier()

        pltpu.sync_copy(dst3_hbm.at[tid], idx_v)

        def step(i, c):
            pltpu.sync_copy(ones_v, deg_sh.at[idx_v.at[i]], add=True)
            return c
        lax.fori_loop(0, nb, step, 0)

        plsc.subcore_barrier()

        @pl.when(sid == 0)
        def _():
            pltpu.sync_copy(deg_sh, deg_hbm.at[cid])

    return deg_kernel


def _make_scatter_kernel(N, H, E):
    nt, nb = _geometry(E)
    ept = nb * B
    rpt = (N // NS) // 8 * 8
    tail = N - NS * rpt
    assert nb % 2 == 1 and tail % 8 == 0 and ept % 8 == 0

    @functools.partial(
        pl.kernel,
        out_type=jax.ShapeDtypeStruct((NC, N, H), jnp.float32),
        mesh=_sc_mesh(),
        scratch_types=[
            pltpu.VMEM_SHARED((N, H), jnp.float32),
            pltpu.VMEM((ept,), jnp.int32),
            pltpu.VMEM((ept,), jnp.int32),
            pltpu.VMEM((B, H), jnp.float32),
            pltpu.VMEM((B, H), jnp.float32),
            pltpu.VMEM((B, H), jnp.float32),
            pltpu.SemaphoreType.DMA,
            pltpu.SemaphoreType.DMA,
            pltpu.SemaphoreType.DMA,
        ],
    )
    def scatter_kernel(u_hbm, src1_hbm, dst1_hbm, acc_hbm,
                       acc_sh, sidx, didx, rows0, rows1, rows2,
                       sem0, sem1, sem2):
        cid = lax.axis_index("c")
        sid = lax.axis_index("s")
        tid = cid * NS + sid

        pltpu.sync_copy(u_hbm.at[pl.ds(sid * rpt, rpt)],
                        acc_sh.at[pl.ds(sid * rpt, rpt)])

        @pl.when(sid == 0)
        def _():
            pltpu.sync_copy(u_hbm.at[pl.ds(NS * rpt, tail)],
                            acc_sh.at[pl.ds(NS * rpt, tail)])

        plsc.subcore_barrier()

        pltpu.sync_copy(src1_hbm.at[pl.ds(tid * ept, ept)], sidx)
        pltpu.sync_copy(dst1_hbm.at[pl.ds(tid * ept, ept)], didx)

        def gather(i, buf, sem):
            off = pl.multiple_of(i * B, B)
            pltpu.async_copy(u_hbm.at[sidx.at[pl.ds(off, B)]], buf, sem)

        def drain(buf, sem):
            pltpu.make_async_copy(u_hbm.at[pl.ds(0, B)], buf, sem).wait()

        def scat(i, buf):
            off = pl.multiple_of(i * B, B)
            pltpu.sync_copy(buf, acc_sh.at[didx.at[pl.ds(off, B)]], add=True)

        assert nb % 3 == 2
        gather(0, rows0, sem0)
        gather(1, rows1, sem1)

        def step(j, c):
            i = 3 * j
            gather(i + 2, rows2, sem2)
            drain(rows0, sem0)
            scat(i, rows0)
            gather(i + 3, rows0, sem0)
            drain(rows1, sem1)
            scat(i + 1, rows1)
            gather(i + 4, rows1, sem1)
            drain(rows2, sem2)
            scat(i + 2, rows2)
            return c
        lax.fori_loop(0, (nb - 2) // 3, step, 0)

        drain(rows0, sem0)
        scat(nb - 2, rows0)
        drain(rows1, sem1)
        scat(nb - 1, rows1)

        plsc.subcore_barrier()

        pltpu.sync_copy(acc_sh.at[pl.ds(sid * rpt, rpt)],
                        acc_hbm.at[cid, pl.ds(sid * rpt, rpt)])

        @pl.when(sid == 0)
        def _():
            pltpu.sync_copy(acc_sh.at[pl.ds(NS * rpt, tail)],
                            acc_hbm.at[cid, pl.ds(NS * rpt, tail)])

    return scatter_kernel


def _tc_prep(x, d0, d1, W):
    N, D = x.shape
    H = W.shape[1]
    R = 1000

    def body(x_ref, d0_ref, d1_ref, w_ref, u_ref, dis_ref):
        deg = d0_ref[...] + d1_ref[...] + 1.0
        dis = lax.rsqrt(deg)
        h = jnp.dot(x_ref[...], w_ref[...], preferred_element_type=jnp.float32)
        u_ref[...] = h * dis
        dis_ref[...] = dis

    return pl.pallas_call(
        body,
        grid=(N // R,),
        in_specs=[
            pl.BlockSpec((R, D), lambda i: (i, 0)),
            pl.BlockSpec((R, 1), lambda i: (i, 0)),
            pl.BlockSpec((R, 1), lambda i: (i, 0)),
            pl.BlockSpec((D, H), lambda i: (0, 0)),
        ],
        out_specs=[
            pl.BlockSpec((R, H), lambda i: (i, 0)),
            pl.BlockSpec((R, 1), lambda i: (i, 0)),
        ],
        out_shape=[
            jax.ShapeDtypeStruct((N, H), jnp.float32),
            jax.ShapeDtypeStruct((N, 1), jnp.float32),
        ],
    )(x, d0, d1, W)


def _tc_mid(a0, a1, up, dis, W, b, g, be):
    N, H = a0.shape
    R = 1000

    def body(a0_ref, a1_ref, up_ref, dis_ref, w_ref, b_ref, g_ref, be_ref,
             u_ref):
        dis_v = dis_ref[...]
        s = (a0_ref[...] + a1_ref[...] - up_ref[...]) * dis_v + b_ref[...]
        xn = jnp.maximum(s * (g_ref[...] * ISQ) + be_ref[...], 0.0)
        u_ref[...] = jnp.dot(
            xn, w_ref[...], preferred_element_type=jnp.float32) * dis_v

    return pl.pallas_call(
        body,
        grid=(N // R,),
        in_specs=[
            pl.BlockSpec((R, H), lambda i: (i, 0)),
            pl.BlockSpec((R, H), lambda i: (i, 0)),
            pl.BlockSpec((R, H), lambda i: (i, 0)),
            pl.BlockSpec((R, 1), lambda i: (i, 0)),
            pl.BlockSpec((H, H), lambda i: (0, 0)),
            pl.BlockSpec((1, H), lambda i: (0, 0)),
            pl.BlockSpec((1, H), lambda i: (0, 0)),
            pl.BlockSpec((1, H), lambda i: (0, 0)),
        ],
        out_specs=pl.BlockSpec((R, H), lambda i: (i, 0)),
        out_shape=jax.ShapeDtypeStruct((N, H), jnp.float32),
    )(a0, a1, up, dis, W, b, g, be)


def _tc_final(a0, a1, up, dis, b, g, be):
    N, H = a0.shape
    R = 1000

    def body(a0_ref, a1_ref, up_ref, dis_ref, b_ref, g_ref, be_ref,
             h_ref, m_ref):
        i = pl.program_id(0)
        s = (a0_ref[...] + a1_ref[...] - up_ref[...]) * dis_ref[...] + b_ref[...]
        xn = jnp.maximum(s * (g_ref[...] * ISQ) + be_ref[...], 0.0)
        h_ref[...] = xn
        part = jnp.sum(xn, axis=0, keepdims=True) * (1.0 / N)

        @pl.when(i == 0)
        def _():
            m_ref[...] = part

        @pl.when(i > 0)
        def _():
            m_ref[...] += part

    return pl.pallas_call(
        body,
        grid=(N // R,),
        in_specs=[
            pl.BlockSpec((R, H), lambda i: (i, 0)),
            pl.BlockSpec((R, H), lambda i: (i, 0)),
            pl.BlockSpec((R, H), lambda i: (i, 0)),
            pl.BlockSpec((R, 1), lambda i: (i, 0)),
            pl.BlockSpec((1, H), lambda i: (0, 0)),
            pl.BlockSpec((1, H), lambda i: (0, 0)),
            pl.BlockSpec((1, H), lambda i: (0, 0)),
        ],
        out_specs=[
            pl.BlockSpec((R, H), lambda i: (i, 0)),
            pl.BlockSpec((1, H), lambda i: (0, 0)),
        ],
        out_shape=[
            jax.ShapeDtypeStruct((N, H), jnp.float32),
            jax.ShapeDtypeStruct((1, H), jnp.float32),
        ],
    )(a0, a1, up, dis, b, g, be)


def kernel(x, edge_index, W1, b1, g1, be1, W2, b2, g2, be2, W3, b3, g3, be3):
    N, D = x.shape
    H = W1.shape[1]
    E = edge_index.shape[1]

    nt, nb = _geometry(E)
    src1 = edge_index[0]
    dst1 = edge_index[1]
    dst3 = dst1.reshape(nt, nb, B)

    deg_parts = _make_deg_kernel(N, E)(dst3)
    d0 = deg_parts[0, :N].reshape(N, 1)
    d1 = deg_parts[1, :N].reshape(N, 1)

    u1, dis = _tc_prep(x, d0, d1, W1)

    scatter = _make_scatter_kernel(N, H, E)
    acc = scatter(u1, src1, dst1)
    u2 = _tc_mid(acc[0], acc[1], u1, dis, W2,
                 b1.reshape(1, H), g1.reshape(1, H), be1.reshape(1, H))
    acc = scatter(u2, src1, dst1)
    u3 = _tc_mid(acc[0], acc[1], u2, dis, W3,
                 b2.reshape(1, H), g2.reshape(1, H), be2.reshape(1, H))
    acc = scatter(u3, src1, dst1)
    h, gmean = _tc_final(acc[0], acc[1], u3, dis,
                         b3.reshape(1, H), g3.reshape(1, H), be3.reshape(1, H))
    return (h, gmean)

# --- scband reference (transcript-rebuilt; emitter-appended) ---
"""Pipeline reference for scband-gnnencoder-25331717112514 (READ-ONLY COPY).

The authoritative reference and input builder live on the scoring server;
editing this copy changes nothing except your own understanding.
"""

import jax, jax.numpy as jnp
import numpy as np

N = 10000
E = 320000
D = 128
H = 128
BN_EPS = 1e-5


def setup_inputs(seed: int = 0) -> dict:
    key = jax.random.key(seed)
    ks = jax.random.split(key, 8)
    x = jax.random.normal(ks[0], (N, D), dtype=jnp.float32)
    edge_index = jax.random.randint(ks[1], (2, E), 0, N, dtype=jnp.int32)
    s = 1.0 / np.sqrt(D)
    W1 = jax.random.uniform(ks[2], (D, H), dtype=jnp.float32, minval=-s, maxval=s)
    W2 = jax.random.uniform(ks[3], (H, H), dtype=jnp.float32, minval=-s, maxval=s)
    W3 = jax.random.uniform(ks[4], (H, H), dtype=jnp.float32, minval=-s, maxval=s)
    b1 = jnp.zeros((H,), dtype=jnp.float32)
    b2 = jnp.zeros((H,), dtype=jnp.float32)
    b3 = jnp.zeros((H,), dtype=jnp.float32)
    g1 = jnp.ones((H,), dtype=jnp.float32)
    g2 = jnp.ones((H,), dtype=jnp.float32)
    g3 = jnp.ones((H,), dtype=jnp.float32)
    be1 = jnp.zeros((H,), dtype=jnp.float32)
    be2 = jnp.zeros((H,), dtype=jnp.float32)
    be3 = jnp.zeros((H,), dtype=jnp.float32)
    return {"x": x, "edge_index": edge_index, "W1": W1, "b1": b1, "g1": g1, "be1": be1,
            "W2": W2, "b2": b2, "g2": g2, "be2": be2, "W3": W3, "b3": b3, "g3": g3, "be3": be3}


def gcn_conv(x, src, dst, W, b):
    n = x.shape[0]
    h = x @ W
    ones = jnp.ones(src.shape[0], dtype=x.dtype)
    deg = jnp.zeros((n,), dtype=x.dtype).at[dst].add(ones)
    dis = jnp.where(deg > 0, jax.lax.rsqrt(jnp.maximum(deg, 1e-12)), 0.0)
    norm = dis[src] * dis[dst]
    msg = h[src] * norm[:, None]
    out = jax.ops.segment_sum(msg, dst, num_segments=n)
    return out + b


def batch_norm_eval(x, gamma, beta):
    # eval-mode BatchNorm1d with running_mean=0, running_var=1
    return (x / jnp.sqrt(1.0 + BN_EPS)) * gamma + beta


def reference(x, edge_index, W1, b1, g1, be1, W2, b2, g2, be2, W3, b3, g3, be3):
    n = x.shape[0]
    loop = jnp.arange(n, dtype=edge_index.dtype)
    src = jnp.concatenate([edge_index[0], loop])
    dst = jnp.concatenate([edge_index[1], loop])
    # layers[:-1]: conv -> bn -> relu -> dropout(eval=identity)
    h = gcn_conv(x, src, dst, W1, b1)
    h = jax.nn.relu(batch_norm_eval(h, g1, be1))
    h = gcn_conv(h, src, dst, W2, b2)
    h = jax.nn.relu(batch_norm_eval(h, g2, be2))
    # final layer: conv -> bn -> relu
    h = gcn_conv(h, src, dst, W3, b3)
    h = jax.nn.relu(batch_norm_eval(h, g3, be3))
    # batch is None: attention skipped; global mean pool over all nodes (one graph)
    graph_embedding = jnp.mean(h, axis=0, keepdims=True)
    return (h, graph_embedding)

if __name__ == "__main__":
    import jax
    _d = setup_inputs()
    print(jax.jit(kernel)(*tuple(_d.values())))

</pallas_src>

<mosaic_0001>
#map = affine_map<(d0, d1) -> (0, 0, 0)>
#map1 = affine_map<(d0, d1) -> (0, 0)>
module attributes {stable_mosaic.version = 14 : i64} {
  func.func @deg_kernel(%arg0: i32, %arg1: i32, %arg2: memref<32x125x80xi32, #tpu.memory_space<hbm>>, %arg3: memref<2x10000xf32, #tpu.memory_space<hbm>>, %arg4: memref<10000xf32, #tpu.memory_space<vmem_shared>>, %arg5: memref<125x80xi32, #tpu.memory_space<vmem>>, %arg6: memref<80xf32, #tpu.memory_space<vmem>>, %arg7: memref<10000xf32, #tpu.memory_space<vmem>>) attributes {dimension_semantics = [#tpu.dimension_semantics<core_parallel>, #tpu.dimension_semantics<subcore_parallel>], iteration_bounds = array<i64: 2, 16>, scalar_prefetch = 0 : i64, scratch_operands = 4 : i64, tpu.core_type = #tpu.core_type<sc_vector_subcore>, window_params = [{transform_indices = #map}, {transform_indices = #map1}]} {
    %mul3A = arith.constant 16 : i32
    %mul3A_0 = arith.muli %arg0, %mul3A : i32
    %add3A = arith.addi %mul3A_0, %arg1 : i32
    %broadcast_in_dim3A = arith.constant 1.000000e+00 : f32
    %broadcast_in_dim3A_1 = vector.broadcast %broadcast_in_dim3A : f32 to vector<16xf32>
    %swap3A = arith.constant 0 : index
    %swap3A_2 = tpu.vector_load %arg6[%swap3A] {strides = array<i32>} : memref<80xf32, #tpu.memory_space<vmem>>, vector<16xf32>,
    %swap3A_3 = vector.shape_cast %swap3A_2 : vector<16xf32> to vector<16xf32>
    %swap3A_4 = vector.shape_cast %broadcast_in_dim3A_1 : vector<16xf32> to vector<16xf32>
    tpu.vector_store %arg6[%swap3A], %swap3A_4 {strides = array<i32>} : memref<80xf32, #tpu.memory_space<vmem>>, vector<16xf32>,
    %broadcast_in_dim3A_5 = arith.constant 1.000000e+00 : f32
    %broadcast_in_dim3A_6 = vector.broadcast %broadcast_in_dim3A_5 : f32 to vector<16xf32>
    %swap3A_7 = arith.constant 16 : index
    %swap3A_8 = tpu.vector_load %arg6[%swap3A_7] {strides = array<i32>} : memref<80xf32, #tpu.memory_space<vmem>>, vector<16xf32>,
    %swap3A_9 = vector.shape_cast %swap3A_8 : vector<16xf32> to vector<16xf32>
    %swap3A_10 = vector.shape_cast %broadcast_in_dim3A_6 : vector<16xf32> to vector<16xf32>
    tpu.vector_store %arg6[%swap3A_7], %swap3A_10 {strides = array<i32>} : memref<80xf32, #tpu.memory_space<vmem>>, vector<16xf32>,
    %broadcast_in_dim3A_11 = arith.constant 1.000000e+00 : f32
    %broadcast_in_dim3A_12 = vector.broadcast %broadcast_in_dim3A_11 : f32 to vector<16xf32>
    %swap3A_13 = arith.constant 32 : index
    %swap3A_14 = tpu.vector_load %arg6[%swap3A_13] {strides = array<i32>} : memref<80xf32, #tpu.memory_space<vmem>>, vector<16xf32>,
    %swap3A_15 = vector.shape_cast %swap3A_14 : vector<16xf32> to vector<16xf32>
    %swap3A_16 = vector.shape_cast %broadcast_in_dim3A_12 : vector<16xf32> to vector<16xf32>
    tpu.vector_store %arg6[%swap3A_13], %swap3A_16 {strides = array<i32>} : memref<80xf32, #tpu.memory_space<vmem>>, vector<16xf32>,
    %broadcast_in_dim3A_17 = arith.constant 1.000000e+00 : f32
    %broadcast_in_dim3A_18 = vector.broadcast %broadcast_in_dim3A_17 : f32 to vector<16xf32>
    %swap3A_19 = arith.constant 48 : index
    %swap3A_20 = tpu.vector_load %arg6[%swap3A_19] {strides = array<i32>} : memref<80xf32, #tpu.memory_space<vmem>>, vector<16xf32>,
    %swap3A_21 = vector.shape_cast %swap3A_20 : vector<16xf32> to vector<16xf32>
    %swap3A_22 = vector.shape_cast %broadcast_in_dim3A_18 : vector<16xf32> to vector<16xf32>
    tpu.vector_store %arg6[%swap3A_19], %swap3A_22 {strides = array<i32>} : memref<80xf32, #tpu.memory_space<vmem>>, vector<16xf32>,
    %broadcast_in_dim3A_23 = arith.constant 1.000000e+00 : f32
    %broadcast_in_dim3A_24 = vector.broadcast %broadcast_in_dim3A_23 : f32 to vector<16xf32>
    %swap3A_25 = arith.constant 64 : index
    %swap3A_26 = tpu.vector_load %arg6[%swap3A_25] {strides = array<i32>} : memref<80xf32, #tpu.memory_space<vmem>>, vector<16xf32>,
    %swap3A_27 = vector.shape_cast %swap3A_26 : vector<16xf32> to vector<16xf32>
    %swap3A_28 = vector.shape_cast %broadcast_in_dim3A_24 : vector<16xf32> to vector<16xf32>
    tpu.vector_store %arg6[%swap3A_25], %swap3A_28 {strides = array<i32>} : memref<80xf32, #tpu.memory_space<vmem>>, vector<16xf32>,
    %eq3A = arith.constant 0 : i32
    %eq3A_29 = arith.cmpi eq, %arg1, %eq3A : i32
    %convert_element_type3A = arith.extui %eq3A_29 : i1 to i32
    %cond3A = arith.constant 0 : i32
    %cond3A_30 = arith.cmpi ne, %convert_element_type3A, %cond3A : i32
    scf.if %cond3A_30 {
      %scan3A_42 = arith.constant 0 : i32
      %scan3A_43 = arith.constant 0 : i32
      %scan3A_44 = arith.constant 625 : i32
      %scan3A_45 = arith.addi %scan3A_43, %scan3A_44 : i32
      %scan3A_46 = arith.constant 1 : i32
      scf.for %scan3A_48 = %scan3A_43 to %scan3A_45 step %scan3A_46  : i32 {
        %broadcast_in_dim3A_49 = arith.constant 0.000000e+00 : f32
        %broadcast_in_dim3A_50 = vector.broadcast %broadcast_in_dim3A_49 : f32 to vector<16xf32>
        %mul3A_51 = arith.constant 16 : i32
        %mul3A_52 = arith.muli %scan3A_48, %mul3A_51 : i32
        %swap3A_53 = arith.index_cast %mul3A_52 : i32 to index
        %swap3A_54 = tpu.vector_load %arg7[%swap3A_53] {strides = array<i32>} : memref<10000xf32, #tpu.memory_space<vmem>>, vector<16xf32>,
        %swap3A_55 = vector.shape_cast %swap3A_54 : vector<16xf32> to vector<16xf32>
        %swap3A_56 = vector.shape_cast %broadcast_in_dim3A_50 : vector<16xf32> to vector<16xf32>
        tpu.vector_store %arg7[%swap3A_53], %swap3A_56 {strides = array<i32>} : memref<10000xf32, #tpu.memory_space<vmem>>, vector<16xf32>,
      }
      %scan3A_47 = arith.constant 625 : i32
      "tpu.region"() ({
        %run_scoped3A = tpu.sem_alloc : memref<!tpu.dma_semaphore, #tpu.memory_space<semaphore_mem>>
        tpu.enqueue_dma source(%arg7 : memref<10000xf32, #tpu.memory_space<vmem>>) target(%arg4 : memref<10000xf32, #tpu.memory_space<vmem_shared>>) target_semaphore(%run_scoped3A : memref<!tpu.dma_semaphore, #tpu.memory_space<semaphore_mem>>)
        tpu.wait_dma2 semaphore(%run_scoped3A : memref<!tpu.dma_semaphore, #tpu.memory_space<semaphore_mem>>) src(%arg7 : memref<10000xf32, #tpu.memory_space<vmem>>) dst(%arg4 : memref<10000xf32, #tpu.memory_space<vmem_shared>>)
        tpu.yield
      }) : () -> ()
    } else {
    }
    %barrier3A = arith.constant 0 : index
    tpu.barrier barrier_id(%barrier3A)
    "tpu.region"() ({
      %run_scoped3A = tpu.sem_alloc : memref<!tpu.dma_semaphore, #tpu.memory_space<semaphore_mem>>
      %dma_start3A = arith.constant 0 : i32
      %dma_start3A_42 = arith.constant 0 : i32
      %dma_start3A_43 = tpu.memref_slice %arg2[%add3A, %dma_start3A, %dma_start3A_42] : memref<32x125x80xi32, #tpu.memory_space<hbm>> -> memref<1x125x80xi32, #tpu.memory_space<hbm>>
      %dma_start3A_44 = tpu.memref_squeeze %dma_start3A_43 : memref<1x125x80xi32, #tpu.memory_space<hbm>> -> memref<125x80xi32, #tpu.memory_space<hbm>>
      %dma_start3A_45 = arith.constant 0 : i32
      %dma_start3A_46 = arith.constant 0 : i32
      %dma_start3A_47 = tpu.memref_slice %arg2[%add3A, %dma_start3A_45, %dma_start3A_46] : memref<32x125x80xi32, #tpu.memory_space<hbm>> -> memref<1x125x80xi32, #tpu.memory_space<hbm>>
      %dma_start3A_48 = tpu.memref_squeeze %dma_start3A_47 : memref<1x125x80xi32, #tpu.memory_space<hbm>> -> memref<125x80xi32, #tpu.memory_space<hbm>>
      tpu.enqueue_dma source(%dma_start3A_48 : memref<125x80xi32, #tpu.memory_space<hbm>>) target(%arg5 : memref<125x80xi32, #tpu.memory_space<vmem>>) target_semaphore(%run_scoped3A : memref<!tpu.dma_semaphore, #tpu.memory_space<semaphore_mem>>)
      %dma_wait3A = arith.constant 0 : i32
      %dma_wait3A_49 = arith.constant 0 : i32
      %dma_wait3A_50 = tpu.memref_slice %arg2[%add3A, %dma_wait3A, %dma_wait3A_49] : memref<32x125x80xi32, #tpu.memory_space<hbm>> -> memref<1x125x80xi32, #tpu.memory_space<hbm>>
      %dma_wait3A_51 = tpu.memref_squeeze %dma_wait3A_50 : memref<1x125x80xi32, #tpu.memory_space<hbm>> -> memref<125x80xi32, #tpu.memory_space<hbm>>
      %dma_wait3A_52 = arith.constant 0 : i32
      %dma_wait3A_53 = arith.constant 0 : i32
      %dma_wait3A_54 = tpu.memref_slice %arg2[%add3A, %dma_wait3A_52, %dma_wait3A_53] : memref<32x125x80xi32, #tpu.memory_space<hbm>> -> memref<1x125x80xi32, #tpu.memory_space<hbm>>
      %dma_wait3A_55 = tpu.memref_squeeze %dma_wait3A_54 : memref<1x125x80xi32, #tpu.memory_space<hbm>> -> memref<125x80xi32, #tpu.memory_space<hbm>>
      tpu.wait_dma2 semaphore(%run_scoped3A : memref<!tpu.dma_semaphore, #tpu.memory_space<semaphore_mem>>) src(%dma_wait3A_55 : memref<125x80xi32, #tpu.memory_space<hbm>>) dst(%arg5 : memref<125x80xi32, #tpu.memory_space<vmem>>)
      tpu.yield
    }) : () -> ()
    %scan3A = arith.constant 0 : i32
    %scan3A_31 = arith.constant 0 : i32
    %scan3A_32 = arith.constant 125 : i32
    %scan3A_33 = arith.addi %scan3A_31, %scan3A_32 : i32
    %scan3A_34 = arith.constant 1 : i32
    scf.for %scan3A_42 = %scan3A_31 to %scan3A_33 step %scan3A_34  : i32 {
      "tpu.region"() ({
        %run_scoped3A = tpu.sem_alloc : memref<!tpu.dma_semaphore, #tpu.memory_space<semaphore_mem>>
        %dma_start3A = arith.constant 0 : i32
        %dma_start3A_43 = tpu.memref_slice %arg5[%scan3A_42, %dma_start3A] : memref<125x80xi32, #tpu.memory_space<vmem>> -> memref<1x80xi32, #tpu.memory_space<vmem>>
        %dma_start3A_44 = tpu.memref_squeeze %dma_start3A_43 : memref<1x80xi32, #tpu.memory_space<vmem>> -> memref<80xi32, #tpu.memory_space<vmem>>
        %dma_start3A_45 = arith.constant 0 : i32
        %dma_start3A_46 = tpu.memref_slice %arg4[%dma_start3A_45] : memref<10000xf32, #tpu.memory_space<vmem_shared>> -> memref<10000xf32, #tpu.memory_space<vmem_shared>>
        tpu.enqueue_indirect_dma source(%arg6 : memref<80xf32, #tpu.memory_space<vmem>>) target(%dma_start3A_46 : memref<10000xf32, #tpu.memory_space<vmem_shared>>) offsets(%dma_start3A_44 : memref<80xi32, #tpu.memory_space<vmem>>) semaphore(%run_scoped3A : memref<!tpu.dma_semaphore, #tpu.memory_space<semaphore_mem>>) {add = true}
        %dma_wait3A = arith.constant 0 : i32
        %dma_wait3A_47 = tpu.memref_slice %arg5[%scan3A_42, %dma_wait3A] : memref<125x80xi32, #tpu.memory_space<vmem>> -> memref<1x80xi32, #tpu.memory_space<vmem>>
        %dma_wait3A_48 = tpu.memref_squeeze %dma_wait3A_47 : memref<1x80xi32, #tpu.memory_space<vmem>> -> memref<80xi32, #tpu.memory_space<vmem>>
        %dma_wait3A_49 = arith.constant 0 : i32
        %dma_wait3A_50 = tpu.memref_slice %arg4[%dma_wait3A_49] : memref<10000xf32, #tpu.memory_space<vmem_shared>> -> memref<10000xf32, #tpu.memory_space<vmem_shared>>
        tpu.wait_indirect_dma semaphore(%run_scoped3A : memref<!tpu.dma_semaphore, #tpu.memory_space<semaphore_mem>>) src(%arg6 : memref<80xf32, #tpu.memory_space<vmem>>) dst(%dma_wait3A_50 : memref<10000xf32, #tpu.memory_space<vmem_shared>>)
        tpu.yield
      }) : () -> ()
    }
    %scan3A_35 = arith.constant 125 : i32
    %barrier3A_36 = arith.constant 0 : index
    tpu.barrier barrier_id(%barrier3A_36)
    %eq3A_37 = arith.constant 0 : i32
    %eq3A_38 = arith.cmpi eq, %arg1, %eq3A_37 : i32
    %convert_element_type3A_39 = arith.extui %eq3A_38 : i1 to i32
    %cond3A_40 = arith.constant 0 : i32
    %cond3A_41 = arith.cmpi ne, %convert_element_type3A_39, %cond3A_40 : i32
    scf.if %cond3A_41 {
      "tpu.region"() ({
        %run_scoped3A = tpu.sem_alloc : memref<!tpu.dma_semaphore, #tpu.memory_space<semaphore_mem>>
        %dma_start3A = arith.constant 0 : i32
        %dma_start3A_42 = tpu.memref_slice %arg3[%arg0, %dma_start3A] : memref<2x10000xf32, #tpu.memory_space<hbm>> -> memref<1x10000xf32, #tpu.memory_space<hbm>>
        %dma_start3A_43 = tpu.memref_squeeze %dma_start3A_42 : memref<1x10000xf32, #tpu.memory_space<hbm>> -> memref<10000xf32, #tpu.memory_space<hbm>>
        tpu.enqueue_dma source(%arg4 : memref<10000xf32, #tpu.memory_space<vmem_shared>>) target(%dma_start3A_43 : memref<10000xf32, #tpu.memory_space<hbm>>) target_semaphore(%run_scoped3A : memref<!tpu.dma_semaphore, #tpu.memory_space<semaphore_mem>>)
        %dma_wait3A = arith.constant 0 : i32
        %dma_wait3A_44 = tpu.memref_slice %arg3[%arg0, %dma_wait3A] : memref<2x10000xf32, #tpu.memory_space<hbm>> -> memref<1x10000xf32, #tpu.memory_space<hbm>>
        %dma_wait3A_45 = tpu.memref_squeeze %dma_wait3A_44 : memref<1x10000xf32, #tpu.memory_space<hbm>> -> memref<10000xf32, #tpu.memory_space<hbm>>
        tpu.wait_dma2 semaphore(%run_scoped3A : memref<!tpu.dma_semaphore, #tpu.memory_space<semaphore_mem>>) src(%arg4 : memref<10000xf32, #tpu.memory_space<vmem_shared>>) dst(%dma_wait3A_45 : memref<10000xf32, #tpu.memory_space<hbm>>)
        tpu.yield
      }) : () -> ()
    } else {
    }
    return
  }
}

#map = affine_map<(d0, d1) -> (0, 0)>
#map1 = affine_map<(d0, d1) -> (0)>
#map2 = affine_map<(d0, d1) -> (0, 0, 0)>
module attributes {stable_mosaic.version = 14 : i64} {
  func.func @scatter_kernel(%arg0: i32, %arg1: i32, %arg2: memref<10000x128xf32, #tpu.memory_space<hbm>>, %arg3: memref<320000xi32, #tpu.memory_space<hbm>>, %arg4: memref<320000xi32, #tpu.memory_space<hbm>>, %arg5: memref<2x10000x128xf32, #tpu.memory_space<hbm>>, %arg6: memref<10000x128xf32, #tpu.memory_space<vmem_shared>>, %arg7: memref<10000xi32, #tpu.memory_space<vmem>>, %arg8: memref<10000xi32, #tpu.memory_space<vmem>>, %arg9: memref<80x128xf32, #tpu.memory_space<vmem>>, %arg10: memref<80x128xf32, #tpu.memory_space<vmem>>, %arg11: memref<80x128xf32, #tpu.memory_space<vmem>>, %arg12: memref<!tpu.dma_semaphore, #tpu.memory_space<semaphore_mem>>, %arg13: memref<!tpu.dma_semaphore, #tpu.memory_space<semaphore_mem>>, %arg14: memref<!tpu.dma_semaphore, #tpu.memory_space<semaphore_mem>>) attributes {dimension_semantics = [#tpu.dimension_semantics<core_parallel>, #tpu.dimension_semantics<subcore_parallel>], iteration_bounds = array<i64: 2, 16>, scalar_prefetch = 0 : i64, scratch_operands = 9 : i64, tpu.core_type = #tpu.core_type<sc_vector_subcore>, window_params = [{transform_indices = #map}, {transform_indices = #map1}, {transform_indices = #map1}, {transform_indices = #map2}]} {
    %mul3A = arith.constant 16 : i32
    %mul3A_0 = arith.muli %arg0, %mul3A : i32
    %add3A = arith.addi %mul3A_0, %arg1 : i32
    %mul3A_1 = arith.constant 624 : i32
    %mul3A_2 = arith.muli %arg1, %mul3A_1 : i32
    %mul3A_3 = arith.constant 624 : i32
    %mul3A_4 = arith.muli %arg1, %mul3A_3 : i32
    "tpu.region"() ({
      %run_scoped3A = tpu.sem_alloc : memref<!tpu.dma_semaphore, #tpu.memory_space<semaphore_mem>>
      %dma_start3A_51 = arith.constant 0 : i32
      %dma_start3A_52 = tpu.memref_slice %arg6[%mul3A_4, %dma_start3A_51] : memref<10000x128xf32, #tpu.memory_space<vmem_shared>> -> memref<624x128xf32, #tpu.memory_space<vmem_shared>>
      %dma_start3A_53 = arith.constant 0 : i32
      %dma_start3A_54 = tpu.memref_slice %arg2[%mul3A_2, %dma_start3A_53] : memref<10000x128xf32, #tpu.memory_space<hbm>> -> memref<624x128xf32, #tpu.memory_space<hbm>>
      tpu.enqueue_dma source(%dma_start3A_54 : memref<624x128xf32, #tpu.memory_space<hbm>>) target(%dma_start3A_52 : memref<624x128xf32, #tpu.memory_space<vmem_shared>>) target_semaphore(%run_scoped3A : memref<!tpu.dma_semaphore, #tpu.memory_space<semaphore_mem>>)
      %dma_wait3A_55 = arith.constant 0 : i32
      %dma_wait3A_56 = tpu.memref_slice %arg6[%mul3A_4, %dma_wait3A_55] : memref<10000x128xf32, #tpu.memory_space<vmem_shared>> -> memref<624x128xf32, #tpu.memory_space<vmem_shared>>
      %dma_wait3A_57 = arith.constant 0 : i32
      %dma_wait3A_58 = tpu.memref_slice %arg2[%mul3A_2, %dma_wait3A_57] : memref<10000x128xf32, #tpu.memory_space<hbm>> -> memref<624x128xf32, #tpu.memory_space<hbm>>
      tpu.wait_dma2 semaphore(%run_scoped3A : memref<!tpu.dma_semaphore, #tpu.memory_space<semaphore_mem>>) src(%dma_wait3A_58 : memref<624x128xf32, #tpu.memory_space<hbm>>) dst(%dma_wait3A_56 : memref<624x128xf32, #tpu.memory_space<vmem_shared>>)
      tpu.yield
    }) : () -> ()
    %eq3A = arith.constant 0 : i32
    %eq3A_5 = arith.cmpi eq, %arg1, %eq3A : i32
    %convert_element_type3A = arith.extui %eq3A_5 : i1 to i32
    %cond3A = arith.constant 0 : i32
    %cond3A_6 = arith.cmpi ne, %convert_element_type3A, %cond3A : i32
    scf.if %cond3A_6 {
      "tpu.region"() ({
        %run_scoped3A = tpu.sem_alloc : memref<!tpu.dma_semaphore, #tpu.memory_space<semaphore_mem>>
        %dma_start3A_51 = arith.constant 9984 : i32
        %dma_start3A_52 = arith.constant 0 : i32
        %dma_start3A_53 = tpu.memref_slice %arg6[%dma_start3A_51, %dma_start3A_52] : memref<10000x128xf32, #tpu.memory_space<vmem_shared>> -> memref<16x128xf32, #tpu.memory_space<vmem_shared>>
        %dma_start3A_54 = arith.constant 9984 : i32
        %dma_start3A_55 = arith.constant 0 : i32
        %dma_start3A_56 = tpu.memref_slice %arg2[%dma_start3A_54, %dma_start3A_55] : memref<10000x128xf32, #tpu.memory_space<hbm>> -> memref<16x128xf32, #tpu.memory_space<hbm>>
        tpu.enqueue_dma source(%dma_start3A_56 : memref<16x128xf32, #tpu.memory_space<hbm>>) target(%dma_start3A_53 : memref<16x128xf32, #tpu.memory_space<vmem_shared>>) target_semaphore(%run_scoped3A : memref<!tpu.dma_semaphore, #tpu.memory_space<semaphore_mem>>)
        %dma_wait3A_57 = arith.constant 9984 : i32
        %dma_wait3A_58 = arith.constant 0 : i32
        %dma_wait3A_59 = tpu.memref_slice %arg6[%dma_wait3A_57, %dma_wait3A_58] : memref<10000x128xf32, #tpu.memory_space<vmem_shared>> -> memref<16x128xf32, #tpu.memory_space<vmem_shared>>
        %dma_wait3A_60 = arith.constant 9984 : i32
        %dma_wait3A_61 = arith.constant 0 : i32
        %dma_wait3A_62 = tpu.memref_slice %arg2[%dma_wait3A_60, %dma_wait3A_61] : memref<10000x128xf32, #tpu.memory_space<hbm>> -> memref<16x128xf32, #tpu.memory_space<hbm>>
        tpu.wait_dma2 semaphore(%run_scoped3A : memref<!tpu.dma_semaphore, #tpu.memory_space<semaphore_mem>>) src(%dma_wait3A_62 : memref<16x128xf32, #tpu.memory_space<hbm>>) dst(%dma_wait3A_59 : memref<16x128xf32, #tpu.memory_space<vmem_shared>>)
        tpu.yield
      }) : () -> ()
    } else {
    }
    %barrier3A = arith.constant 0 : index
    tpu.barrier barrier_id(%barrier3A)
    %mul3A_7 = arith.constant 10000 : i32
    %mul3A_8 = arith.muli %add3A, %mul3A_7 : i32
    "tpu.region"() ({
      %run_scoped3A = tpu.sem_alloc : memref<!tpu.dma_semaphore, #tpu.memory_space<semaphore_mem>>
      %dma_start3A_51 = tpu.memref_slice %arg3[%mul3A_8] : memref<320000xi32, #tpu.memory_space<hbm>> -> memref<10000xi32, #tpu.memory_space<hbm>>
      %dma_start3A_52 = tpu.memref_slice %arg3[%mul3A_8] : memref<320000xi32, #tpu.memory_space<hbm>> -> memref<10000xi32, #tpu.memory_space<hbm>>
      tpu.enqueue_dma source(%dma_start3A_52 : memref<10000xi32, #tpu.memory_space<hbm>>) target(%arg7 : memref<10000xi32, #tpu.memory_space<vmem>>) target_semaphore(%run_scoped3A : memref<!tpu.dma_semaphore, #tpu.memory_space<semaphore_mem>>)
      %dma_wait3A_53 = tpu.memref_slice %arg3[%mul3A_8] : memref<320000xi32, #tpu.memory_space<hbm>> -> memref<10000xi32, #tpu.memory_space<hbm>>
      %dma_wait3A_54 = tpu.memref_slice %arg3[%mul3A_8] : memref<320000xi32, #tpu.memory_space<hbm>> -> memref<10000xi32, #tpu.memory_space<hbm>>
      tpu.wait_dma2 semaphore(%run_scoped3A : memref<!tpu.dma_semaphore, #tpu.memory_space<semaphore_mem>>) src(%dma_wait3A_54 : memref<10000xi32, #tpu.memory_space<hbm>>) dst(%arg7 : memref<10000xi32, #tpu.memory_space<vmem>>)
      tpu.yield
    }) : () -> ()
    %mul3A_9 = arith.constant 10000 : i32
    %mul3A_10 = arith.muli %add3A, %mul3A_9 : i32
    "tpu.region"() ({
      %run_scoped3A = tpu.sem_alloc : memref<!tpu.dma_semaphore, #tpu.memory_space<semaphore_mem>>
      %dma_start3A_51 = tpu.memref_slice %arg4[%mul3A_10] : memref<320000xi32, #tpu.memory_space<hbm>> -> memref<10000xi32, #tpu.memory_space<hbm>>
      %dma_start3A_52 = tpu.memref_slice %arg4[%mul3A_10] : memref<320000xi32, #tpu.memory_space<hbm>> -> memref<10000xi32, #tpu.memory_space<hbm>>
      tpu.enqueue_dma source(%dma_start3A_52 : memref<10000xi32, #tpu.memory_space<hbm>>) target(%arg8 : memref<10000xi32, #tpu.memory_space<vmem>>) target_semaphore(%run_scoped3A : memref<!tpu.dma_semaphore, #tpu.memory_space<semaphore_mem>>)
      %dma_wait3A_53 = tpu.memref_slice %arg4[%mul3A_10] : memref<320000xi32, #tpu.memory_space<hbm>> -> memref<10000xi32, #tpu.memory_space<hbm>>
      %dma_wait3A_54 = tpu.memref_slice %arg4[%mul3A_10] : memref<320000xi32, #tpu.memory_space<hbm>> -> memref<10000xi32, #tpu.memory_space<hbm>>
      tpu.wait_dma2 semaphore(%run_scoped3A : memref<!tpu.dma_semaphore, #tpu.memory_space<semaphore_mem>>) src(%dma_wait3A_54 : memref<10000xi32, #tpu.memory_space<hbm>>) dst(%arg8 : memref<10000xi32, #tpu.memory_space<vmem>>)
      tpu.yield
    }) : () -> ()
    %multiple_of3A = arith.constant 0 : i32
    %multiple_of3A_11 = tpu.assume_multiple %multiple_of3A, 80 : i32
    %dma_start3A = tpu.memref_slice %arg7[%multiple_of3A_11] : memref<10000xi32, #tpu.memory_space<vmem>> -> memref<80xi32, #tpu.memory_space<vmem>>
    %dma_start3A_12 = arith.constant 0 : i32
    %dma_start3A_13 = arith.constant 0 : i32
    %dma_start3A_14 = tpu.memref_slice %arg2[%dma_start3A_12, %dma_start3A_13] : memref<10000x128xf32, #tpu.memory_space<hbm>> -> memref<10000x128xf32, #tpu.memory_space<hbm>>
    tpu.enqueue_indirect_dma source(%dma_start3A_14 : memref<10000x128xf32, #tpu.memory_space<hbm>>) target(%arg9 : memref<80x128xf32, #tpu.memory_space<vmem>>) offsets(%dma_start3A : memref<80xi32, #tpu.memory_space<vmem>>) semaphore(%arg12 : memref<!tpu.dma_semaphore, #tpu.memory_space<semaphore_mem>>)
    %multiple_of3A_15 = arith.constant 80 : i32
    %multiple_of3A_16 = tpu.assume_multiple %multiple_of3A_15, 80 : i32
    %dma_start3A_17 = tpu.memref_slice %arg7[%multiple_of3A_16] : memref<10000xi32, #tpu.memory_space<vmem>> -> memref<80xi32, #tpu.memory_space<vmem>>
    %dma_start3A_18 = arith.constant 0 : i32
    %dma_start3A_19 = arith.constant 0 : i32
    %dma_start3A_20 = tpu.memref_slice %arg2[%dma_start3A_18, %dma_start3A_19] : memref<10000x128xf32, #tpu.memory_space<hbm>> -> memref<10000x128xf32, #tpu.memory_space<hbm>>
    tpu.enqueue_indirect_dma source(%dma_start3A_20 : memref<10000x128xf32, #tpu.memory_space<hbm>>) target(%arg10 : memref<80x128xf32, #tpu.memory_space<vmem>>) offsets(%dma_start3A_17 : memref<80xi32, #tpu.memory_space<vmem>>) semaphore(%arg13 : memref<!tpu.dma_semaphore, #tpu.memory_space<semaphore_mem>>)
    %scan3A = arith.constant 0 : i32
    %scan3A_21 = arith.constant 0 : i32
    %scan3A_22 = arith.constant 41 : i32
    %scan3A_23 = arith.addi %scan3A_21, %scan3A_22 : i32
    %scan3A_24 = arith.constant 1 : i32
    scf.for %scan3A_51 = %scan3A_21 to %scan3A_23 step %scan3A_24  : i32 {
      %mul3A_52 = arith.constant 3 : i32
      %mul3A_53 = arith.muli %mul3A_52, %scan3A_51 : i32
      %add3A_54 = arith.constant 2 : i32
      %add3A_55 = arith.addi %mul3A_53, %add3A_54 : i32
      %mul3A_56 = arith.constant 80 : i32
      %mul3A_57 = arith.muli %add3A_55, %mul3A_56 : i32
      %multiple_of3A_58 = tpu.assume_multiple %mul3A_57, 80 : i32
      %dma_start3A_59 = tpu.memref_slice %arg7[%multiple_of3A_58] : memref<10000xi32, #tpu.memory_space<vmem>> -> memref<80xi32, #tpu.memory_space<vmem>>
      %dma_start3A_60 = arith.constant 0 : i32
      %dma_start3A_61 = arith.constant 0 : i32
      %dma_start3A_62 = tpu.memref_slice %arg2[%dma_start3A_60, %dma_start3A_61] : memref<10000x128xf32, #tpu.memory_space<hbm>> -> memref<10000x128xf32, #tpu.memory_space<hbm>>
      tpu.enqueue_indirect_dma source(%dma_start3A_62 : memref<10000x128xf32, #tpu.memory_space<hbm>>) target(%arg11 : memref<80x128xf32, #tpu.memory_space<vmem>>) offsets(%dma_start3A_59 : memref<80xi32, #tpu.memory_space<vmem>>) semaphore(%arg14 : memref<!tpu.dma_semaphore, #tpu.memory_space<semaphore_mem>>)
      %dma_wait3A_63 = arith.constant 0 : i32
      %dma_wait3A_64 = arith.constant 0 : i32
      %dma_wait3A_65 = tpu.memref_slice %arg2[%dma_wait3A_63, %dma_wait3A_64] : memref<10000x128xf32, #tpu.memory_space<hbm>> -> memref<80x128xf32, #tpu.memory_space<hbm>>
      %dma_wait3A_66 = arith.constant 0 : i32
      %dma_wait3A_67 = arith.constant 0 : i32
      %dma_wait3A_68 = tpu.memref_slice %arg2[%dma_wait3A_66, %dma_wait3A_67] : memref<10000x128xf32, #tpu.memory_space<hbm>> -> memref<80x128xf32, #tpu.memory_space<hbm>>
      tpu.wait_dma2 semaphore(%arg12 : memref<!tpu.dma_semaphore, #tpu.memory_space<semaphore_mem>>) src(%dma_wait3A_68 : memref<80x128xf32, #tpu.memory_space<hbm>>) dst(%arg9 : memref<80x128xf32, #tpu.memory_space<vmem>>)
      %mul3A_69 = arith.constant 80 : i32
      %mul3A_70 = arith.muli %mul3A_53, %mul3A_69 : i32
      %multiple_of3A_71 = tpu.assume_multiple %mul3A_70, 80 : i32
      "tpu.region"() ({
        %run_scoped3A = tpu.sem_alloc : memref<!tpu.dma_semaphore, #tpu.memory_space<semaphore_mem>>
        %dma_start3A_112 = tpu.memref_slice %arg8[%multiple_of3A_71] : memref<10000xi32, #tpu.memory_space<vmem>> -> memref<80xi32, #tpu.memory_space<vmem>>
        %dma_start3A_113 = arith.constant 0 : i32
        %dma_start3A_114 = arith.constant 0 : i32
        %dma_start3A_115 = tpu.memref_slice %arg6[%dma_start3A_113, %dma_start3A_114] : memref<10000x128xf32, #tpu.memory_space<vmem_shared>> -> memref<10000x128xf32, #tpu.memory_space<vmem_shared>>
        tpu.enqueue_indirect_dma source(%arg9 : memref<80x128xf32, #tpu.memory_space<vmem>>) target(%dma_start3A_115 : memref<10000x128xf32, #tpu.memory_space<vmem_shared>>) offsets(%dma_start3A_112 : memref<80xi32, #tpu.memory_space<vmem>>) semaphore(%run_scoped3A : memref<!tpu.dma_semaphore, #tpu.memory_space<semaphore_mem>>) {add = true}
        %dma_wait3A_116 = tpu.memref_slice %arg8[%multiple_of3A_71] : memref<10000xi32, #tpu.memory_space<vmem>> -> memref<80xi32, #tpu.memory_space<vmem>>
        %dma_wait3A_117 = arith.constant 0 : i32
        %dma_wait3A_118 = arith.constant 0 : i32
        %dma_wait3A_119 = tpu.memref_slice %arg6[%dma_wait3A_117, %dma_wait3A_118] : memref<10000x128xf32, #tpu.memory_space<vmem_shared>> -> memref<10000x128xf32, #tpu.memory_space<vmem_shared>>
        tpu.wait_indirect_dma semaphore(%run_scoped3A : memref<!tpu.dma_semaphore, #tpu.memory_space<semaphore_mem>>) src(%arg9 : memref<80x128xf32, #tpu.memory_space<vmem>>) dst(%dma_wait3A_119 : memref<10000x128xf32, #tpu.memory_space<vmem_shared>>)
        tpu.yield
      }) : () -> ()
      %add3A_72 = arith.constant 3 : i32
      %add3A_73 = arith.addi %mul3A_53, %add3A_72 : i32
      %mul3A_74 = arith.constant 80 : i32
      %mul3A_75 = arith.muli %add3A_73, %mul3A_74 : i32
      %multiple_of3A_76 = tpu.assume_multiple %mul3A_75, 80 : i32
      %dma_start3A_77 = tpu.memref_slice %arg7[%multiple_of3A_76] : memref<10000xi32, #tpu.memory_space<vmem>> -> memref<80xi32, #tpu.memory_space<vmem>>
      %dma_start3A_78 = arith.constant 0 : i32
      %dma_start3A_79 = arith.constant 0 : i32
      %dma_start3A_80 = tpu.memref_slice %arg2[%dma_start3A_78, %dma_start3A_79] : memref<10000x128xf32, #tpu.memory_space<hbm>> -> memref<10000x128xf32, #tpu.memory_space<hbm>>
      tpu.enqueue_indirect_dma source(%dma_start3A_80 : memref<10000x128xf32, #tpu.memory_space<hbm>>) target(%arg9 : memref<80x128xf32, #tpu.memory_space<vmem>>) offsets(%dma_start3A_77 : memref<80xi32, #tpu.memory_space<vmem>>) semaphore(%arg12 : memref<!tpu.dma_semaphore, #tpu.memory_space<semaphore_mem>>)
      %dma_wait3A_81 = arith.constant 0 : i32
      %dma_wait3A_82 = arith.constant 0 : i32
      %dma_wait3A_83 = tpu.memref_slice %arg2[%dma_wait3A_81, %dma_wait3A_82] : memref<10000x128xf32, #tpu.memory_space<hbm>> -> memref<80x128xf32, #tpu.memory_space<hbm>>
      %dma_wait3A_84 = arith.constant 0 : i32
      %dma_wait3A_85 = arith.constant 0 : i32
      %dma_wait3A_86 = tpu.memref_slice %arg2[%dma_wait3A_84, %dma_wait3A_85] : memref<10000x128xf32, #tpu.memory_space<hbm>> -> memref<80x128xf32, #tpu.memory_space<hbm>>
      tpu.wait_dma2 semaphore(%arg13 : memref<!tpu.dma_semaphore, #tpu.memory_space<semaphore_mem>>) src(%dma_wait3A_86 : memref<80x128xf32, #tpu.memory_space<hbm>>) dst(%arg10 : memref<80x128xf32, #tpu.memory_space<vmem>>)
      %add3A_87 = arith.constant 1 : i32
      %add3A_88 = arith.addi %mul3A_53, %add3A_87 : i32
      %mul3A_89 = arith.constant 80 : i32
      %mul3A_90 = arith.muli %add3A_88, %mul3A_89 : i32
      %multiple_of3A_91 = tpu.assume_multiple %mul3A_90, 80 : i32
      "tpu.region"() ({
        %run_scoped3A = tpu.sem_alloc : memref<!tpu.dma_semaphore, #tpu.memory_space<semaphore_mem>>
        %dma_start3A_112 = tpu.memref_slice %arg8[%multiple_of3A_91] : memref<10000xi32, #tpu.memory_space<vmem>> -> memref<80xi32, #tpu.memory_space<vmem>>
        %dma_start3A_113 = arith.constant 0 : i32
        %dma_start3A_114 = arith.constant 0 : i32
        %dma_start3A_115 = tpu.memref_slice %arg6[%dma_start3A_113, %dma_start3A_114] : memref<10000x128xf32, #tpu.memory_space<vmem_shared>> -> memref<10000x128xf32, #tpu.memory_space<vmem_shared>>
        tpu.enqueue_indirect_dma source(%arg10 : memref<80x128xf32, #tpu.memory_space<vmem>>) target(%dma_start3A_115 : memref<10000x128xf32, #tpu.memory_space<vmem_shared>>) offsets(%dma_start3A_112 : memref<80xi32, #tpu.memory_space<vmem>>) semaphore(%run_scoped3A : memref<!tpu.dma_semaphore, #tpu.memory_space<semaphore_mem>>) {add = true}
        %dma_wait3A_116 = tpu.memref_slice %arg8[%multiple_of3A_91] : memref<10000xi32, #tpu.memory_space<vmem>> -> memref<80xi32, #tpu.memory_space<vmem>>
        %dma_wait3A_117 = arith.constant 0 : i32
        %dma_wait3A_118 = arith.constant 0 : i32
        %dma_wait3A_119 = tpu.memref_slice %arg6[%dma_wait3A_117, %dma_wait3A_118] : memref<10000x128xf32, #tpu.memory_space<vmem_shared>> -> memref<10000x128xf32, #tpu.memory_space<vmem_shared>>
        tpu.wait_indirect_dma semaphore(%run_scoped3A : memref<!tpu.dma_semaphore, #tpu.memory_space<semaphore_mem>>) src(%arg10 : memref<80x128xf32, #tpu.memory_space<vmem>>) dst(%dma_wait3A_119 : memref<10000x128xf32, #tpu.memory_space<vmem_shared>>)
        tpu.yield
      }) : () -> ()
      %add3A_92 = arith.constant 4 : i32
      %add3A_93 = arith.addi %mul3A_53, %add3A_92 : i32
      %mul3A_94 = arith.constant 80 : i32
      %mul3A_95 = arith.muli %add3A_93, %mul3A_94 : i32
      %multiple_of3A_96 = tpu.assume_multiple %mul3A_95, 80 : i32
      %dma_start3A_97 = tpu.memref_slice %arg7[%multiple_of3A_96] : memref<10000xi32, #tpu.memory_space<vmem>> -> memref<80xi32, #tpu.memory_space<vmem>>
      %dma_start3A_98 = arith.constant 0 : i32
      %dma_start3A_99 = arith.constant 0 : i32
      %dma_start3A_100 = tpu.memref_slice %arg2[%dma_start3A_98, %dma_start3A_99] : memref<10000x128xf32, #tpu.memory_space<hbm>> -> memref<10000x128xf32, #tpu.memory_space<hbm>>
      tpu.enqueue_indirect_dma source(%dma_start3A_100 : memref<10000x128xf32, #tpu.memory_space<hbm>>) target(%arg10 : memref<80x128xf32, #tpu.memory_space<vmem>>) offsets(%dma_start3A_97 : memref<80xi32, #tpu.memory_space<vmem>>) semaphore(%arg13 : memref<!tpu.dma_semaphore, #tpu.memory_space<semaphore_mem>>)
      %dma_wait3A_101 = arith.constant 0 : i32
      %dma_wait3A_102 = arith.constant 0 : i32
      %dma_wait3A_103 = tpu.memref_slice %arg2[%dma_wait3A_101, %dma_wait3A_102] : memref<10000x128xf32, #tpu.memory_space<hbm>> -> memref<80x128xf32, #tpu.memory_space<hbm>>
      %dma_wait3A_104 = arith.constant 0 : i32
      %dma_wait3A_105 = arith.constant 0 : i32
      %dma_wait3A_106 = tpu.memref_slice %arg2[%dma_wait3A_104, %dma_wait3A_105] : memref<10000x128xf32, #tpu.memory_space<hbm>> -> memref<80x128xf32, #tpu.memory_space<hbm>>
      tpu.wait_dma2 semaphore(%arg14 : memref<!tpu.dma_semaphore, #tpu.memory_space<semaphore_mem>>) src(%dma_wait3A_106 : memref<80x128xf32, #tpu.memory_space<hbm>>) dst(%arg11 : memref<80x128xf32, #tpu.memory_space<vmem>>)
      %add3A_107 = arith.constant 2 : i32
      %add3A_108 = arith.addi %mul3A_53, %add3A_107 : i32
      %mul3A_109 = arith.constant 80 : i32
      %mul3A_110 = arith.muli %add3A_108, %mul3A_109 : i32
      %multiple_of3A_111 = tpu.assume_multiple %mul3A_110, 80 : i32
      "tpu.region"() ({
        %run_scoped3A = tpu.sem_alloc : memref<!tpu.dma_semaphore, #tpu.memory_space<semaphore_mem>>
        %dma_start3A_112 = tpu.memref_slice %arg8[%multiple_of3A_111] : memref<10000xi32, #tpu.memory_space<vmem>> -> memref<80xi32, #tpu.memory_space<vmem>>
        %dma_start3A_113 = arith.constant 0 : i32
        %dma_start3A_114 = arith.constant 0 : i32
        %dma_start3A_115 = tpu.memref_slice %arg6[%dma_start3A_113, %dma_start3A_114] : memref<10000x128xf32, #tpu.memory_space<vmem_shared>> -> memref<10000x128xf32, #tpu.memory_space<vmem_shared>>
        tpu.enqueue_indirect_dma source(%arg11 : memref<80x128xf32, #tpu.memory_space<vmem>>) target(%dma_start3A_115 : memref<10000x128xf32, #tpu.memory_space<vmem_shared>>) offsets(%dma_start3A_112 : memref<80xi32, #tpu.memory_space<vmem>>) semaphore(%run_scoped3A : memref<!tpu.dma_semaphore, #tpu.memory_space<semaphore_mem>>) {add = true}
        %dma_wait3A_116 = tpu.memref_slice %arg8[%multiple_of3A_111] : memref<10000xi32, #tpu.memory_space<vmem>> -> memref<80xi32, #tpu.memory_space<vmem>>
        %dma_wait3A_117 = arith.constant 0 : i32
        %dma_wait3A_118 = arith.constant 0 : i32
        %dma_wait3A_119 = tpu.memref_slice %arg6[%dma_wait3A_117, %dma_wait3A_118] : memref<10000x128xf32, #tpu.memory_space<vmem_shared>> -> memref<10000x128xf32, #tpu.memory_space<vmem_shared>>
        tpu.wait_indirect_dma semaphore(%run_scoped3A : memref<!tpu.dma_semaphore, #tpu.memory_space<semaphore_mem>>) src(%arg11 : memref<80x128xf32, #tpu.memory_space<vmem>>) dst(%dma_wait3A_119 : memref<10000x128xf32, #tpu.memory_space<vmem_shared>>)
        tpu.yield
      }) : () -> ()
    }
    %scan3A_25 = arith.constant 41 : i32
    %dma_wait3A = arith.constant 0 : i32
    %dma_wait3A_26 = arith.constant 0 : i32
    %dma_wait3A_27 = tpu.memref_slice %arg2[%dma_wait3A, %dma_wait3A_26] : memref<10000x128xf32, #tpu.memory_space<hbm>> -> memref<80x128xf32, #tpu.memory_space<hbm>>
    %dma_wait3A_28 = arith.constant 0 : i32
    %dma_wait3A_29 = arith.constant 0 : i32
    %dma_wait3A_30 = tpu.memref_slice %arg2[%dma_wait3A_28, %dma_wait3A_29] : memref<10000x128xf32, #tpu.memory_space<hbm>> -> memref<80x128xf32, #tpu.memory_space<hbm>>
    tpu.wait_dma2 semaphore(%arg12 : memref<!tpu.dma_semaphore, #tpu.memory_space<semaphore_mem>>) src(%dma_wait3A_30 : memref<80x128xf32, #tpu.memory_space<hbm>>) dst(%arg9 : memref<80x128xf32, #tpu.memory_space<vmem>>)
    %multiple_of3A_31 = arith.constant 9840 : i32
    %multiple_of3A_32 = tpu.assume_multiple %multiple_of3A_31, 80 : i32
    "tpu.region"() ({
      %run_scoped3A = tpu.sem_alloc : memref<!tpu.dma_semaphore, #tpu.memory_space<semaphore_mem>>
      %dma_start3A_51 = tpu.memref_slice %arg8[%multiple_of3A_32] : memref<10000xi32, #tpu.memory_space<vmem>> -> memref<80xi32, #tpu.memory_space<vmem>>
      %dma_start3A_52 = arith.constant 0 : i32
      %dma_start3A_53 = arith.constant 0 : i32
      %dma_start3A_54 = tpu.memref_slice %arg6[%dma_start3A_52, %dma_start3A_53] : memref<10000x128xf32, #tpu.memory_space<vmem_shared>> -> memref<10000x128xf32, #tpu.memory_space<vmem_shared>>
      tpu.enqueue_indirect_dma source(%arg9 : memref<80x128xf32, #tpu.memory_space<vmem>>) target(%dma_start3A_54 : memref<10000x128xf32, #tpu.memory_space<vmem_shared>>) offsets(%dma_start3A_51 : memref<80xi32, #tpu.memory_space<vmem>>) semaphore(%run_scoped3A : memref<!tpu.dma_semaphore, #tpu.memory_space<semaphore_mem>>) {add = true}
      %dma_wait3A_55 = tpu.memref_slice %arg8[%multiple_of3A_32] : memref<10000xi32, #tpu.memory_space<vmem>> -> memref<80xi32, #tpu.memory_space<vmem>>
      %dma_wait3A_56 = arith.constant 0 : i32
      %dma_wait3A_57 = arith.constant 0 : i32
      %dma_wait3A_58 = tpu.memref_slice %arg6[%dma_wait3A_56, %dma_wait3A_57] : memref<10000x128xf32, #tpu.memory_space<vmem_shared>> -> memref<10000x128xf32, #tpu.memory_space<vmem_shared>>
      tpu.wait_indirect_dma semaphore(%run_scoped3A : memref<!tpu.dma_semaphore, #tpu.memory_space<semaphore_mem>>) src(%arg9 : memref<80x128xf32, #tpu.memory_space<vmem>>) dst(%dma_wait3A_58 : memref<10000x128xf32, #tpu.memory_space<vmem_shared>>)
      tpu.yield
    }) : () -> ()
    %dma_wait3A_33 = arith.constant 0 : i32
    %dma_wait3A_34 = arith.constant 0 : i32
    %dma_wait3A_35 = tpu.memref_slice %arg2[%dma_wait3A_33, %dma_wait3A_34] : memref<10000x128xf32, #tpu.memory_space<hbm>> -> memref<80x128xf32, #tpu.memory_space<hbm>>
    %dma_wait3A_36 = arith.constant 0 : i32
    %dma_wait3A_37 = arith.constant 0 : i32
    %dma_wait3A_38 = tpu.memref_slice %arg2[%dma_wait3A_36, %dma_wait3A_37] : memref<10000x128xf32, #tpu.memory_space<hbm>> -> memref<80x128xf32, #tpu.memory_space<hbm>>
    tpu.wait_dma2 semaphore(%arg13 : memref<!tpu.dma_semaphore, #tpu.memory_space<semaphore_mem>>) src(%dma_wait3A_38 : memref<80x128xf32, #tpu.memory_space<hbm>>) dst(%arg10 : memref<80x128xf32, #tpu.memory_space<vmem>>)
    %multiple_of3A_39 = arith.constant 9920 : i32
    %multiple_of3A_40 = tpu.assume_multiple %multiple_of3A_39, 80 : i32
    "tpu.region"() ({
      %run_scoped3A = tpu.sem_alloc : memref<!tpu.dma_semaphore, #tpu.memory_space<semaphore_mem>>
      %dma_start3A_51 = tpu.memref_slice %arg8[%multiple_of3A_40] : memref<10000xi32, #tpu.memory_space<vmem>> -> memref<80xi32, #tpu.memory_space<vmem>>
      %dma_start3A_52 = arith.constant 0 : i32
      %dma_start3A_53 = arith.constant 0 : i32
      %dma_start3A_54 = tpu.memref_slice %arg6[%dma_start3A_52, %dma_start3A_53] : memref<10000x128xf32, #tpu.memory_space<vmem_shared>> -> memref<10000x128xf32, #tpu.memory_space<vmem_shared>>
      tpu.enqueue_indirect_dma source(%arg10 : memref<80x128xf32, #tpu.memory_space<vmem>>) target(%dma_start3A_54 : memref<10000x128xf32, #tpu.memory_space<vmem_shared>>) offsets(%dma_start3A_51 : memref<80xi32, #tpu.memory_space<vmem>>) semaphore(%run_scoped3A : memref<!tpu.dma_semaphore, #tpu.memory_space<semaphore_mem>>) {add = true}
      %dma_wait3A_55 = tpu.memref_slice %arg8[%multiple_of3A_40] : memref<10000xi32, #tpu.memory_space<vmem>> -> memref<80xi32, #tpu.memory_space<vmem>>
      %dma_wait3A_56 = arith.constant 0 : i32
      %dma_wait3A_57 = arith.constant 0 : i32
      %dma_wait3A_58 = tpu.memref_slice %arg6[%dma_wait3A_56, %dma_wait3A_57] : memref<10000x128xf32, #tpu.memory_space<vmem_shared>> -> memref<10000x128xf32, #tpu.memory_space<vmem_shared>>
      tpu.wait_indirect_dma semaphore(%run_scoped3A : memref<!tpu.dma_semaphore, #tpu.memory_space<semaphore_mem>>) src(%arg10 : memref<80x128xf32, #tpu.memory_space<vmem>>) dst(%dma_wait3A_58 : memref<10000x128xf32, #tpu.memory_space<vmem_shared>>)
      tpu.yield
    }) : () -> ()
    %barrier3A_41 = arith.constant 0 : index
    tpu.barrier barrier_id(%barrier3A_41)
    %mul3A_42 = arith.constant 624 : i32
    %mul3A_43 = arith.muli %arg1, %mul3A_42 : i32
    %mul3A_44 = arith.constant 624 : i32
    %mul3A_45 = arith.muli %arg1, %mul3A_44 : i32
    "tpu.region"() ({
      %run_scoped3A = tpu.sem_alloc : memref<!tpu.dma_semaphore, #tpu.memory_space<semaphore_mem>>
      %dma_start3A_51 = arith.constant 0 : i32
      %dma_start3A_52 = tpu.memref_slice %arg5[%arg0, %mul3A_45, %dma_start3A_51] : memref<2x10000x128xf32, #tpu.memory_space<hbm>> -> memref<1x624x128xf32, #tpu.memory_space<hbm>>
      %dma_start3A_53 = tpu.memref_squeeze %dma_start3A_52 : memref<1x624x128xf32, #tpu.memory_space<hbm>> -> memref<624x128xf32, #tpu.memory_space<hbm>>
      %dma_start3A_54 = arith.constant 0 : i32
      %dma_start3A_55 = tpu.memref_slice %arg6[%mul3A_43, %dma_start3A_54] : memref<10000x128xf32, #tpu.memory_space<vmem_shared>> -> memref<624x128xf32, #tpu.memory_space<vmem_shared>>
      tpu.enqueue_dma source(%dma_start3A_55 : memref<624x128xf32, #tpu.memory_space<vmem_shared>>) target(%dma_start3A_53 : memref<624x128xf32, #tpu.memory_space<hbm>>) target_semaphore(%run_scoped3A : memref<!tpu.dma_semaphore, #tpu.memory_space<semaphore_mem>>)
      %dma_wait3A_56 = arith.constant 0 : i32
      %dma_wait3A_57 = tpu.memref_slice %arg5[%arg0, %mul3A_45, %dma_wait3A_56] : memref<2x10000x128xf32, #tpu.memory_space<hbm>> -> memref<1x624x128xf32, #tpu.memory_space<hbm>>
      %dma_wait3A_58 = tpu.memref_squeeze %dma_wait3A_57 : memref<1x624x128xf32, #tpu.memory_space<hbm>> -> memref<624x128xf32, #tpu.memory_space<hbm>>
      %dma_wait3A_59 = arith.constant 0 : i32
      %dma_wait3A_60 = tpu.memref_slice %arg6[%mul3A_43, %dma_wait3A_59] : memref<10000x128xf32, #tpu.memory_space<vmem_shared>> -> memref<624x128xf32, #tpu.memory_space<vmem_shared>>
      tpu.wait_dma2 semaphore(%run_scoped3A : memref<!tpu.dma_semaphore, #tpu.memory_space<semaphore_mem>>) src(%dma_wait3A_60 : memref<624x128xf32, #tpu.memory_space<vmem_shared>>) dst(%dma_wait3A_58 : memref<624x128xf32, #tpu.memory_space<hbm>>)
      tpu.yield
    }) : () -> ()
    %eq3A_46 = arith.constant 0 : i32
    %eq3A_47 = arith.cmpi eq, %arg1, %eq3A_46 : i32
    %convert_element_type3A_48 = arith.extui %eq3A_47 : i1 to i32
    %cond3A_49 = arith.constant 0 : i32
    %cond3A_50 = arith.cmpi ne, %convert_element_type3A_48, %cond3A_49 : i32
    scf.if %cond3A_50 {
      "tpu.region"() ({
        %run_scoped3A = tpu.sem_alloc : memref<!tpu.dma_semaphore, #tpu.memory_space<semaphore_mem>>
        %dma_start3A_51 = arith.constant 9984 : i32
        %dma_start3A_52 = arith.constant 0 : i32
        %dma_start3A_53 = tpu.memref_slice %arg5[%arg0, %dma_start3A_51, %dma_start3A_52] : memref<2x10000x128xf32, #tpu.memory_space<hbm>> -> memref<1x16x128xf32, #tpu.memory_space<hbm>>
        %dma_start3A_54 = tpu.memref_squeeze %dma_start3A_53 : memref<1x16x128xf32, #tpu.memory_space<hbm>> -> memref<16x128xf32, #tpu.memory_space<hbm>>
        %dma_start3A_55 = arith.constant 9984 : i32
        %dma_start3A_56 = arith.constant 0 : i32
        %dma_start3A_57 = tpu.memref_slice %arg6[%dma_start3A_55, %dma_start3A_56] : memref<10000x128xf32, #tpu.memory_space<vmem_shared>> -> memref<16x128xf32, #tpu.memory_space<vmem_shared>>
        tpu.enqueue_dma source(%dma_start3A_57 : memref<16x128xf32, #tpu.memory_space<vmem_shared>>) target(%dma_start3A_54 : memref<16x128xf32, #tpu.memory_space<hbm>>) target_semaphore(%run_scoped3A : memref<!tpu.dma_semaphore, #tpu.memory_space<semaphore_mem>>)
        %dma_wait3A_58 = arith.constant 9984 : i32
        %dma_wait3A_59 = arith.constant 0 : i32
        %dma_wait3A_60 = tpu.memref_slice %arg5[%arg0, %dma_wait3A_58, %dma_wait3A_59] : memref<2x10000x128xf32, #tpu.memory_space<hbm>> -> memref<1x16x128xf32, #tpu.memory_space<hbm>>
        %dma_wait3A_61 = tpu.memref_squeeze %dma_wait3A_60 : memref<1x16x128xf32, #tpu.memory_space<hbm>> -> memref<16x128xf32, #tpu.memory_space<hbm>>
        %dma_wait3A_62 = arith.constant 9984 : i32
        %dma_wait3A_63 = arith.constant 0 : i32
        %dma_wait3A_64 = tpu.memref_slice %arg6[%dma_wait3A_62, %dma_wait3A_63] : memref<10000x128xf32, #tpu.memory_space<vmem_shared>> -> memref<16x128xf32, #tpu.memory_space<vmem_shared>>
        tpu.wait_dma2 semaphore(%run_scoped3A : memref<!tpu.dma_semaphore, #tpu.memory_space<semaphore_mem>>) src(%dma_wait3A_64 : memref<16x128xf32, #tpu.memory_space<vmem_shared>>) dst(%dma_wait3A_61 : memref<16x128xf32, #tpu.memory_space<hbm>>)
        tpu.yield
      }) : () -> ()
    } else {
    }
    return
  }
}

#map = affine_map<(d0, d1) -> (0, 0)>
#map1 = affine_map<(d0, d1) -> (0)>
#map2 = affine_map<(d0, d1) -> (0, 0, 0)>
module attributes {stable_mosaic.version = 14 : i64} {
  func.func @scatter_kernel(%arg0: i32, %arg1: i32, %arg2: memref<10000x128xf32, #tpu.memory_space<hbm>>, %arg3: memref<320000xi32, #tpu.memory_space<hbm>>, %arg4: memref<320000xi32, #tpu.memory_space<hbm>>, %arg5: memref<2x10000x128xf32, #tpu.memory_space<hbm>>, %arg6: memref<10000x128xf32, #tpu.memory_space<vmem_shared>>, %arg7: memref<10000xi32, #tpu.memory_space<vmem>>, %arg8: memref<10000xi32, #tpu.memory_space<vmem>>, %arg9: memref<80x128xf32, #tpu.memory_space<vmem>>, %arg10: memref<80x128xf32, #tpu.memory_space<vmem>>, %arg11: memref<80x128xf32, #tpu.memory_space<vmem>>, %arg12: memref<!tpu.dma_semaphore, #tpu.memory_space<semaphore_mem>>, %arg13: memref<!tpu.dma_semaphore, #tpu.memory_space<semaphore_mem>>, %arg14: memref<!tpu.dma_semaphore, #tpu.memory_space<semaphore_mem>>) attributes {dimension_semantics = [#tpu.dimension_semantics<core_parallel>, #tpu.dimension_semantics<subcore_parallel>], iteration_bounds = array<i64: 2, 16>, scalar_prefetch = 0 : i64, scratch_operands = 9 : i64, tpu.core_type = #tpu.core_type<sc_vector_subcore>, window_params = [{transform_indices = #map}, {transform_indices = #map1}, {transform_indices = #map1}, {transform_indices = #map2}]} {
    %mul3A = arith.constant 16 : i32
    %mul3A_0 = arith.muli %arg0, %mul3A : i32
    %add3A = arith.addi %mul3A_0, %arg1 : i32
    %mul3A_1 = arith.constant 624 : i32
    %mul3A_2 = arith.muli %arg1, %mul3A_1 : i32
    %mul3A_3 = arith.constant 624 : i32
    %mul3A_4 = arith.muli %arg1, %mul3A_3 : i32
    "tpu.region"() ({
      %run_scoped3A = tpu.sem_alloc : memref<!tpu.dma_semaphore, #tpu.memory_space<semaphore_mem>>
      %dma_start3A_51 = arith.constant 0 : i32
      %dma_start3A_52 = tpu.memref_slice %arg6[%mul3A_4, %dma_start3A_51] : memref<10000x128xf32, #tpu.memory_space<vmem_shared>> -> memref<624x128xf32, #tpu.memory_space<vmem_shared>>
      %dma_start3A_53 = arith.constant 0 : i32
      %dma_start3A_54 = tpu.memref_slice %arg2[%mul3A_2, %dma_start3A_53] : memref<10000x128xf32, #tpu.memory_space<hbm>> -> memref<624x128xf32, #tpu.memory_space<hbm>>
      tpu.enqueue_dma source(%dma_start3A_54 : memref<624x128xf32, #tpu.memory_space<hbm>>) target(%dma_start3A_52 : memref<624x128xf32, #tpu.memory_space<vmem_shared>>) target_semaphore(%run_scoped3A : memref<!tpu.dma_semaphore, #tpu.memory_space<semaphore_mem>>)
      %dma_wait3A_55 = arith.constant 0 : i32
      %dma_wait3A_56 = tpu.memref_slice %arg6[%mul3A_4, %dma_wait3A_55] : memref<10000x128xf32, #tpu.memory_space<vmem_shared>> -> memref<624x128xf32, #tpu.memory_space<vmem_shared>>
      %dma_wait3A_57 = arith.constant 0 : i32
      %dma_wait3A_58 = tpu.memref_slice %arg2[%mul3A_2, %dma_wait3A_57] : memref<10000x128xf32, #tpu.memory_space<hbm>> -> memref<624x128xf32, #tpu.memory_space<hbm>>
      tpu.wait_dma2 semaphore(%run_scoped3A : memref<!tpu.dma_semaphore, #tpu.memory_space<semaphore_mem>>) src(%dma_wait3A_58 : memref<624x128xf32, #tpu.memory_space<hbm>>) dst(%dma_wait3A_56 : memref<624x128xf32, #tpu.memory_space<vmem_shared>>)
      tpu.yield
    }) : () -> ()
    %eq3A = arith.constant 0 : i32
    %eq3A_5 = arith.cmpi eq, %arg1, %eq3A : i32
    %convert_element_type3A = arith.extui %eq3A_5 : i1 to i32
    %cond3A = arith.constant 0 : i32
    %cond3A_6 = arith.cmpi ne, %convert_element_type3A, %cond3A : i32
    scf.if %cond3A_6 {
      "tpu.region"() ({
        %run_scoped3A = tpu.sem_alloc : memref<!tpu.dma_semaphore, #tpu.memory_space<semaphore_mem>>
        %dma_start3A_51 = arith.constant 9984 : i32
        %dma_start3A_52 = arith.constant 0 : i32
        %dma_start3A_53 = tpu.memref_slice %arg6[%dma_start3A_51, %dma_start3A_52] : memref<10000x128xf32, #tpu.memory_space<vmem_shared>> -> memref<16x128xf32, #tpu.memory_space<vmem_shared>>
        %dma_start3A_54 = arith.constant 9984 : i32
        %dma_start3A_55 = arith.constant 0 : i32
        %dma_start3A_56 = tpu.memref_slice %arg2[%dma_start3A_54, %dma_start3A_55] : memref<10000x128xf32, #tpu.memory_space<hbm>> -> memref<16x128xf32, #tpu.memory_space<hbm>>
        tpu.enqueue_dma source(%dma_start3A_56 : memref<16x128xf32, #tpu.memory_space<hbm>>) target(%dma_start3A_53 : memref<16x128xf32, #tpu.memory_space<vmem_shared>>) target_semaphore(%run_scoped3A : memref<!tpu.dma_semaphore, #tpu.memory_space<semaphore_mem>>)
        %dma_wait3A_57 = arith.constant 9984 : i32
        %dma_wait3A_58 = arith.constant 0 : i32
        %dma_wait3A_59 = tpu.memref_slice %arg6[%dma_wait3A_57, %dma_wait3A_58] : memref<10000x128xf32, #tpu.memory_space<vmem_shared>> -> memref<16x128xf32, #tpu.memory_space<vmem_shared>>
        %dma_wait3A_60 = arith.constant 9984 : i32
        %dma_wait3A_61 = arith.constant 0 : i32
        %dma_wait3A_62 = tpu.memref_slice %arg2[%dma_wait3A_60, %dma_wait3A_61] : memref<10000x128xf32, #tpu.memory_space<hbm>> -> memref<16x128xf32, #tpu.memory_space<hbm>>
        tpu.wait_dma2 semaphore(%run_scoped3A : memref<!tpu.dma_semaphore, #tpu.memory_space<semaphore_mem>>) src(%dma_wait3A_62 : memref<16x128xf32, #tpu.memory_space<hbm>>) dst(%dma_wait3A_59 : memref<16x128xf32, #tpu.memory_space<vmem_shared>>)
        tpu.yield
      }) : () -> ()
    } else {
    }
    %barrier3A = arith.constant 0 : index
    tpu.barrier barrier_id(%barrier3A)
    %mul3A_7 = arith.constant 10000 : i32
    %mul3A_8 = arith.muli %add3A, %mul3A_7 : i32
    "tpu.region"() ({
      %run_scoped3A = tpu.sem_alloc : memref<!tpu.dma_semaphore, #tpu.memory_space<semaphore_mem>>
      %dma_start3A_51 = tpu.memref_slice %arg3[%mul3A_8] : memref<320000xi32, #tpu.memory_space<hbm>> -> memref<10000xi32, #tpu.memory_space<hbm>>
      %dma_start3A_52 = tpu.memref_slice %arg3[%mul3A_8] : memref<320000xi32, #tpu.memory_space<hbm>> -> memref<10000xi32, #tpu.memory_space<hbm>>
      tpu.enqueue_dma source(%dma_start3A_52 : memref<10000xi32, #tpu.memory_space<hbm>>) target(%arg7 : memref<10000xi32, #tpu.memory_space<vmem>>) target_semaphore(%run_scoped3A : memref<!tpu.dma_semaphore, #tpu.memory_space<semaphore_mem>>)
      %dma_wait3A_53 = tpu.memref_slice %arg3[%mul3A_8] : memref<320000xi32, #tpu.memory_space<hbm>> -> memref<10000xi32, #tpu.memory_space<hbm>>
      %dma_wait3A_54 = tpu.memref_slice %arg3[%mul3A_8] : memref<320000xi32, #tpu.memory_space<hbm>> -> memref<10000xi32, #tpu.memory_space<hbm>>
      tpu.wait_dma2 semaphore(%run_scoped3A : memref<!tpu.dma_semaphore, #tpu.memory_space<semaphore_mem>>) src(%dma_wait3A_54 : memref<10000xi32, #tpu.memory_space<hbm>>) dst(%arg7 : memref<10000xi32, #tpu.memory_space<vmem>>)
      tpu.yield
    }) : () -> ()
    %mul3A_9 = arith.constant 10000 : i32
    %mul3A_10 = arith.muli %add3A, %mul3A_9 : i32
    "tpu.region"() ({
      %run_scoped3A = tpu.sem_alloc : memref<!tpu.dma_semaphore, #tpu.memory_space<semaphore_mem>>
      %dma_start3A_51 = tpu.memref_slice %arg4[%mul3A_10] : memref<320000xi32, #tpu.memory_space<hbm>> -> memref<10000xi32, #tpu.memory_space<hbm>>
      %dma_start3A_52 = tpu.memref_slice %arg4[%mul3A_10] : memref<320000xi32, #tpu.memory_space<hbm>> -> memref<10000xi32, #tpu.memory_space<hbm>>
      tpu.enqueue_dma source(%dma_start3A_52 : memref<10000xi32, #tpu.memory_space<hbm>>) target(%arg8 : memref<10000xi32, #tpu.memory_space<vmem>>) target_semaphore(%run_scoped3A : memref<!tpu.dma_semaphore, #tpu.memory_space<semaphore_mem>>)
      %dma_wait3A_53 = tpu.memref_slice %arg4[%mul3A_10] : memref<320000xi32, #tpu.memory_space<hbm>> -> memref<10000xi32, #tpu.memory_space<hbm>>
      %dma_wait3A_54 = tpu.memref_slice %arg4[%mul3A_10] : memref<320000xi32, #tpu.memory_space<hbm>> -> memref<10000xi32, #tpu.memory_space<hbm>>
      tpu.wait_dma2 semaphore(%run_scoped3A : memref<!tpu.dma_semaphore, #tpu.memory_space<semaphore_mem>>) src(%dma_wait3A_54 : memref<10000xi32, #tpu.memory_space<hbm>>) dst(%arg8 : memref<10000xi32, #tpu.memory_space<vmem>>)
      tpu.yield
    }) : () -> ()
    %multiple_of3A = arith.constant 0 : i32
    %multiple_of3A_11 = tpu.assume_multiple %multiple_of3A, 80 : i32
    %dma_start3A = tpu.memref_slice %arg7[%multiple_of3A_11] : memref<10000xi32, #tpu.memory_space<vmem>> -> memref<80xi32, #tpu.memory_space<vmem>>
    %dma_start3A_12 = arith.constant 0 : i32
    %dma_start3A_13 = arith.constant 0 : i32
    %dma_start3A_14 = tpu.memref_slice %arg2[%dma_start3A_12, %dma_start3A_13] : memref<10000x128xf32, #tpu.memory_space<hbm>> -> memref<10000x128xf32, #tpu.memory_space<hbm>>
    tpu.enqueue_indirect_dma source(%dma_start3A_14 : memref<10000x128xf32, #tpu.memory_space<hbm>>) target(%arg9 : memref<80x128xf32, #tpu.memory_space<vmem>>) offsets(%dma_start3A : memref<80xi32, #tpu.memory_space<vmem>>) semaphore(%arg12 : memref<!tpu.dma_semaphore, #tpu.memory_space<semaphore_mem>>)
    %multiple_of3A_15 = arith.constant 80 : i32
    %multiple_of3A_16 = tpu.assume_multiple %multiple_of3A_15, 80 : i32
    %dma_start3A_17 = tpu.memref_slice %arg7[%multiple_of3A_16] : memref<10000xi32, #tpu.memory_space<vmem>> -> memref<80xi32, #tpu.memory_space<vmem>>
    %dma_start3A_18 = arith.constant 0 : i32
    %dma_start3A_19 = arith.constant 0 : i32
    %dma_start3A_20 = tpu.memref_slice %arg2[%dma_start3A_18, %dma_start3A_19] : memref<10000x128xf32, #tpu.memory_space<hbm>> -> memref<10000x128xf32, #tpu.memory_space<hbm>>
    tpu.enqueue_indirect_dma source(%dma_start3A_20 : memref<10000x128xf32, #tpu.memory_space<hbm>>) target(%arg10 : memref<80x128xf32, #tpu.memory_space<vmem>>) offsets(%dma_start3A_17 : memref<80xi32, #tpu.memory_space<vmem>>) semaphore(%arg13 : memref<!tpu.dma_semaphore, #tpu.memory_space<semaphore_mem>>)
    %scan3A = arith.constant 0 : i32
    %scan3A_21 = arith.constant 0 : i32
    %scan3A_22 = arith.constant 41 : i32
    %scan3A_23 = arith.addi %scan3A_21, %scan3A_22 : i32
    %scan3A_24 = arith.constant 1 : i32
    scf.for %scan3A_51 = %scan3A_21 to %scan3A_23 step %scan3A_24  : i32 {
      %mul3A_52 = arith.constant 3 : i32
      %mul3A_53 = arith.muli %mul3A_52, %scan3A_51 : i32
      %add3A_54 = arith.constant 2 : i32
      %add3A_55 = arith.addi %mul3A_53, %add3A_54 : i32
      %mul3A_56 = arith.constant 80 : i32
      %mul3A_57 = arith.muli %add3A_55, %mul3A_56 : i32
      %multiple_of3A_58 = tpu.assume_multiple %mul3A_57, 80 : i32
      %dma_start3A_59 = tpu.memref_slice %arg7[%multiple_of3A_58] : memref<10000xi32, #tpu.memory_space<vmem>> -> memref<80xi32, #tpu.memory_space<vmem>>
      %dma_start3A_60 = arith.constant 0 : i32
      %dma_start3A_61 = arith.constant 0 : i32
      %dma_start3A_62 = tpu.memref_slice %arg2[%dma_start3A_60, %dma_start3A_61] : memref<10000x128xf32, #tpu.memory_space<hbm>> -> memref<10000x128xf32, #tpu.memory_space<hbm>>
      tpu.enqueue_indirect_dma source(%dma_start3A_62 : memref<10000x128xf32, #tpu.memory_space<hbm>>) target(%arg11 : memref<80x128xf32, #tpu.memory_space<vmem>>) offsets(%dma_start3A_59 : memref<80xi32, #tpu.memory_space<vmem>>) semaphore(%arg14 : memref<!tpu.dma_semaphore, #tpu.memory_space<semaphore_mem>>)
      %dma_wait3A_63 = arith.constant 0 : i32
      %dma_wait3A_64 = arith.constant 0 : i32
      %dma_wait3A_65 = tpu.memref_slice %arg2[%dma_wait3A_63, %dma_wait3A_64] : memref<10000x128xf32, #tpu.memory_space<hbm>> -> memref<80x128xf32, #tpu.memory_space<hbm>>
      %dma_wait3A_66 = arith.constant 0 : i32
      %dma_wait3A_67 = arith.constant 0 : i32
      %dma_wait3A_68 = tpu.memref_slice %arg2[%dma_wait3A_66, %dma_wait3A_67] : memref<10000x128xf32, #tpu.memory_space<hbm>> -> memref<80x128xf32, #tpu.memory_space<hbm>>
      tpu.wait_dma2 semaphore(%arg12 : memref<!tpu.dma_semaphore, #tpu.memory_space<semaphore_mem>>) src(%dma_wait3A_68 : memref<80x128xf32, #tpu.memory_space<hbm>>) dst(%arg9 : memref<80x128xf32, #tpu.memory_space<vmem>>)
      %mul3A_69 = arith.constant 80 : i32
      %mul3A_70 = arith.muli %mul3A_53, %mul3A_69 : i32
      %multiple_of3A_71 = tpu.assume_multiple %mul3A_70, 80 : i32
      "tpu.region"() ({
        %run_scoped3A = tpu.sem_alloc : memref<!tpu.dma_semaphore, #tpu.memory_space<semaphore_mem>>
        %dma_start3A_112 = tpu.memref_slice %arg8[%multiple_of3A_71] : memref<10000xi32, #tpu.memory_space<vmem>> -> memref<80xi32, #tpu.memory_space<vmem>>
        %dma_start3A_113 = arith.constant 0 : i32
        %dma_start3A_114 = arith.constant 0 : i32
        %dma_start3A_115 = tpu.memref_slice %arg6[%dma_start3A_113, %dma_start3A_114] : memref<10000x128xf32, #tpu.memory_space<vmem_shared>> -> memref<10000x128xf32, #tpu.memory_space<vmem_shared>>
        tpu.enqueue_indirect_dma source(%arg9 : memref<80x128xf32, #tpu.memory_space<vmem>>) target(%dma_start3A_115 : memref<10000x128xf32, #tpu.memory_space<vmem_shared>>) offsets(%dma_start3A_112 : memref<80xi32, #tpu.memory_space<vmem>>) semaphore(%run_scoped3A : memref<!tpu.dma_semaphore, #tpu.memory_space<semaphore_mem>>) {add = true}
        %dma_wait3A_116 = tpu.memref_slice %arg8[%multiple_of3A_71] : memref<10000xi32, #tpu.memory_space<vmem>> -> memref<80xi32, #tpu.memory_space<vmem>>
        %dma_wait3A_117 = arith.constant 0 : i32
        %dma_wait3A_118 = arith.constant 0 : i32
        %dma_wait3A_119 = tpu.memref_slice %arg6[%dma_wait3A_117, %dma_wait3A_118] : memref<10000x128xf32, #tpu.memory_space<vmem_shared>> -> memref<10000x128xf32, #tpu.memory_space<vmem_shared>>
        tpu.wait_indirect_dma semaphore(%run_scoped3A : memref<!tpu.dma_semaphore, #tpu.memory_space<semaphore_mem>>) src(%arg9 : memref<80x128xf32, #tpu.memory_space<vmem>>) dst(%dma_wait3A_119 : memref<10000x128xf32, #tpu.memory_space<vmem_shared>>)
        tpu.yield
      }) : () -> ()
      %add3A_72 = arith.constant 3 : i32
      %add3A_73 = arith.addi %mul3A_53, %add3A_72 : i32
      %mul3A_74 = arith.constant 80 : i32
      %mul3A_75 = arith.muli %add3A_73, %mul3A_74 : i32
      %multiple_of3A_76 = tpu.assume_multiple %mul3A_75, 80 : i32
      %dma_start3A_77 = tpu.memref_slice %arg7[%multiple_of3A_76] : memref<10000xi32, #tpu.memory_space<vmem>> -> memref<80xi32, #tpu.memory_space<vmem>>
      %dma_start3A_78 = arith.constant 0 : i32
      %dma_start3A_79 = arith.constant 0 : i32
      %dma_start3A_80 = tpu.memref_slice %arg2[%dma_start3A_78, %dma_start3A_79] : memref<10000x128xf32, #tpu.memory_space<hbm>> -> memref<10000x128xf32, #tpu.memory_space<hbm>>
      tpu.enqueue_indirect_dma source(%dma_start3A_80 : memref<10000x128xf32, #tpu.memory_space<hbm>>) target(%arg9 : memref<80x128xf32, #tpu.memory_space<vmem>>) offsets(%dma_start3A_77 : memref<80xi32, #tpu.memory_space<vmem>>) semaphore(%arg12 : memref<!tpu.dma_semaphore, #tpu.memory_space<semaphore_mem>>)
      %dma_wait3A_81 = arith.constant 0 : i32
      %dma_wait3A_82 = arith.constant 0 : i32
      %dma_wait3A_83 = tpu.memref_slice %arg2[%dma_wait3A_81, %dma_wait3A_82] : memref<10000x128xf32, #tpu.memory_space<hbm>> -> memref<80x128xf32, #tpu.memory_space<hbm>>
      %dma_wait3A_84 = arith.constant 0 : i32
      %dma_wait3A_85 = arith.constant 0 : i32
      %dma_wait3A_86 = tpu.memref_slice %arg2[%dma_wait3A_84, %dma_wait3A_85] : memref<10000x128xf32, #tpu.memory_space<hbm>> -> memref<80x128xf32, #tpu.memory_space<hbm>>
      tpu.wait_dma2 semaphore(%arg13 : memref<!tpu.dma_semaphore, #tpu.memory_space<semaphore_mem>>) src(%dma_wait3A_86 : memref<80x128xf32, #tpu.memory_space<hbm>>) dst(%arg10 : memref<80x128xf32, #tpu.memory_space<vmem>>)
      %add3A_87 = arith.constant 1 : i32
      %add3A_88 = arith.addi %mul3A_53, %add3A_87 : i32
      %mul3A_89 = arith.constant 80 : i32
      %mul3A_90 = arith.muli %add3A_88, %mul3A_89 : i32
      %multiple_of3A_91 = tpu.assume_multiple %mul3A_90, 80 : i32
      "tpu.region"() ({
        %run_scoped3A = tpu.sem_alloc : memref<!tpu.dma_semaphore, #tpu.memory_space<semaphore_mem>>
        %dma_start3A_112 = tpu.memref_slice %arg8[%multiple_of3A_91] : memref<10000xi32, #tpu.memory_space<vmem>> -> memref<80xi32, #tpu.memory_space<vmem>>
        %dma_start3A_113 = arith.constant 0 : i32
        %dma_start3A_114 = arith.constant 0 : i32
        %dma_start3A_115 = tpu.memref_slice %arg6[%dma_start3A_113, %dma_start3A_114] : memref<10000x128xf32, #tpu.memory_space<vmem_shared>> -> memref<10000x128xf32, #tpu.memory_space<vmem_shared>>
        tpu.enqueue_indirect_dma source(%arg10 : memref<80x128xf32, #tpu.memory_space<vmem>>) target(%dma_start3A_115 : memref<10000x128xf32, #tpu.memory_space<vmem_shared>>) offsets(%dma_start3A_112 : memref<80xi32, #tpu.memory_space<vmem>>) semaphore(%run_scoped3A : memref<!tpu.dma_semaphore, #tpu.memory_space<semaphore_mem>>) {add = true}
        %dma_wait3A_116 = tpu.memref_slice %arg8[%multiple_of3A_91] : memref<10000xi32, #tpu.memory_space<vmem>> -> memref<80xi32, #tpu.memory_space<vmem>>
        %dma_wait3A_117 = arith.constant 0 : i32
        %dma_wait3A_118 = arith.constant 0 : i32
        %dma_wait3A_119 = tpu.memref_slice %arg6[%dma_wait3A_117, %dma_wait3A_118] : memref<10000x128xf32, #tpu.memory_space<vmem_shared>> -> memref<10000x128xf32, #tpu.memory_space<vmem_shared>>
        tpu.wait_indirect_dma semaphore(%run_scoped3A : memref<!tpu.dma_semaphore, #tpu.memory_space<semaphore_mem>>) src(%arg10 : memref<80x128xf32, #tpu.memory_space<vmem>>) dst(%dma_wait3A_119 : memref<10000x128xf32, #tpu.memory_space<vmem_shared>>)
        tpu.yield
      }) : () -> ()
      %add3A_92 = arith.constant 4 : i32
      %add3A_93 = arith.addi %mul3A_53, %add3A_92 : i32
      %mul3A_94 = arith.constant 80 : i32
      %mul3A_95 = arith.muli %add3A_93, %mul3A_94 : i32
      %multiple_of3A_96 = tpu.assume_multiple %mul3A_95, 80 : i32
      %dma_start3A_97 = tpu.memref_slice %arg7[%multiple_of3A_96] : memref<10000xi32, #tpu.memory_space<vmem>> -> memref<80xi32, #tpu.memory_space<vmem>>
      %dma_start3A_98 = arith.constant 0 : i32
      %dma_start3A_99 = arith.constant 0 : i32
      %dma_start3A_100 = tpu.memref_slice %arg2[%dma_start3A_98, %dma_start3A_99] : memref<10000x128xf32, #tpu.memory_space<hbm>> -> memref<10000x128xf32, #tpu.memory_space<hbm>>
      tpu.enqueue_indirect_dma source(%dma_start3A_100 : memref<10000x128xf32, #tpu.memory_space<hbm>>) target(%arg10 : memref<80x128xf32, #tpu.memory_space<vmem>>) offsets(%dma_start3A_97 : memref<80xi32, #tpu.memory_space<vmem>>) semaphore(%arg13 : memref<!tpu.dma_semaphore, #tpu.memory_space<semaphore_mem>>)
      %dma_wait3A_101 = arith.constant 0 : i32
      %dma_wait3A_102 = arith.constant 0 : i32
      %dma_wait3A_103 = tpu.memref_slice %arg2[%dma_wait3A_101, %dma_wait3A_102] : memref<10000x128xf32, #tpu.memory_space<hbm>> -> memref<80x128xf32, #tpu.memory_space<hbm>>
      %dma_wait3A_104 = arith.constant 0 : i32
      %dma_wait3A_105 = arith.constant 0 : i32
      %dma_wait3A_106 = tpu.memref_slice %arg2[%dma_wait3A_104, %dma_wait3A_105] : memref<10000x128xf32, #tpu.memory_space<hbm>> -> memref<80x128xf32, #tpu.memory_space<hbm>>
      tpu.wait_dma2 semaphore(%arg14 : memref<!tpu.dma_semaphore, #tpu.memory_space<semaphore_mem>>) src(%dma_wait3A_106 : memref<80x128xf32, #tpu.memory_space<hbm>>) dst(%arg11 : memref<80x128xf32, #tpu.memory_space<vmem>>)
      %add3A_107 = arith.constant 2 : i32
      %add3A_108 = arith.addi %mul3A_53, %add3A_107 : i32
      %mul3A_109 = arith.constant 80 : i32
      %mul3A_110 = arith.muli %add3A_108, %mul3A_109 : i32
      %multiple_of3A_111 = tpu.assume_multiple %mul3A_110, 80 : i32
      "tpu.region"() ({
        %run_scoped3A = tpu.sem_alloc : memref<!tpu.dma_semaphore, #tpu.memory_space<semaphore_mem>>
        %dma_start3A_112 = tpu.memref_slice %arg8[%multiple_of3A_111] : memref<10000xi32, #tpu.memory_space<vmem>> -> memref<80xi32, #tpu.memory_space<vmem>>
        %dma_start3A_113 = arith.constant 0 : i32
        %dma_start3A_114 = arith.constant 0 : i32
        %dma_start3A_115 = tpu.memref_slice %arg6[%dma_start3A_113, %dma_start3A_114] : memref<10000x128xf32, #tpu.memory_space<vmem_shared>> -> memref<10000x128xf32, #tpu.memory_space<vmem_shared>>
        tpu.enqueue_indirect_dma source(%arg11 : memref<80x128xf32, #tpu.memory_space<vmem>>) target(%dma_start3A_115 : memref<10000x128xf32, #tpu.memory_space<vmem_shared>>) offsets(%dma_start3A_112 : memref<80xi32, #tpu.memory_space<vmem>>) semaphore(%run_scoped3A : memref<!tpu.dma_semaphore, #tpu.memory_space<semaphore_mem>>) {add = true}
        %dma_wait3A_116 = tpu.memref_slice %arg8[%multiple_of3A_111] : memref<10000xi32, #tpu.memory_space<vmem>> -> memref<80xi32, #tpu.memory_space<vmem>>
        %dma_wait3A_117 = arith.constant 0 : i32
        %dma_wait3A_118 = arith.constant 0 : i32
        %dma_wait3A_119 = tpu.memref_slice %arg6[%dma_wait3A_117, %dma_wait3A_118] : memref<10000x128xf32, #tpu.memory_space<vmem_shared>> -> memref<10000x128xf32, #tpu.memory_space<vmem_shared>>
        tpu.wait_indirect_dma semaphore(%run_scoped3A : memref<!tpu.dma_semaphore, #tpu.memory_space<semaphore_mem>>) src(%arg11 : memref<80x128xf32, #tpu.memory_space<vmem>>) dst(%dma_wait3A_119 : memref<10000x128xf32, #tpu.memory_space<vmem_shared>>)
        tpu.yield
      }) : () -> ()
    }
    %scan3A_25 = arith.constant 41 : i32
    %dma_wait3A = arith.constant 0 : i32
    %dma_wait3A_26 = arith.constant 0 : i32
    %dma_wait3A_27 = tpu.memref_slice %arg2[%dma_wait3A, %dma_wait3A_26] : memref<10000x128xf32, #tpu.memory_space<hbm>> -> memref<80x128xf32, #tpu.memory_space<hbm>>
    %dma_wait3A_28 = arith.constant 0 : i32
    %dma_wait3A_29 = arith.constant 0 : i32
    %dma_wait3A_30 = tpu.memref_slice %arg2[%dma_wait3A_28, %dma_wait3A_29] : memref<10000x128xf32, #tpu.memory_space<hbm>> -> memref<80x128xf32, #tpu.memory_space<hbm>>
    tpu.wait_dma2 semaphore(%arg12 : memref<!tpu.dma_semaphore, #tpu.memory_space<semaphore_mem>>) src(%dma_wait3A_30 : memref<80x128xf32, #tpu.memory_space<hbm>>) dst(%arg9 : memref<80x128xf32, #tpu.memory_space<vmem>>)
    %multiple_of3A_31 = arith.constant 9840 : i32
    %multiple_of3A_32 = tpu.assume_multiple %multiple_of3A_31, 80 : i32
    "tpu.region"() ({
      %run_scoped3A = tpu.sem_alloc : memref<!tpu.dma_semaphore, #tpu.memory_space<semaphore_mem>>
      %dma_start3A_51 = tpu.memref_slice %arg8[%multiple_of3A_32] : memref<10000xi32, #tpu.memory_space<vmem>> -> memref<80xi32, #tpu.memory_space<vmem>>
      %dma_start3A_52 = arith.constant 0 : i32
      %dma_start3A_53 = arith.constant 0 : i32
      %dma_start3A_54 = tpu.memref_slice %arg6[%dma_start3A_52, %dma_start3A_53] : memref<10000x128xf32, #tpu.memory_space<vmem_shared>> -> memref<10000x128xf32, #tpu.memory_space<vmem_shared>>
      tpu.enqueue_indirect_dma source(%arg9 : memref<80x128xf32, #tpu.memory_space<vmem>>) target(%dma_start3A_54 : memref<10000x128xf32, #tpu.memory_space<vmem_shared>>) offsets(%dma_start3A_51 : memref<80xi32, #tpu.memory_space<vmem>>) semaphore(%run_scoped3A : memref<!tpu.dma_semaphore, #tpu.memory_space<semaphore_mem>>) {add = true}
      %dma_wait3A_55 = tpu.memref_slice %arg8[%multiple_of3A_32] : memref<10000xi32, #tpu.memory_space<vmem>> -> memref<80xi32, #tpu.memory_space<vmem>>
      %dma_wait3A_56 = arith.constant 0 : i32
      %dma_wait3A_57 = arith.constant 0 : i32
      %dma_wait3A_58 = tpu.memref_slice %arg6[%dma_wait3A_56, %dma_wait3A_57] : memref<10000x128xf32, #tpu.memory_space<vmem_shared>> -> memref<10000x128xf32, #tpu.memory_space<vmem_shared>>
      tpu.wait_indirect_dma semaphore(%run_scoped3A : memref<!tpu.dma_semaphore, #tpu.memory_space<semaphore_mem>>) src(%arg9 : memref<80x128xf32, #tpu.memory_space<vmem>>) dst(%dma_wait3A_58 : memref<10000x128xf32, #tpu.memory_space<vmem_shared>>)
      tpu.yield
    }) : () -> ()
    %dma_wait3A_33 = arith.constant 0 : i32
    %dma_wait3A_34 = arith.constant 0 : i32
    %dma_wait3A_35 = tpu.memref_slice %arg2[%dma_wait3A_33, %dma_wait3A_34] : memref<10000x128xf32, #tpu.memory_space<hbm>> -> memref<80x128xf32, #tpu.memory_space<hbm>>
    %dma_wait3A_36 = arith.constant 0 : i32
    %dma_wait3A_37 = arith.constant 0 : i32
    %dma_wait3A_38 = tpu.memref_slice %arg2[%dma_wait3A_36, %dma_wait3A_37] : memref<10000x128xf32, #tpu.memory_space<hbm>> -> memref<80x128xf32, #tpu.memory_space<hbm>>
    tpu.wait_dma2 semaphore(%arg13 : memref<!tpu.dma_semaphore, #tpu.memory_space<semaphore_mem>>) src(%dma_wait3A_38 : memref<80x128xf32, #tpu.memory_space<hbm>>) dst(%arg10 : memref<80x128xf32, #tpu.memory_space<vmem>>)
    %multiple_of3A_39 = arith.constant 9920 : i32
    %multiple_of3A_40 = tpu.assume_multiple %multiple_of3A_39, 80 : i32
    "tpu.region"() ({
      %run_scoped3A = tpu.sem_alloc : memref<!tpu.dma_semaphore, #tpu.memory_space<semaphore_mem>>
      %dma_start3A_51 = tpu.memref_slice %arg8[%multiple_of3A_40] : memref<10000xi32, #tpu.memory_space<vmem>> -> memref<80xi32, #tpu.memory_space<vmem>>
      %dma_start3A_52 = arith.constant 0 : i32
      %dma_start3A_53 = arith.constant 0 : i32
      %dma_start3A_54 = tpu.memref_slice %arg6[%dma_start3A_52, %dma_start3A_53] : memref<10000x128xf32, #tpu.memory_space<vmem_shared>> -> memref<10000x128xf32, #tpu.memory_space<vmem_shared>>
      tpu.enqueue_indirect_dma source(%arg10 : memref<80x128xf32, #tpu.memory_space<vmem>>) target(%dma_start3A_54 : memref<10000x128xf32, #tpu.memory_space<vmem_shared>>) offsets(%dma_start3A_51 : memref<80xi32, #tpu.memory_space<vmem>>) semaphore(%run_scoped3A : memref<!tpu.dma_semaphore, #tpu.memory_space<semaphore_mem>>) {add = true}
      %dma_wait3A_55 = tpu.memref_slice %arg8[%multiple_of3A_40] : memref<10000xi32, #tpu.memory_space<vmem>> -> memref<80xi32, #tpu.memory_space<vmem>>
      %dma_wait3A_56 = arith.constant 0 : i32
      %dma_wait3A_57 = arith.constant 0 : i32
      %dma_wait3A_58 = tpu.memref_slice %arg6[%dma_wait3A_56, %dma_wait3A_57] : memref<10000x128xf32, #tpu.memory_space<vmem_shared>> -> memref<10000x128xf32, #tpu.memory_space<vmem_shared>>
      tpu.wait_indirect_dma semaphore(%run_scoped3A : memref<!tpu.dma_semaphore, #tpu.memory_space<semaphore_mem>>) src(%arg10 : memref<80x128xf32, #tpu.memory_space<vmem>>) dst(%dma_wait3A_58 : memref<10000x128xf32, #tpu.memory_space<vmem_shared>>)
      tpu.yield
    }) : () -> ()
    %barrier3A_41 = arith.constant 0 : index
    tpu.barrier barrier_id(%barrier3A_41)
    %mul3A_42 = arith.constant 624 : i32
    %mul3A_43 = arith.muli %arg1, %mul3A_42 : i32
    %mul3A_44 = arith.constant 624 : i32
    %mul3A_45 = arith.muli %arg1, %mul3A_44 : i32
    "tpu.region"() ({
      %run_scoped3A = tpu.sem_alloc : memref<!tpu.dma_semaphore, #tpu.memory_space<semaphore_mem>>
      %dma_start3A_51 = arith.constant 0 : i32
      %dma_start3A_52 = tpu.memref_slice %arg5[%arg0, %mul3A_45, %dma_start3A_51] : memref<2x10000x128xf32, #tpu.memory_space<hbm>> -> memref<1x624x128xf32, #tpu.memory_space<hbm>>
      %dma_start3A_53 = tpu.memref_squeeze %dma_start3A_52 : memref<1x624x128xf32, #tpu.memory_space<hbm>> -> memref<624x128xf32, #tpu.memory_space<hbm>>
      %dma_start3A_54 = arith.constant 0 : i32
      %dma_start3A_55 = tpu.memref_slice %arg6[%mul3A_43, %dma_start3A_54] : memref<10000x128xf32, #tpu.memory_space<vmem_shared>> -> memref<624x128xf32, #tpu.memory_space<vmem_shared>>
      tpu.enqueue_dma source(%dma_start3A_55 : memref<624x128xf32, #tpu.memory_space<vmem_shared>>) target(%dma_start3A_53 : memref<624x128xf32, #tpu.memory_space<hbm>>) target_semaphore(%run_scoped3A : memref<!tpu.dma_semaphore, #tpu.memory_space<semaphore_mem>>)
      %dma_wait3A_56 = arith.constant 0 : i32
      %dma_wait3A_57 = tpu.memref_slice %arg5[%arg0, %mul3A_45, %dma_wait3A_56] : memref<2x10000x128xf32, #tpu.memory_space<hbm>> -> memref<1x624x128xf32, #tpu.memory_space<hbm>>
      %dma_wait3A_58 = tpu.memref_squeeze %dma_wait3A_57 : memref<1x624x128xf32, #tpu.memory_space<hbm>> -> memref<624x128xf32, #tpu.memory_space<hbm>>
      %dma_wait3A_59 = arith.constant 0 : i32
      %dma_wait3A_60 = tpu.memref_slice %arg6[%mul3A_43, %dma_wait3A_59] : memref<10000x128xf32, #tpu.memory_space<vmem_shared>> -> memref<624x128xf32, #tpu.memory_space<vmem_shared>>
      tpu.wait_dma2 semaphore(%run_scoped3A : memref<!tpu.dma_semaphore, #tpu.memory_space<semaphore_mem>>) src(%dma_wait3A_60 : memref<624x128xf32, #tpu.memory_space<vmem_shared>>) dst(%dma_wait3A_58 : memref<624x128xf32, #tpu.memory_space<hbm>>)
      tpu.yield
    }) : () -> ()
    %eq3A_46 = arith.constant 0 : i32
    %eq3A_47 = arith.cmpi eq, %arg1, %eq3A_46 : i32
    %convert_element_type3A_48 = arith.extui %eq3A_47 : i1 to i32
    %cond3A_49 = arith.constant 0 : i32
    %cond3A_50 = arith.cmpi ne, %convert_element_type3A_48, %cond3A_49 : i32
    scf.if %cond3A_50 {
      "tpu.region"() ({
        %run_scoped3A = tpu.sem_alloc : memref<!tpu.dma_semaphore, #tpu.memory_space<semaphore_mem>>
        %dma_start3A_51 = arith.constant 9984 : i32
        %dma_start3A_52 = arith.constant 0 : i32
        %dma_start3A_53 = tpu.memref_slice %arg5[%arg0, %dma_start3A_51, %dma_start3A_52] : memref<2x10000x128xf32, #tpu.memory_space<hbm>> -> memref<1x16x128xf32, #tpu.memory_space<hbm>>
        %dma_start3A_54 = tpu.memref_squeeze %dma_start3A_53 : memref<1x16x128xf32, #tpu.memory_space<hbm>> -> memref<16x128xf32, #tpu.memory_space<hbm>>
        %dma_start3A_55 = arith.constant 9984 : i32
        %dma_start3A_56 = arith.constant 0 : i32
        %dma_start3A_57 = tpu.memref_slice %arg6[%dma_start3A_55, %dma_start3A_56] : memref<10000x128xf32, #tpu.memory_space<vmem_shared>> -> memref<16x128xf32, #tpu.memory_space<vmem_shared>>
        tpu.enqueue_dma source(%dma_start3A_57 : memref<16x128xf32, #tpu.memory_space<vmem_shared>>) target(%dma_start3A_54 : memref<16x128xf32, #tpu.memory_space<hbm>>) target_semaphore(%run_scoped3A : memref<!tpu.dma_semaphore, #tpu.memory_space<semaphore_mem>>)
        %dma_wait3A_58 = arith.constant 9984 : i32
        %dma_wait3A_59 = arith.constant 0 : i32
        %dma_wait3A_60 = tpu.memref_slice %arg5[%arg0, %dma_wait3A_58, %dma_wait3A_59] : memref<2x10000x128xf32, #tpu.memory_space<hbm>> -> memref<1x16x128xf32, #tpu.memory_space<hbm>>
        %dma_wait3A_61 = tpu.memref_squeeze %dma_wait3A_60 : memref<1x16x128xf32, #tpu.memory_space<hbm>> -> memref<16x128xf32, #tpu.memory_space<hbm>>
        %dma_wait3A_62 = arith.constant 9984 : i32
        %dma_wait3A_63 = arith.constant 0 : i32
        %dma_wait3A_64 = tpu.memref_slice %arg6[%dma_wait3A_62, %dma_wait3A_63] : memref<10000x128xf32, #tpu.memory_space<vmem_shared>> -> memref<16x128xf32, #tpu.memory_space<vmem_shared>>
        tpu.wait_dma2 semaphore(%run_scoped3A : memref<!tpu.dma_semaphore, #tpu.memory_space<semaphore_mem>>) src(%dma_wait3A_64 : memref<16x128xf32, #tpu.memory_space<vmem_shared>>) dst(%dma_wait3A_61 : memref<16x128xf32, #tpu.memory_space<hbm>>)
        tpu.yield
      }) : () -> ()
    } else {
    }
    return
  }
}

#map = affine_map<(d0, d1) -> (0, 0)>
#map1 = affine_map<(d0, d1) -> (0)>
#map2 = affine_map<(d0, d1) -> (0, 0, 0)>
module attributes {stable_mosaic.version = 14 : i64} {
  func.func @scatter_kernel(%arg0: i32, %arg1: i32, %arg2: memref<10000x128xf32, #tpu.memory_space<hbm>>, %arg3: memref<320000xi32, #tpu.memory_space<hbm>>, %arg4: memref<320000xi32, #tpu.memory_space<hbm>>, %arg5: memref<2x10000x128xf32, #tpu.memory_space<hbm>>, %arg6: memref<10000x128xf32, #tpu.memory_space<vmem_shared>>, %arg7: memref<10000xi32, #tpu.memory_space<vmem>>, %arg8: memref<10000xi32, #tpu.memory_space<vmem>>, %arg9: memref<80x128xf32, #tpu.memory_space<vmem>>, %arg10: memref<80x128xf32, #tpu.memory_space<vmem>>, %arg11: memref<80x128xf32, #tpu.memory_space<vmem>>, %arg12: memref<!tpu.dma_semaphore, #tpu.memory_space<semaphore_mem>>, %arg13: memref<!tpu.dma_semaphore, #tpu.memory_space<semaphore_mem>>, %arg14: memref<!tpu.dma_semaphore, #tpu.memory_space<semaphore_mem>>) attributes {dimension_semantics = [#tpu.dimension_semantics<core_parallel>, #tpu.dimension_semantics<subcore_parallel>], iteration_bounds = array<i64: 2, 16>, scalar_prefetch = 0 : i64, scratch_operands = 9 : i64, tpu.core_type = #tpu.core_type<sc_vector_subcore>, window_params = [{transform_indices = #map}, {transform_indices = #map1}, {transform_indices = #map1}, {transform_indices = #map2}]} {
    %mul3A = arith.constant 16 : i32
    %mul3A_0 = arith.muli %arg0, %mul3A : i32
    %add3A = arith.addi %mul3A_0, %arg1 : i32
    %mul3A_1 = arith.constant 624 : i32
    %mul3A_2 = arith.muli %arg1, %mul3A_1 : i32
    %mul3A_3 = arith.constant 624 : i32
    %mul3A_4 = arith.muli %arg1, %mul3A_3 : i32
    "tpu.region"() ({
      %run_scoped3A = tpu.sem_alloc : memref<!tpu.dma_semaphore, #tpu.memory_space<semaphore_mem>>
      %dma_start3A_51 = arith.constant 0 : i32
      %dma_start3A_52 = tpu.memref_slice %arg6[%mul3A_4, %dma_start3A_51] : memref<10000x128xf32, #tpu.memory_space<vmem_shared>> -> memref<624x128xf32, #tpu.memory_space<vmem_shared>>
      %dma_start3A_53 = arith.constant 0 : i32
      %dma_start3A_54 = tpu.memref_slice %arg2[%mul3A_2, %dma_start3A_53] : memref<10000x128xf32, #tpu.memory_space<hbm>> -> memref<624x128xf32, #tpu.memory_space<hbm>>
      tpu.enqueue_dma source(%dma_start3A_54 : memref<624x128xf32, #tpu.memory_space<hbm>>) target(%dma_start3A_52 : memref<624x128xf32, #tpu.memory_space<vmem_shared>>) target_semaphore(%run_scoped3A : memref<!tpu.dma_semaphore, #tpu.memory_space<semaphore_mem>>)
      %dma_wait3A_55 = arith.constant 0 : i32
      %dma_wait3A_56 = tpu.memref_slice %arg6[%mul3A_4, %dma_wait3A_55] : memref<10000x128xf32, #tpu.memory_space<vmem_shared>> -> memref<624x128xf32, #tpu.memory_space<vmem_shared>>
      %dma_wait3A_57 = arith.constant 0 : i32
      %dma_wait3A_58 = tpu.memref_slice %arg2[%mul3A_2, %dma_wait3A_57] : memref<10000x128xf32, #tpu.memory_space<hbm>> -> memref<624x128xf32, #tpu.memory_space<hbm>>
      tpu.wait_dma2 semaphore(%run_scoped3A : memref<!tpu.dma_semaphore, #tpu.memory_space<semaphore_mem>>) src(%dma_wait3A_58 : memref<624x128xf32, #tpu.memory_space<hbm>>) dst(%dma_wait3A_56 : memref<624x128xf32, #tpu.memory_space<vmem_shared>>)
      tpu.yield
    }) : () -> ()
    %eq3A = arith.constant 0 : i32
    %eq3A_5 = arith.cmpi eq, %arg1, %eq3A : i32
    %convert_element_type3A = arith.extui %eq3A_5 : i1 to i32
    %cond3A = arith.constant 0 : i32
    %cond3A_6 = arith.cmpi ne, %convert_element_type3A, %cond3A : i32
    scf.if %cond3A_6 {
      "tpu.region"() ({
        %run_scoped3A = tpu.sem_alloc : memref<!tpu.dma_semaphore, #tpu.memory_space<semaphore_mem>>
        %dma_start3A_51 = arith.constant 9984 : i32
        %dma_start3A_52 = arith.constant 0 : i32
        %dma_start3A_53 = tpu.memref_slice %arg6[%dma_start3A_51, %dma_start3A_52] : memref<10000x128xf32, #tpu.memory_space<vmem_shared>> -> memref<16x128xf32, #tpu.memory_space<vmem_shared>>
        %dma_start3A_54 = arith.constant 9984 : i32
        %dma_start3A_55 = arith.constant 0 : i32
        %dma_start3A_56 = tpu.memref_slice %arg2[%dma_start3A_54, %dma_start3A_55] : memref<10000x128xf32, #tpu.memory_space<hbm>> -> memref<16x128xf32, #tpu.memory_space<hbm>>
        tpu.enqueue_dma source(%dma_start3A_56 : memref<16x128xf32, #tpu.memory_space<hbm>>) target(%dma_start3A_53 : memref<16x128xf32, #tpu.memory_space<vmem_shared>>) target_semaphore(%run_scoped3A : memref<!tpu.dma_semaphore, #tpu.memory_space<semaphore_mem>>)
        %dma_wait3A_57 = arith.constant 9984 : i32
        %dma_wait3A_58 = arith.constant 0 : i32
        %dma_wait3A_59 = tpu.memref_slice %arg6[%dma_wait3A_57, %dma_wait3A_58] : memref<10000x128xf32, #tpu.memory_space<vmem_shared>> -> memref<16x128xf32, #tpu.memory_space<vmem_shared>>
        %dma_wait3A_60 = arith.constant 9984 : i32
        %dma_wait3A_61 = arith.constant 0 : i32
        %dma_wait3A_62 = tpu.memref_slice %arg2[%dma_wait3A_60, %dma_wait3A_61] : memref<10000x128xf32, #tpu.memory_space<hbm>> -> memref<16x128xf32, #tpu.memory_space<hbm>>
        tpu.wait_dma2 semaphore(%run_scoped3A : memref<!tpu.dma_semaphore, #tpu.memory_space<semaphore_mem>>) src(%dma_wait3A_62 : memref<16x128xf32, #tpu.memory_space<hbm>>) dst(%dma_wait3A_59 : memref<16x128xf32, #tpu.memory_space<vmem_shared>>)
        tpu.yield
      }) : () -> ()
    } else {
    }
    %barrier3A = arith.constant 0 : index
    tpu.barrier barrier_id(%barrier3A)
    %mul3A_7 = arith.constant 10000 : i32
    %mul3A_8 = arith.muli %add3A, %mul3A_7 : i32
    "tpu.region"() ({
      %run_scoped3A = tpu.sem_alloc : memref<!tpu.dma_semaphore, #tpu.memory_space<semaphore_mem>>
      %dma_start3A_51 = tpu.memref_slice %arg3[%mul3A_8] : memref<320000xi32, #tpu.memory_space<hbm>> -> memref<10000xi32, #tpu.memory_space<hbm>>
      %dma_start3A_52 = tpu.memref_slice %arg3[%mul3A_8] : memref<320000xi32, #tpu.memory_space<hbm>> -> memref<10000xi32, #tpu.memory_space<hbm>>
      tpu.enqueue_dma source(%dma_start3A_52 : memref<10000xi32, #tpu.memory_space<hbm>>) target(%arg7 : memref<10000xi32, #tpu.memory_space<vmem>>) target_semaphore(%run_scoped3A : memref<!tpu.dma_semaphore, #tpu.memory_space<semaphore_mem>>)
      %dma_wait3A_53 = tpu.memref_slice %arg3[%mul3A_8] : memref<320000xi32, #tpu.memory_space<hbm>> -> memref<10000xi32, #tpu.memory_space<hbm>>
      %dma_wait3A_54 = tpu.memref_slice %arg3[%mul3A_8] : memref<320000xi32, #tpu.memory_space<hbm>> -> memref<10000xi32, #tpu.memory_space<hbm>>
      tpu.wait_dma2 semaphore(%run_scoped3A : memref<!tpu.dma_semaphore, #tpu.memory_space<semaphore_mem>>) src(%dma_wait3A_54 : memref<10000xi32, #tpu.memory_space<hbm>>) dst(%arg7 : memref<10000xi32, #tpu.memory_space<vmem>>)
      tpu.yield
    }) : () -> ()
    %mul3A_9 = arith.constant 10000 : i32
    %mul3A_10 = arith.muli %add3A, %mul3A_9 : i32
    "tpu.region"() ({
      %run_scoped3A = tpu.sem_alloc : memref<!tpu.dma_semaphore, #tpu.memory_space<semaphore_mem>>
      %dma_start3A_51 = tpu.memref_slice %arg4[%mul3A_10] : memref<320000xi32, #tpu.memory_space<hbm>> -> memref<10000xi32, #tpu.memory_space<hbm>>
      %dma_start3A_52 = tpu.memref_slice %arg4[%mul3A_10] : memref<320000xi32, #tpu.memory_space<hbm>> -> memref<10000xi32, #tpu.memory_space<hbm>>
      tpu.enqueue_dma source(%dma_start3A_52 : memref<10000xi32, #tpu.memory_space<hbm>>) target(%arg8 : memref<10000xi32, #tpu.memory_space<vmem>>) target_semaphore(%run_scoped3A : memref<!tpu.dma_semaphore, #tpu.memory_space<semaphore_mem>>)
      %dma_wait3A_53 = tpu.memref_slice %arg4[%mul3A_10] : memref<320000xi32, #tpu.memory_space<hbm>> -> memref<10000xi32, #tpu.memory_space<hbm>>
      %dma_wait3A_54 = tpu.memref_slice %arg4[%mul3A_10] : memref<320000xi32, #tpu.memory_space<hbm>> -> memref<10000xi32, #tpu.memory_space<hbm>>
      tpu.wait_dma2 semaphore(%run_scoped3A : memref<!tpu.dma_semaphore, #tpu.memory_space<semaphore_mem>>) src(%dma_wait3A_54 : memref<10000xi32, #tpu.memory_space<hbm>>) dst(%arg8 : memref<10000xi32, #tpu.memory_space<vmem>>)
      tpu.yield
    }) : () -> ()
    %multiple_of3A = arith.constant 0 : i32
    %multiple_of3A_11 = tpu.assume_multiple %multiple_of3A, 80 : i32
    %dma_start3A = tpu.memref_slice %arg7[%multiple_of3A_11] : memref<10000xi32, #tpu.memory_space<vmem>> -> memref<80xi32, #tpu.memory_space<vmem>>
    %dma_start3A_12 = arith.constant 0 : i32
    %dma_start3A_13 = arith.constant 0 : i32
    %dma_start3A_14 = tpu.memref_slice %arg2[%dma_start3A_12, %dma_start3A_13] : memref<10000x128xf32, #tpu.memory_space<hbm>> -> memref<10000x128xf32, #tpu.memory_space<hbm>>
    tpu.enqueue_indirect_dma source(%dma_start3A_14 : memref<10000x128xf32, #tpu.memory_space<hbm>>) target(%arg9 : memref<80x128xf32, #tpu.memory_space<vmem>>) offsets(%dma_start3A : memref<80xi32, #tpu.memory_space<vmem>>) semaphore(%arg12 : memref<!tpu.dma_semaphore, #tpu.memory_space<semaphore_mem>>)
    %multiple_of3A_15 = arith.constant 80 : i32
    %multiple_of3A_16 = tpu.assume_multiple %multiple_of3A_15, 80 : i32
    %dma_start3A_17 = tpu.memref_slice %arg7[%multiple_of3A_16] : memref<10000xi32, #tpu.memory_space<vmem>> -> memref<80xi32, #tpu.memory_space<vmem>>
    %dma_start3A_18 = arith.constant 0 : i32
    %dma_start3A_19 = arith.constant 0 : i32
    %dma_start3A_20 = tpu.memref_slice %arg2[%dma_start3A_18, %dma_start3A_19] : memref<10000x128xf32, #tpu.memory_space<hbm>> -> memref<10000x128xf32, #tpu.memory_space<hbm>>
    tpu.enqueue_indirect_dma source(%dma_start3A_20 : memref<10000x128xf32, #tpu.memory_space<hbm>>) target(%arg10 : memref<80x128xf32, #tpu.memory_space<vmem>>) offsets(%dma_start3A_17 : memref<80xi32, #tpu.memory_space<vmem>>) semaphore(%arg13 : memref<!tpu.dma_semaphore, #tpu.memory_space<semaphore_mem>>)
    %scan3A = arith.constant 0 : i32
    %scan3A_21 = arith.constant 0 : i32
    %scan3A_22 = arith.constant 41 : i32
    %scan3A_23 = arith.addi %scan3A_21, %scan3A_22 : i32
    %scan3A_24 = arith.constant 1 : i32
    scf.for %scan3A_51 = %scan3A_21 to %scan3A_23 step %scan3A_24  : i32 {
      %mul3A_52 = arith.constant 3 : i32
      %mul3A_53 = arith.muli %mul3A_52, %scan3A_51 : i32
      %add3A_54 = arith.constant 2 : i32
      %add3A_55 = arith.addi %mul3A_53, %add3A_54 : i32
      %mul3A_56 = arith.constant 80 : i32
      %mul3A_57 = arith.muli %add3A_55, %mul3A_56 : i32
      %multiple_of3A_58 = tpu.assume_multiple %mul3A_57, 80 : i32
      %dma_start3A_59 = tpu.memref_slice %arg7[%multiple_of3A_58] : memref<10000xi32, #tpu.memory_space<vmem>> -> memref<80xi32, #tpu.memory_space<vmem>>
      %dma_start3A_60 = arith.constant 0 : i32
      %dma_start3A_61 = arith.constant 0 : i32
      %dma_start3A_62 = tpu.memref_slice %arg2[%dma_start3A_60, %dma_start3A_61] : memref<10000x128xf32, #tpu.memory_space<hbm>> -> memref<10000x128xf32, #tpu.memory_space<hbm>>
      tpu.enqueue_indirect_dma source(%dma_start3A_62 : memref<10000x128xf32, #tpu.memory_space<hbm>>) target(%arg11 : memref<80x128xf32, #tpu.memory_space<vmem>>) offsets(%dma_start3A_59 : memref<80xi32, #tpu.memory_space<vmem>>) semaphore(%arg14 : memref<!tpu.dma_semaphore, #tpu.memory_space<semaphore_mem>>)
      %dma_wait3A_63 = arith.constant 0 : i32
      %dma_wait3A_64 = arith.constant 0 : i32
      %dma_wait3A_65 = tpu.memref_slice %arg2[%dma_wait3A_63, %dma_wait3A_64] : memref<10000x128xf32, #tpu.memory_space<hbm>> -> memref<80x128xf32, #tpu.memory_space<hbm>>
      %dma_wait3A_66 = arith.constant 0 : i32
      %dma_wait3A_67 = arith.constant 0 : i32
      %dma_wait3A_68 = tpu.memref_slice %arg2[%dma_wait3A_66, %dma_wait3A_67] : memref<10000x128xf32, #tpu.memory_space<hbm>> -> memref<80x128xf32, #tpu.memory_space<hbm>>
      tpu.wait_dma2 semaphore(%arg12 : memref<!tpu.dma_semaphore, #tpu.memory_space<semaphore_mem>>) src(%dma_wait3A_68 : memref<80x128xf32, #tpu.memory_space<hbm>>) dst(%arg9 : memref<80x128xf32, #tpu.memory_space<vmem>>)
      %mul3A_69 = arith.constant 80 : i32
      %mul3A_70 = arith.muli %mul3A_53, %mul3A_69 : i32
      %multiple_of3A_71 = tpu.assume_multiple %mul3A_70, 80 : i32
      "tpu.region"() ({
        %run_scoped3A = tpu.sem_alloc : memref<!tpu.dma_semaphore, #tpu.memory_space<semaphore_mem>>
        %dma_start3A_112 = tpu.memref_slice %arg8[%multiple_of3A_71] : memref<10000xi32, #tpu.memory_space<vmem>> -> memref<80xi32, #tpu.memory_space<vmem>>
        %dma_start3A_113 = arith.constant 0 : i32
        %dma_start3A_114 = arith.constant 0 : i32
        %dma_start3A_115 = tpu.memref_slice %arg6[%dma_start3A_113, %dma_start3A_114] : memref<10000x128xf32, #tpu.memory_space<vmem_shared>> -> memref<10000x128xf32, #tpu.memory_space<vmem_shared>>
        tpu.enqueue_indirect_dma source(%arg9 : memref<80x128xf32, #tpu.memory_space<vmem>>) target(%dma_start3A_115 : memref<10000x128xf32, #tpu.memory_space<vmem_shared>>) offsets(%dma_start3A_112 : memref<80xi32, #tpu.memory_space<vmem>>) semaphore(%run_scoped3A : memref<!tpu.dma_semaphore, #tpu.memory_space<semaphore_mem>>) {add = true}
        %dma_wait3A_116 = tpu.memref_slice %arg8[%multiple_of3A_71] : memref<10000xi32, #tpu.memory_space<vmem>> -> memref<80xi32, #tpu.memory_space<vmem>>
        %dma_wait3A_117 = arith.constant 0 : i32
        %dma_wait3A_118 = arith.constant 0 : i32
        %dma_wait3A_119 = tpu.memref_slice %arg6[%dma_wait3A_117, %dma_wait3A_118] : memref<10000x128xf32, #tpu.memory_space<vmem_shared>> -> memref<10000x128xf32, #tpu.memory_space<vmem_shared>>
        tpu.wait_indirect_dma semaphore(%run_scoped3A : memref<!tpu.dma_semaphore, #tpu.memory_space<semaphore_mem>>) src(%arg9 : memref<80x128xf32, #tpu.memory_space<vmem>>) dst(%dma_wait3A_119 : memref<10000x128xf32, #tpu.memory_space<vmem_shared>>)
        tpu.yield
      }) : () -> ()
      %add3A_72 = arith.constant 3 : i32
      %add3A_73 = arith.addi %mul3A_53, %add3A_72 : i32
      %mul3A_74 = arith.constant 80 : i32
      %mul3A_75 = arith.muli %add3A_73, %mul3A_74 : i32
      %multiple_of3A_76 = tpu.assume_multiple %mul3A_75, 80 : i32
      %dma_start3A_77 = tpu.memref_slice %arg7[%multiple_of3A_76] : memref<10000xi32, #tpu.memory_space<vmem>> -> memref<80xi32, #tpu.memory_space<vmem>>
      %dma_start3A_78 = arith.constant 0 : i32
      %dma_start3A_79 = arith.constant 0 : i32
      %dma_start3A_80 = tpu.memref_slice %arg2[%dma_start3A_78, %dma_start3A_79] : memref<10000x128xf32, #tpu.memory_space<hbm>> -> memref<10000x128xf32, #tpu.memory_space<hbm>>
      tpu.enqueue_indirect_dma source(%dma_start3A_80 : memref<10000x128xf32, #tpu.memory_space<hbm>>) target(%arg9 : memref<80x128xf32, #tpu.memory_space<vmem>>) offsets(%dma_start3A_77 : memref<80xi32, #tpu.memory_space<vmem>>) semaphore(%arg12 : memref<!tpu.dma_semaphore, #tpu.memory_space<semaphore_mem>>)
      %dma_wait3A_81 = arith.constant 0 : i32
      %dma_wait3A_82 = arith.constant 0 : i32
      %dma_wait3A_83 = tpu.memref_slice %arg2[%dma_wait3A_81, %dma_wait3A_82] : memref<10000x128xf32, #tpu.memory_space<hbm>> -> memref<80x128xf32, #tpu.memory_space<hbm>>
      %dma_wait3A_84 = arith.constant 0 : i32
      %dma_wait3A_85 = arith.constant 0 : i32
      %dma_wait3A_86 = tpu.memref_slice %arg2[%dma_wait3A_84, %dma_wait3A_85] : memref<10000x128xf32, #tpu.memory_space<hbm>> -> memref<80x128xf32, #tpu.memory_space<hbm>>
      tpu.wait_dma2 semaphore(%arg13 : memref<!tpu.dma_semaphore, #tpu.memory_space<semaphore_mem>>) src(%dma_wait3A_86 : memref<80x128xf32, #tpu.memory_space<hbm>>) dst(%arg10 : memref<80x128xf32, #tpu.memory_space<vmem>>)
      %add3A_87 = arith.constant 1 : i32
      %add3A_88 = arith.addi %mul3A_53, %add3A_87 : i32
      %mul3A_89 = arith.constant 80 : i32
      %mul3A_90 = arith.muli %add3A_88, %mul3A_89 : i32
      %multiple_of3A_91 = tpu.assume_multiple %mul3A_90, 80 : i32
      "tpu.region"() ({
        %run_scoped3A = tpu.sem_alloc : memref<!tpu.dma_semaphore, #tpu.memory_space<semaphore_mem>>
        %dma_start3A_112 = tpu.memref_slice %arg8[%multiple_of3A_91] : memref<10000xi32, #tpu.memory_space<vmem>> -> memref<80xi32, #tpu.memory_space<vmem>>
        %dma_start3A_113 = arith.constant 0 : i32
        %dma_start3A_114 = arith.constant 0 : i32
        %dma_start3A_115 = tpu.memref_slice %arg6[%dma_start3A_113, %dma_start3A_114] : memref<10000x128xf32, #tpu.memory_space<vmem_shared>> -> memref<10000x128xf32, #tpu.memory_space<vmem_shared>>
        tpu.enqueue_indirect_dma source(%arg10 : memref<80x128xf32, #tpu.memory_space<vmem>>) target(%dma_start3A_115 : memref<10000x128xf32, #tpu.memory_space<vmem_shared>>) offsets(%dma_start3A_112 : memref<80xi32, #tpu.memory_space<vmem>>) semaphore(%run_scoped3A : memref<!tpu.dma_semaphore, #tpu.memory_space<semaphore_mem>>) {add = true}
        %dma_wait3A_116 = tpu.memref_slice %arg8[%multiple_of3A_91] : memref<10000xi32, #tpu.memory_space<vmem>> -> memref<80xi32, #tpu.memory_space<vmem>>
        %dma_wait3A_117 = arith.constant 0 : i32
        %dma_wait3A_118 = arith.constant 0 : i32
        %dma_wait3A_119 = tpu.memref_slice %arg6[%dma_wait3A_117, %dma_wait3A_118] : memref<10000x128xf32, #tpu.memory_space<vmem_shared>> -> memref<10000x128xf32, #tpu.memory_space<vmem_shared>>
        tpu.wait_indirect_dma semaphore(%run_scoped3A : memref<!tpu.dma_semaphore, #tpu.memory_space<semaphore_mem>>) src(%arg10 : memref<80x128xf32, #tpu.memory_space<vmem>>) dst(%dma_wait3A_119 : memref<10000x128xf32, #tpu.memory_space<vmem_shared>>)
        tpu.yield
      }) : () -> ()
      %add3A_92 = arith.constant 4 : i32
      %add3A_93 = arith.addi %mul3A_53, %add3A_92 : i32
      %mul3A_94 = arith.constant 80 : i32
      %mul3A_95 = arith.muli %add3A_93, %mul3A_94 : i32
      %multiple_of3A_96 = tpu.assume_multiple %mul3A_95, 80 : i32
      %dma_start3A_97 = tpu.memref_slice %arg7[%multiple_of3A_96] : memref<10000xi32, #tpu.memory_space<vmem>> -> memref<80xi32, #tpu.memory_space<vmem>>
      %dma_start3A_98 = arith.constant 0 : i32
      %dma_start3A_99 = arith.constant 0 : i32
      %dma_start3A_100 = tpu.memref_slice %arg2[%dma_start3A_98, %dma_start3A_99] : memref<10000x128xf32, #tpu.memory_space<hbm>> -> memref<10000x128xf32, #tpu.memory_space<hbm>>
      tpu.enqueue_indirect_dma source(%dma_start3A_100 : memref<10000x128xf32, #tpu.memory_space<hbm>>) target(%arg10 : memref<80x128xf32, #tpu.memory_space<vmem>>) offsets(%dma_start3A_97 : memref<80xi32, #tpu.memory_space<vmem>>) semaphore(%arg13 : memref<!tpu.dma_semaphore, #tpu.memory_space<semaphore_mem>>)
      %dma_wait3A_101 = arith.constant 0 : i32
      %dma_wait3A_102 = arith.constant 0 : i32
      %dma_wait3A_103 = tpu.memref_slice %arg2[%dma_wait3A_101, %dma_wait3A_102] : memref<10000x128xf32, #tpu.memory_space<hbm>> -> memref<80x128xf32, #tpu.memory_space<hbm>>
      %dma_wait3A_104 = arith.constant 0 : i32
      %dma_wait3A_105 = arith.constant 0 : i32
      %dma_wait3A_106 = tpu.memref_slice %arg2[%dma_wait3A_104, %dma_wait3A_105] : memref<10000x128xf32, #tpu.memory_space<hbm>> -> memref<80x128xf32, #tpu.memory_space<hbm>>
      tpu.wait_dma2 semaphore(%arg14 : memref<!tpu.dma_semaphore, #tpu.memory_space<semaphore_mem>>) src(%dma_wait3A_106 : memref<80x128xf32, #tpu.memory_space<hbm>>) dst(%arg11 : memref<80x128xf32, #tpu.memory_space<vmem>>)
      %add3A_107 = arith.constant 2 : i32
      %add3A_108 = arith.addi %mul3A_53, %add3A_107 : i32
      %mul3A_109 = arith.constant 80 : i32
      %mul3A_110 = arith.muli %add3A_108, %mul3A_109 : i32
      %multiple_of3A_111 = tpu.assume_multiple %mul3A_110, 80 : i32
      "tpu.region"() ({
        %run_scoped3A = tpu.sem_alloc : memref<!tpu.dma_semaphore, #tpu.memory_space<semaphore_mem>>
        %dma_start3A_112 = tpu.memref_slice %arg8[%multiple_of3A_111] : memref<10000xi32, #tpu.memory_space<vmem>> -> memref<80xi32, #tpu.memory_space<vmem>>
        %dma_start3A_113 = arith.constant 0 : i32
        %dma_start3A_114 = arith.constant 0 : i32
        %dma_start3A_115 = tpu.memref_slice %arg6[%dma_start3A_113, %dma_start3A_114] : memref<10000x128xf32, #tpu.memory_space<vmem_shared>> -> memref<10000x128xf32, #tpu.memory_space<vmem_shared>>
        tpu.enqueue_indirect_dma source(%arg11 : memref<80x128xf32, #tpu.memory_space<vmem>>) target(%dma_start3A_115 : memref<10000x128xf32, #tpu.memory_space<vmem_shared>>) offsets(%dma_start3A_112 : memref<80xi32, #tpu.memory_space<vmem>>) semaphore(%run_scoped3A : memref<!tpu.dma_semaphore, #tpu.memory_space<semaphore_mem>>) {add = true}
        %dma_wait3A_116 = tpu.memref_slice %arg8[%multiple_of3A_111] : memref<10000xi32, #tpu.memory_space<vmem>> -> memref<80xi32, #tpu.memory_space<vmem>>
        %dma_wait3A_117 = arith.constant 0 : i32
        %dma_wait3A_118 = arith.constant 0 : i32
        %dma_wait3A_119 = tpu.memref_slice %arg6[%dma_wait3A_117, %dma_wait3A_118] : memref<10000x128xf32, #tpu.memory_space<vmem_shared>> -> memref<10000x128xf32, #tpu.memory_space<vmem_shared>>
        tpu.wait_indirect_dma semaphore(%run_scoped3A : memref<!tpu.dma_semaphore, #tpu.memory_space<semaphore_mem>>) src(%arg11 : memref<80x128xf32, #tpu.memory_space<vmem>>) dst(%dma_wait3A_119 : memref<10000x128xf32, #tpu.memory_space<vmem_shared>>)
        tpu.yield
      }) : () -> ()
    }
    %scan3A_25 = arith.constant 41 : i32
    %dma_wait3A = arith.constant 0 : i32
    %dma_wait3A_26 = arith.constant 0 : i32
    %dma_wait3A_27 = tpu.memref_slice %arg2[%dma_wait3A, %dma_wait3A_26] : memref<10000x128xf32, #tpu.memory_space<hbm>> -> memref<80x128xf32, #tpu.memory_space<hbm>>
    %dma_wait3A_28 = arith.constant 0 : i32
    %dma_wait3A_29 = arith.constant 0 : i32
    %dma_wait3A_30 = tpu.memref_slice %arg2[%dma_wait3A_28, %dma_wait3A_29] : memref<10000x128xf32, #tpu.memory_space<hbm>> -> memref<80x128xf32, #tpu.memory_space<hbm>>
    tpu.wait_dma2 semaphore(%arg12 : memref<!tpu.dma_semaphore, #tpu.memory_space<semaphore_mem>>) src(%dma_wait3A_30 : memref<80x128xf32, #tpu.memory_space<hbm>>) dst(%arg9 : memref<80x128xf32, #tpu.memory_space<vmem>>)
    %multiple_of3A_31 = arith.constant 9840 : i32
    %multiple_of3A_32 = tpu.assume_multiple %multiple_of3A_31, 80 : i32
    "tpu.region"() ({
      %run_scoped3A = tpu.sem_alloc : memref<!tpu.dma_semaphore, #tpu.memory_space<semaphore_mem>>
      %dma_start3A_51 = tpu.memref_slice %arg8[%multiple_of3A_32] : memref<10000xi32, #tpu.memory_space<vmem>> -> memref<80xi32, #tpu.memory_space<vmem>>
      %dma_start3A_52 = arith.constant 0 : i32
      %dma_start3A_53 = arith.constant 0 : i32
      %dma_start3A_54 = tpu.memref_slice %arg6[%dma_start3A_52, %dma_start3A_53] : memref<10000x128xf32, #tpu.memory_space<vmem_shared>> -> memref<10000x128xf32, #tpu.memory_space<vmem_shared>>
      tpu.enqueue_indirect_dma source(%arg9 : memref<80x128xf32, #tpu.memory_space<vmem>>) target(%dma_start3A_54 : memref<10000x128xf32, #tpu.memory_space<vmem_shared>>) offsets(%dma_start3A_51 : memref<80xi32, #tpu.memory_space<vmem>>) semaphore(%run_scoped3A : memref<!tpu.dma_semaphore, #tpu.memory_space<semaphore_mem>>) {add = true}
      %dma_wait3A_55 = tpu.memref_slice %arg8[%multiple_of3A_32] : memref<10000xi32, #tpu.memory_space<vmem>> -> memref<80xi32, #tpu.memory_space<vmem>>
      %dma_wait3A_56 = arith.constant 0 : i32
      %dma_wait3A_57 = arith.constant 0 : i32
      %dma_wait3A_58 = tpu.memref_slice %arg6[%dma_wait3A_56, %dma_wait3A_57] : memref<10000x128xf32, #tpu.memory_space<vmem_shared>> -> memref<10000x128xf32, #tpu.memory_space<vmem_shared>>
      tpu.wait_indirect_dma semaphore(%run_scoped3A : memref<!tpu.dma_semaphore, #tpu.memory_space<semaphore_mem>>) src(%arg9 : memref<80x128xf32, #tpu.memory_space<vmem>>) dst(%dma_wait3A_58 : memref<10000x128xf32, #tpu.memory_space<vmem_shared>>)
      tpu.yield
    }) : () -> ()
    %dma_wait3A_33 = arith.constant 0 : i32
    %dma_wait3A_34 = arith.constant 0 : i32
    %dma_wait3A_35 = tpu.memref_slice %arg2[%dma_wait3A_33, %dma_wait3A_34] : memref<10000x128xf32, #tpu.memory_space<hbm>> -> memref<80x128xf32, #tpu.memory_space<hbm>>
    %dma_wait3A_36 = arith.constant 0 : i32
    %dma_wait3A_37 = arith.constant 0 : i32
    %dma_wait3A_38 = tpu.memref_slice %arg2[%dma_wait3A_36, %dma_wait3A_37] : memref<10000x128xf32, #tpu.memory_space<hbm>> -> memref<80x128xf32, #tpu.memory_space<hbm>>
    tpu.wait_dma2 semaphore(%arg13 : memref<!tpu.dma_semaphore, #tpu.memory_space<semaphore_mem>>) src(%dma_wait3A_38 : memref<80x128xf32, #tpu.memory_space<hbm>>) dst(%arg10 : memref<80x128xf32, #tpu.memory_space<vmem>>)
    %multiple_of3A_39 = arith.constant 9920 : i32
    %multiple_of3A_40 = tpu.assume_multiple %multiple_of3A_39, 80 : i32
    "tpu.region"() ({
      %run_scoped3A = tpu.sem_alloc : memref<!tpu.dma_semaphore, #tpu.memory_space<semaphore_mem>>
      %dma_start3A_51 = tpu.memref_slice %arg8[%multiple_of3A_40] : memref<10000xi32, #tpu.memory_space<vmem>> -> memref<80xi32, #tpu.memory_space<vmem>>
      %dma_start3A_52 = arith.constant 0 : i32
      %dma_start3A_53 = arith.constant 0 : i32
      %dma_start3A_54 = tpu.memref_slice %arg6[%dma_start3A_52, %dma_start3A_53] : memref<10000x128xf32, #tpu.memory_space<vmem_shared>> -> memref<10000x128xf32, #tpu.memory_space<vmem_shared>>
      tpu.enqueue_indirect_dma source(%arg10 : memref<80x128xf32, #tpu.memory_space<vmem>>) target(%dma_start3A_54 : memref<10000x128xf32, #tpu.memory_space<vmem_shared>>) offsets(%dma_start3A_51 : memref<80xi32, #tpu.memory_space<vmem>>) semaphore(%run_scoped3A : memref<!tpu.dma_semaphore, #tpu.memory_space<semaphore_mem>>) {add = true}
      %dma_wait3A_55 = tpu.memref_slice %arg8[%multiple_of3A_40] : memref<10000xi32, #tpu.memory_space<vmem>> -> memref<80xi32, #tpu.memory_space<vmem>>
      %dma_wait3A_56 = arith.constant 0 : i32
      %dma_wait3A_57 = arith.constant 0 : i32
      %dma_wait3A_58 = tpu.memref_slice %arg6[%dma_wait3A_56, %dma_wait3A_57] : memref<10000x128xf32, #tpu.memory_space<vmem_shared>> -> memref<10000x128xf32, #tpu.memory_space<vmem_shared>>
      tpu.wait_indirect_dma semaphore(%run_scoped3A : memref<!tpu.dma_semaphore, #tpu.memory_space<semaphore_mem>>) src(%arg10 : memref<80x128xf32, #tpu.memory_space<vmem>>) dst(%dma_wait3A_58 : memref<10000x128xf32, #tpu.memory_space<vmem_shared>>)
      tpu.yield
    }) : () -> ()
    %barrier3A_41 = arith.constant 0 : index
    tpu.barrier barrier_id(%barrier3A_41)
    %mul3A_42 = arith.constant 624 : i32
    %mul3A_43 = arith.muli %arg1, %mul3A_42 : i32
    %mul3A_44 = arith.constant 624 : i32
    %mul3A_45 = arith.muli %arg1, %mul3A_44 : i32
    "tpu.region"() ({
      %run_scoped3A = tpu.sem_alloc : memref<!tpu.dma_semaphore, #tpu.memory_space<semaphore_mem>>
      %dma_start3A_51 = arith.constant 0 : i32
      %dma_start3A_52 = tpu.memref_slice %arg5[%arg0, %mul3A_45, %dma_start3A_51] : memref<2x10000x128xf32, #tpu.memory_space<hbm>> -> memref<1x624x128xf32, #tpu.memory_space<hbm>>
      %dma_start3A_53 = tpu.memref_squeeze %dma_start3A_52 : memref<1x624x128xf32, #tpu.memory_space<hbm>> -> memref<624x128xf32, #tpu.memory_space<hbm>>
      %dma_start3A_54 = arith.constant 0 : i32
      %dma_start3A_55 = tpu.memref_slice %arg6[%mul3A_43, %dma_start3A_54] : memref<10000x128xf32, #tpu.memory_space<vmem_shared>> -> memref<624x128xf32, #tpu.memory_space<vmem_shared>>
      tpu.enqueue_dma source(%dma_start3A_55 : memref<624x128xf32, #tpu.memory_space<vmem_shared>>) target(%dma_start3A_53 : memref<624x128xf32, #tpu.memory_space<hbm>>) target_semaphore(%run_scoped3A : memref<!tpu.dma_semaphore, #tpu.memory_space<semaphore_mem>>)
      %dma_wait3A_56 = arith.constant 0 : i32
      %dma_wait3A_57 = tpu.memref_slice %arg5[%arg0, %mul3A_45, %dma_wait3A_56] : memref<2x10000x128xf32, #tpu.memory_space<hbm>> -> memref<1x624x128xf32, #tpu.memory_space<hbm>>
      %dma_wait3A_58 = tpu.memref_squeeze %dma_wait3A_57 : memref<1x624x128xf32, #tpu.memory_space<hbm>> -> memref<624x128xf32, #tpu.memory_space<hbm>>
      %dma_wait3A_59 = arith.constant 0 : i32
      %dma_wait3A_60 = tpu.memref_slice %arg6[%mul3A_43, %dma_wait3A_59] : memref<10000x128xf32, #tpu.memory_space<vmem_shared>> -> memref<624x128xf32, #tpu.memory_space<vmem_shared>>
      tpu.wait_dma2 semaphore(%run_scoped3A : memref<!tpu.dma_semaphore, #tpu.memory_space<semaphore_mem>>) src(%dma_wait3A_60 : memref<624x128xf32, #tpu.memory_space<vmem_shared>>) dst(%dma_wait3A_58 : memref<624x128xf32, #tpu.memory_space<hbm>>)
      tpu.yield
    }) : () -> ()
    %eq3A_46 = arith.constant 0 : i32
    %eq3A_47 = arith.cmpi eq, %arg1, %eq3A_46 : i32
    %convert_element_type3A_48 = arith.extui %eq3A_47 : i1 to i32
    %cond3A_49 = arith.constant 0 : i32
    %cond3A_50 = arith.cmpi ne, %convert_element_type3A_48, %cond3A_49 : i32
    scf.if %cond3A_50 {
      "tpu.region"() ({
        %run_scoped3A = tpu.sem_alloc : memref<!tpu.dma_semaphore, #tpu.memory_space<semaphore_mem>>
        %dma_start3A_51 = arith.constant 9984 : i32
        %dma_start3A_52 = arith.constant 0 : i32
        %dma_start3A_53 = tpu.memref_slice %arg5[%arg0, %dma_start3A_51, %dma_start3A_52] : memref<2x10000x128xf32, #tpu.memory_space<hbm>> -> memref<1x16x128xf32, #tpu.memory_space<hbm>>
        %dma_start3A_54 = tpu.memref_squeeze %dma_start3A_53 : memref<1x16x128xf32, #tpu.memory_space<hbm>> -> memref<16x128xf32, #tpu.memory_space<hbm>>
        %dma_start3A_55 = arith.constant 9984 : i32
        %dma_start3A_56 = arith.constant 0 : i32
        %dma_start3A_57 = tpu.memref_slice %arg6[%dma_start3A_55, %dma_start3A_56] : memref<10000x128xf32, #tpu.memory_space<vmem_shared>> -> memref<16x128xf32, #tpu.memory_space<vmem_shared>>
        tpu.enqueue_dma source(%dma_start3A_57 : memref<16x128xf32, #tpu.memory_space<vmem_shared>>) target(%dma_start3A_54 : memref<16x128xf32, #tpu.memory_space<hbm>>) target_semaphore(%run_scoped3A : memref<!tpu.dma_semaphore, #tpu.memory_space<semaphore_mem>>)
        %dma_wait3A_58 = arith.constant 9984 : i32
        %dma_wait3A_59 = arith.constant 0 : i32
        %dma_wait3A_60 = tpu.memref_slice %arg5[%arg0, %dma_wait3A_58, %dma_wait3A_59] : memref<2x10000x128xf32, #tpu.memory_space<hbm>> -> memref<1x16x128xf32, #tpu.memory_space<hbm>>
        %dma_wait3A_61 = tpu.memref_squeeze %dma_wait3A_60 : memref<1x16x128xf32, #tpu.memory_space<hbm>> -> memref<16x128xf32, #tpu.memory_space<hbm>>
        %dma_wait3A_62 = arith.constant 9984 : i32
        %dma_wait3A_63 = arith.constant 0 : i32
        %dma_wait3A_64 = tpu.memref_slice %arg6[%dma_wait3A_62, %dma_wait3A_63] : memref<10000x128xf32, #tpu.memory_space<vmem_shared>> -> memref<16x128xf32, #tpu.memory_space<vmem_shared>>
        tpu.wait_dma2 semaphore(%run_scoped3A : memref<!tpu.dma_semaphore, #tpu.memory_space<semaphore_mem>>) src(%dma_wait3A_64 : memref<16x128xf32, #tpu.memory_space<vmem_shared>>) dst(%dma_wait3A_61 : memref<16x128xf32, #tpu.memory_space<hbm>>)
        tpu.yield
      }) : () -> ()
    } else {
    }
    return
  }
}

module attributes {stable_mosaic.version = 14 : i64} {
  func.func @body(%arg0: i32, %arg1: memref<1000x128xf32, #tpu.memory_space<vmem>>, %arg2: memref<1000x1xf32, #tpu.memory_space<vmem>>, %arg3: memref<1000x1xf32, #tpu.memory_space<vmem>>, %arg4: memref<128x128xf32, #tpu.memory_space<vmem>>, %arg5: memref<1000x128xf32, #tpu.memory_space<vmem>>, %arg6: memref<1000x1xf32, #tpu.memory_space<vmem>>) attributes {dimension_semantics = [#tpu.dimension_semantics<arbitrary>], iteration_bounds = array<i64: 10>, scalar_prefetch = 0 : i64, scratch_operands = 0 : i64, tpu.core_type = #tpu.core_type<tc>, window_params = [{transform_indices = @transform_0, window_bounds = array<i64: 1000, 128>}, {transform_indices = @transform_1, window_bounds = array<i64: 1000, 1>}, {transform_indices = @transform_2, window_bounds = array<i64: 1000, 1>}, {pipeline_mode = #tpu.pipeline_mode<synchronous>, transform_indices = @transform_3, window_bounds = array<i64: 128, 128>}, {transform_indices = @transform_4, window_bounds = array<i64: 1000, 128>}, {transform_indices = @transform_5, window_bounds = array<i64: 1000, 1>}]} {
    %get3A = arith.constant 0 : index
    %get3A_0 = arith.constant 0 : index
    %get3A_1 = vector.load %arg2[%get3A, %get3A_0] : memref<1000x1xf32, #tpu.memory_space<vmem>>, vector<1000x1xf32>
    %get3A_2 = arith.constant 0 : index
    %get3A_3 = arith.constant 0 : index
    %get3A_4 = vector.load %arg3[%get3A_2, %get3A_3] : memref<1000x1xf32, #tpu.memory_space<vmem>>, vector<1000x1xf32>
    %add3A = arith.addf %get3A_1, %get3A_4 : vector<1000x1xf32>
    %add3A_5 = arith.constant 1.000000e+00 : f32
    %add3A_6 = vector.broadcast %add3A_5 : f32 to vector<1000x1xf32>
    %add3A_7 = arith.addf %add3A, %add3A_6 : vector<1000x1xf32>
    %rsqrt3A = math.rsqrt %add3A_7 : vector<1000x1xf32>
    %get3A_8 = arith.constant 0 : index
    %get3A_9 = arith.constant 0 : index
    %get3A_10 = vector.load %arg1[%get3A_8, %get3A_9] : memref<1000x128xf32, #tpu.memory_space<vmem>>, vector<1000x128xf32>
    %get3A_11 = arith.constant 0 : index
    %get3A_12 = arith.constant 0 : index
    %get3A_13 = vector.load %arg4[%get3A_11, %get3A_12] : memref<128x128xf32, #tpu.memory_space<vmem>>, vector<128x128xf32>
    %dot_general3A = arith.constant dense<0.000000e+00> : vector<1000x128xf32>
    %dot_general3A_14 = tpu.matmul %get3A_10, %get3A_13, %dot_general3A {dimension_numbers = #tpu.dot_dimension_numbers<[1], [0], [0], [1], [0, 0, 1, 1], [], []>, transpose_lhs_hint = false} : vector<1000x128xf32>, vector<128x128xf32>, vector<1000x128xf32> -> vector<1000x128xf32>
    %mul3A = vector.broadcast %rsqrt3A : vector<1000x1xf32> to vector<1000x128xf32>
    %mul3A_15 = arith.mulf %dot_general3A_14, %mul3A : vector<1000x128xf32>
    %swap3A = arith.constant 0 : index
    %swap3A_16 = arith.constant 0 : index
    %swap3A_17 = vector.load %arg5[%swap3A, %swap3A_16] : memref<1000x128xf32, #tpu.memory_space<vmem>>, vector<1000x128xf32>
    tpu.vector_store %arg5[%swap3A, %swap3A_16], %mul3A_15 {strides = array<i32>} : memref<1000x128xf32, #tpu.memory_space<vmem>>, vector<1000x128xf32>,
    %swap3A_18 = arith.constant 0 : index
    %swap3A_19 = arith.constant 0 : index
    %swap3A_20 = vector.load %arg6[%swap3A_18, %swap3A_19] : memref<1000x1xf32, #tpu.memory_space<vmem>>, vector<1000x1xf32>
    tpu.vector_store %arg6[%swap3A_18, %swap3A_19], %rsqrt3A {strides = array<i32>} : memref<1000x1xf32, #tpu.memory_space<vmem>>, vector<1000x1xf32>,
    return
  }
  func.func @transform_0(%arg0: i32) -> (i32, i32) {
    %c0_i32 = arith.constant 0 : i32
    %c0_i32_0 = arith.constant 0 : i32
    return %arg0, %c0_i32 : i32, i32
  }
  func.func @transform_1(%arg0: i32) -> (i32, i32) {
    %c0_i32 = arith.constant 0 : i32
    %c0_i32_0 = arith.constant 0 : i32
    return %arg0, %c0_i32 : i32, i32
  }
  func.func @transform_2(%arg0: i32) -> (i32, i32) {
    %c0_i32 = arith.constant 0 : i32
    %c0_i32_0 = arith.constant 0 : i32
    return %arg0, %c0_i32 : i32, i32
  }
  func.func @transform_3(%arg0: i32) -> (i32, i32) {
    %c0_i32 = arith.constant 0 : i32
    %c0_i32_0 = arith.constant 0 : i32
    %c0_i32_1 = arith.constant 0 : i32
    return %c0_i32, %c0_i32_0 : i32, i32
  }
  func.func @transform_4(%arg0: i32) -> (i32, i32) {
    %c0_i32 = arith.constant 0 : i32
    %c0_i32_0 = arith.constant 0 : i32
    return %arg0, %c0_i32 : i32, i32
  }
  func.func @transform_5(%arg0: i32) -> (i32, i32) {
    %c0_i32 = arith.constant 0 : i32
    %c0_i32_0 = arith.constant 0 : i32
    return %arg0, %c0_i32 : i32, i32
  }
}

module attributes {stable_mosaic.version = 14 : i64} {
  func.func @body(%arg0: i32, %arg1: memref<1000x128xf32, #tpu.memory_space<vmem>>, %arg2: memref<1000x128xf32, #tpu.memory_space<vmem>>, %arg3: memref<1000x128xf32, #tpu.memory_space<vmem>>, %arg4: memref<1000x1xf32, #tpu.memory_space<vmem>>, %arg5: memref<128x128xf32, #tpu.memory_space<vmem>>, %arg6: memref<1x128xf32, #tpu.memory_space<vmem>>, %arg7: memref<1x128xf32, #tpu.memory_space<vmem>>, %arg8: memref<1x128xf32, #tpu.memory_space<vmem>>, %arg9: memref<1000x128xf32, #tpu.memory_space<vmem>>) attributes {dimension_semantics = [#tpu.dimension_semantics<arbitrary>], iteration_bounds = array<i64: 10>, scalar_prefetch = 0 : i64, scratch_operands = 0 : i64, tpu.core_type = #tpu.core_type<tc>, window_params = [{transform_indices = @transform_0, window_bounds = array<i64: 1000, 128>}, {transform_indices = @transform_1, window_bounds = array<i64: 1000, 128>}, {transform_indices = @transform_2, window_bounds = array<i64: 1000, 128>}, {transform_indices = @transform_3, window_bounds = array<i64: 1000, 1>}, {pipeline_mode = #tpu.pipeline_mode<synchronous>, transform_indices = @transform_4, window_bounds = array<i64: 128, 128>}, {pipeline_mode = #tpu.pipeline_mode<synchronous>, transform_indices = @transform_5, window_bounds = array<i64: 1, 128>}, {pipeline_mode = #tpu.pipeline_mode<synchronous>, transform_indices = @transform_6, window_bounds = array<i64: 1, 128>}, {pipeline_mode = #tpu.pipeline_mode<synchronous>, transform_indices = @transform_7, window_bounds = array<i64: 1, 128>}, {transform_indices = @transform_8, window_bounds = array<i64: 1000, 128>}]} {
    %get3A = arith.constant 0 : index
    %get3A_0 = arith.constant 0 : index
    %get3A_1 = vector.load %arg4[%get3A, %get3A_0] : memref<1000x1xf32, #tpu.memory_space<vmem>>, vector<1000x1xf32>
    %get3A_2 = arith.constant 0 : index
    %get3A_3 = arith.constant 0 : index
    %get3A_4 = vector.load %arg1[%get3A_2, %get3A_3] : memref<1000x128xf32, #tpu.memory_space<vmem>>, vector<1000x128xf32>
    %get3A_5 = arith.constant 0 : index
    %get3A_6 = arith.constant 0 : index
    %get3A_7 = vector.load %arg2[%get3A_5, %get3A_6] : memref<1000x128xf32, #tpu.memory_space<vmem>>, vector<1000x128xf32>
    %add3A = arith.addf %get3A_4, %get3A_7 : vector<1000x128xf32>
    %get3A_8 = arith.constant 0 : index
    %get3A_9 = arith.constant 0 : index
    %get3A_10 = vector.load %arg3[%get3A_8, %get3A_9] : memref<1000x128xf32, #tpu.memory_space<vmem>>, vector<1000x128xf32>
    %sub3A = arith.subf %add3A, %get3A_10 : vector<1000x128xf32>
    %mul3A = vector.broadcast %get3A_1 : vector<1000x1xf32> to vector<1000x128xf32>
    %mul3A_11 = arith.mulf %sub3A, %mul3A : vector<1000x128xf32>
    %get3A_12 = arith.constant 0 : index
    %get3A_13 = arith.constant 0 : index
    %get3A_14 = vector.load %arg6[%get3A_12, %get3A_13] : memref<1x128xf32, #tpu.memory_space<vmem>>, vector<1x128xf32>
    %add3A_15 = vector.broadcast %get3A_14 : vector<1x128xf32> to vector<1000x128xf32>
    %add3A_16 = arith.addf %mul3A_11, %add3A_15 : vector<1000x128xf32>
    %get3A_17 = arith.constant 0 : index
    %get3A_18 = arith.constant 0 : index
    %get3A_19 = vector.load %arg7[%get3A_17, %get3A_18] : memref<1x128xf32, #tpu.memory_space<vmem>>, vector<1x128xf32>
    %mul3A_20 = arith.constant 0.999994993 : f32
    %mul3A_21 = vector.broadcast %mul3A_20 : f32 to vector<1x128xf32>
    %mul3A_22 = arith.mulf %get3A_19, %mul3A_21 : vector<1x128xf32>
    %mul3A_23 = vector.broadcast %mul3A_22 : vector<1x128xf32> to vector<1000x128xf32>
    %mul3A_24 = arith.mulf %add3A_16, %mul3A_23 : vector<1000x128xf32>
    %get3A_25 = arith.constant 0 : index
    %get3A_26 = arith.constant 0 : index
    %get3A_27 = vector.load %arg8[%get3A_25, %get3A_26] : memref<1x128xf32, #tpu.memory_space<vmem>>, vector<1x128xf32>
    %add3A_28 = vector.broadcast %get3A_27 : vector<1x128xf32> to vector<1000x128xf32>
    %add3A_29 = arith.addf %mul3A_24, %add3A_28 : vector<1000x128xf32>
    %max3A = arith.constant 0.000000e+00 : f32
    %max3A_30 = vector.broadcast %max3A : f32 to vector<1000x128xf32>
    %max3A_31 = arith.maximumf %add3A_29, %max3A_30 : vector<1000x128xf32>
    %get3A_32 = arith.constant 0 : index
    %get3A_33 = arith.constant 0 : index
    %get3A_34 = vector.load %arg5[%get3A_32, %get3A_33] : memref<128x128xf32, #tpu.memory_space<vmem>>, vector<128x128xf32>
    %dot_general3A = arith.constant dense<0.000000e+00> : vector<1000x128xf32>
    %dot_general3A_35 = tpu.matmul %max3A_31, %get3A_34, %dot_general3A {dimension_numbers = #tpu.dot_dimension_numbers<[1], [0], [0], [1], [0, 0, 1, 1], [], []>, transpose_lhs_hint = false} : vector<1000x128xf32>, vector<128x128xf32>, vector<1000x128xf32> -> vector<1000x128xf32>
    %mul3A_36 = vector.broadcast %get3A_1 : vector<1000x1xf32> to vector<1000x128xf32>
    %mul3A_37 = arith.mulf %dot_general3A_35, %mul3A_36 : vector<1000x128xf32>
    %swap3A = arith.constant 0 : index
    %swap3A_38 = arith.constant 0 : index
    %swap3A_39 = vector.load %arg9[%swap3A, %swap3A_38] : memref<1000x128xf32, #tpu.memory_space<vmem>>, vector<1000x128xf32>
    tpu.vector_store %arg9[%swap3A, %swap3A_38], %mul3A_37 {strides = array<i32>} : memref<1000x128xf32, #tpu.memory_space<vmem>>, vector<1000x128xf32>,
    return
  }
  func.func @transform_0(%arg0: i32) -> (i32, i32) {
    %c0_i32 = arith.constant 0 : i32
    %c0_i32_0 = arith.constant 0 : i32
    return %arg0, %c0_i32 : i32, i32
  }
  func.func @transform_1(%arg0: i32) -> (i32, i32) {
    %c0_i32 = arith.constant 0 : i32
    %c0_i32_0 = arith.constant 0 : i32
    return %arg0, %c0_i32 : i32, i32
  }
  func.func @transform_2(%arg0: i32) -> (i32, i32) {
    %c0_i32 = arith.constant 0 : i32
    %c0_i32_0 = arith.constant 0 : i32
    return %arg0, %c0_i32 : i32, i32
  }
  func.func @transform_3(%arg0: i32) -> (i32, i32) {
    %c0_i32 = arith.constant 0 : i32
    %c0_i32_0 = arith.constant 0 : i32
    return %arg0, %c0_i32 : i32, i32
  }
  func.func @transform_4(%arg0: i32) -> (i32, i32) {
    %c0_i32 = arith.constant 0 : i32
    %c0_i32_0 = arith.constant 0 : i32
    %c0_i32_1 = arith.constant 0 : i32
    return %c0_i32, %c0_i32_0 : i32, i32
  }
  func.func @transform_5(%arg0: i32) -> (i32, i32) {
    %c0_i32 = arith.constant 0 : i32
    %c0_i32_0 = arith.constant 0 : i32
    %c0_i32_1 = arith.constant 0 : i32
    return %c0_i32, %c0_i32_0 : i32, i32
  }
  func.func @transform_6(%arg0: i32) -> (i32, i32) {
    %c0_i32 = arith.constant 0 : i32
    %c0_i32_0 = arith.constant 0 : i32
    %c0_i32_1 = arith.constant 0 : i32
    return %c0_i32, %c0_i32_0 : i32, i32
  }
  func.func @transform_7(%arg0: i32) -> (i32, i32) {
    %c0_i32 = arith.constant 0 : i32
    %c0_i32_0 = arith.constant 0 : i32
    %c0_i32_1 = arith.constant 0 : i32
    return %c0_i32, %c0_i32_0 : i32, i32
  }
  func.func @transform_8(%arg0: i32) -> (i32, i32) {
    %c0_i32 = arith.constant 0 : i32
    %c0_i32_0 = arith.constant 0 : i32
    return %arg0, %c0_i32 : i32, i32
  }
}

module attributes {stable_mosaic.version = 14 : i64} {
  func.func @body(%arg0: i32, %arg1: memref<1000x128xf32, #tpu.memory_space<vmem>>, %arg2: memref<1000x128xf32, #tpu.memory_space<vmem>>, %arg3: memref<1000x128xf32, #tpu.memory_space<vmem>>, %arg4: memref<1000x1xf32, #tpu.memory_space<vmem>>, %arg5: memref<1x128xf32, #tpu.memory_space<vmem>>, %arg6: memref<1x128xf32, #tpu.memory_space<vmem>>, %arg7: memref<1x128xf32, #tpu.memory_space<vmem>>, %arg8: memref<1000x128xf32, #tpu.memory_space<vmem>>, %arg9: memref<1x128xf32, #tpu.memory_space<vmem>>) attributes {dimension_semantics = [#tpu.dimension_semantics<arbitrary>], iteration_bounds = array<i64: 10>, scalar_prefetch = 0 : i64, scratch_operands = 0 : i64, tpu.core_type = #tpu.core_type<tc>, window_params = [{transform_indices = @transform_0, window_bounds = array<i64: 1000, 128>}, {transform_indices = @transform_1, window_bounds = array<i64: 1000, 128>}, {transform_indices = @transform_2, window_bounds = array<i64: 1000, 128>}, {transform_indices = @transform_3, window_bounds = array<i64: 1000, 1>}, {pipeline_mode = #tpu.pipeline_mode<synchronous>, transform_indices = @transform_4, window_bounds = array<i64: 1, 128>}, {pipeline_mode = #tpu.pipeline_mode<synchronous>, transform_indices = @transform_5, window_bounds = array<i64: 1, 128>}, {pipeline_mode = #tpu.pipeline_mode<synchronous>, transform_indices = @transform_6, window_bounds = array<i64: 1, 128>}, {transform_indices = @transform_7, window_bounds = array<i64: 1000, 128>}, {pipeline_mode = #tpu.pipeline_mode<synchronous>, transform_indices = @transform_8, window_bounds = array<i64: 1, 128>}]} {
    %get3A = arith.constant 0 : index
    %get3A_0 = arith.constant 0 : index
    %get3A_1 = vector.load %arg1[%get3A, %get3A_0] : memref<1000x128xf32, #tpu.memory_space<vmem>>, vector<1000x128xf32>
    %get3A_2 = arith.constant 0 : index
    %get3A_3 = arith.constant 0 : index
    %get3A_4 = vector.load %arg2[%get3A_2, %get3A_3] : memref<1000x128xf32, #tpu.memory_space<vmem>>, vector<1000x128xf32>
    %add3A = arith.addf %get3A_1, %get3A_4 : vector<1000x128xf32>
    %get3A_5 = arith.constant 0 : index
    %get3A_6 = arith.constant 0 : index
    %get3A_7 = vector.load %arg3[%get3A_5, %get3A_6] : memref<1000x128xf32, #tpu.memory_space<vmem>>, vector<1000x128xf32>
    %sub3A = arith.subf %add3A, %get3A_7 : vector<1000x128xf32>
    %get3A_8 = arith.constant 0 : index
    %get3A_9 = arith.constant 0 : index
    %get3A_10 = vector.load %arg4[%get3A_8, %get3A_9] : memref<1000x1xf32, #tpu.memory_space<vmem>>, vector<1000x1xf32>
    %mul3A = vector.broadcast %get3A_10 : vector<1000x1xf32> to vector<1000x128xf32>
    %mul3A_11 = arith.mulf %sub3A, %mul3A : vector<1000x128xf32>
    %get3A_12 = arith.constant 0 : index
    %get3A_13 = arith.constant 0 : index
    %get3A_14 = vector.load %arg5[%get3A_12, %get3A_13] : memref<1x128xf32, #tpu.memory_space<vmem>>, vector<1x128xf32>
    %add3A_15 = vector.broadcast %get3A_14 : vector<1x128xf32> to vector<1000x128xf32>
    %add3A_16 = arith.addf %mul3A_11, %add3A_15 : vector<1000x128xf32>
    %get3A_17 = arith.constant 0 : index
    %get3A_18 = arith.constant 0 : index
    %get3A_19 = vector.load %arg6[%get3A_17, %get3A_18] : memref<1x128xf32, #tpu.memory_space<vmem>>, vector<1x128xf32>
    %mul3A_20 = arith.constant 0.999994993 : f32
    %mul3A_21 = vector.broadcast %mul3A_20 : f32 to vector<1x128xf32>
    %mul3A_22 = arith.mulf %get3A_19, %mul3A_21 : vector<1x128xf32>
    %mul3A_23 = vector.broadcast %mul3A_22 : vector<1x128xf32> to vector<1000x128xf32>
    %mul3A_24 = arith.mulf %add3A_16, %mul3A_23 : vector<1000x128xf32>
    %get3A_25 = arith.constant 0 : index
    %get3A_26 = arith.constant 0 : index
    %get3A_27 = vector.load %arg7[%get3A_25, %get3A_26] : memref<1x128xf32, #tpu.memory_space<vmem>>, vector<1x128xf32>
    %add3A_28 = vector.broadcast %get3A_27 : vector<1x128xf32> to vector<1000x128xf32>
    %add3A_29 = arith.addf %mul3A_24, %add3A_28 : vector<1000x128xf32>
    %max3A = arith.constant 0.000000e+00 : f32
    %max3A_30 = vector.broadcast %max3A : f32 to vector<1000x128xf32>
    %max3A_31 = arith.maximumf %add3A_29, %max3A_30 : vector<1000x128xf32>
    %swap3A = arith.constant 0 : index
    %swap3A_32 = arith.constant 0 : index
    %swap3A_33 = vector.load %arg8[%swap3A, %swap3A_32] : memref<1000x128xf32, #tpu.memory_space<vmem>>, vector<1000x128xf32>
    tpu.vector_store %arg8[%swap3A, %swap3A_32], %max3A_31 {strides = array<i32>} : memref<1000x128xf32, #tpu.memory_space<vmem>>, vector<1000x128xf32>,
    %reduce_sum3A = arith.constant dense<0.000000e+00> : vector<128xf32>
    %reduce_sum3A_34 = vector.multi_reduction <add>, %max3A_31, %reduce_sum3A [0] : vector<1000x128xf32> to vector<128xf32>
    %broadcast_in_dim3A = vector.shape_cast %reduce_sum3A_34 : vector<128xf32> to vector<1x128xf32>
    %mul3A_35 = arith.constant 9.99999974E-5 : f32
    %mul3A_36 = vector.broadcast %mul3A_35 : f32 to vector<1x128xf32>
    %mul3A_37 = arith.mulf %broadcast_in_dim3A, %mul3A_36 : vector<1x128xf32>
    %eq3A = arith.constant 0 : i32
    %eq3A_38 = arith.cmpi eq, %arg0, %eq3A : i32
    %convert_element_type3A = arith.extui %eq3A_38 : i1 to i32
    %cond3A = arith.constant 0 : i32
    %cond3A_39 = arith.cmpi ne, %convert_element_type3A, %cond3A : i32
    scf.if %cond3A_39 {
      %swap3A_44 = arith.constant 0 : index
      %swap3A_45 = arith.constant 0 : index
      %swap3A_46 = vector.load %arg9[%swap3A_44, %swap3A_45] : memref<1x128xf32, #tpu.memory_space<vmem>>, vector<1x128xf32>
      tpu.vector_store %arg9[%swap3A_44, %swap3A_45], %mul3A_37 {strides = array<i32>} : memref<1x128xf32, #tpu.memory_space<vmem>>, vector<1x128xf32>,
    } else {
    }
    %gt3A = arith.constant 0 : i32
    %gt3A_40 = arith.cmpi sgt, %arg0, %gt3A : i32
    %convert_element_type3A_41 = arith.extui %gt3A_40 : i1 to i32
    %cond3A_42 = arith.constant 0 : i32
    %cond3A_43 = arith.cmpi ne, %convert_element_type3A_41, %cond3A_42 : i32
    scf.if %cond3A_43 {
      %get3A_44 = arith.constant 0 : index
      %get3A_45 = arith.constant 0 : index
      %get3A_46 = vector.load %arg9[%get3A_44, %get3A_45] : memref<1x128xf32, #tpu.memory_space<vmem>>, vector<1x128xf32>
      %add3A_47 = arith.addf %get3A_46, %mul3A_37 : vector<1x128xf32>
      %swap3A_48 = arith.constant 0 : index
      %swap3A_49 = arith.constant 0 : index
      %swap3A_50 = vector.load %arg9[%swap3A_48, %swap3A_49] : memref<1x128xf32, #tpu.memory_space<vmem>>, vector<1x128xf32>
      tpu.vector_store %arg9[%swap3A_48, %swap3A_49], %add3A_47 {strides = array<i32>} : memref<1x128xf32, #tpu.memory_space<vmem>>, vector<1x128xf32>,
    } else {
    }
    return
  }
  func.func @transform_0(%arg0: i32) -> (i32, i32) {
    %c0_i32 = arith.constant 0 : i32
    %c0_i32_0 = arith.constant 0 : i32
    return %arg0, %c0_i32 : i32, i32
  }
  func.func @transform_1(%arg0: i32) -> (i32, i32) {
    %c0_i32 = arith.constant 0 : i32
    %c0_i32_0 = arith.constant 0 : i32
    return %arg0, %c0_i32 : i32, i32
  }
  func.func @transform_2(%arg0: i32) -> (i32, i32) {
    %c0_i32 = arith.constant 0 : i32
    %c0_i32_0 = arith.constant 0 : i32
    return %arg0, %c0_i32 : i32, i32
  }
  func.func @transform_3(%arg0: i32) -> (i32, i32) {
    %c0_i32 = arith.constant 0 : i32
    %c0_i32_0 = arith.constant 0 : i32
    return %arg0, %c0_i32 : i32, i32
  }
  func.func @transform_4(%arg0: i32) -> (i32, i32) {
    %c0_i32 = arith.constant 0 : i32
    %c0_i32_0 = arith.constant 0 : i32
    %c0_i32_1 = arith.constant 0 : i32
    return %c0_i32, %c0_i32_0 : i32, i32
  }
  func.func @transform_5(%arg0: i32) -> (i32, i32) {
    %c0_i32 = arith.constant 0 : i32
    %c0_i32_0 = arith.constant 0 : i32
    %c0_i32_1 = arith.constant 0 : i32
    return %c0_i32, %c0_i32_0 : i32, i32
  }
  func.func @transform_6(%arg0: i32) -> (i32, i32) {
    %c0_i32 = arith.constant 0 : i32
    %c0_i32_0 = arith.constant 0 : i32
    %c0_i32_1 = arith.constant 0 : i32
    return %c0_i32, %c0_i32_0 : i32, i32
  }
  func.func @transform_7(%arg0: i32) -> (i32, i32) {
    %c0_i32 = arith.constant 0 : i32
    %c0_i32_0 = arith.constant 0 : i32
    return %arg0, %c0_i32 : i32, i32
  }
  func.func @transform_8(%arg0: i32) -> (i32, i32) {
    %c0_i32 = arith.constant 0 : i32
    %c0_i32_0 = arith.constant 0 : i32
    %c0_i32_1 = arith.constant 0 : i32
    return %c0_i32, %c0_i32_0 : i32, i32
  }
}

</mosaic_0001>

<sc_bundles>
// kernel: kernel.10.cloned.1.call-start
scs
__scs_entry_jumppad:
0x0: {  	(pc) =	sbr.rel $0x88, $3  }
0x1: {  	(tag) =	ssettag $0x0;
	lr =	simm.s32 $0x1  }
0x2: {  	[smem:$0x3F93] =	sst lr;
	_ =	strace $0xD0000000  }
0x3: {  	_ = 	snop  }
0x4: {  	_ = 	snop  }
0x5: {  	_ = 	snop  }
0x6: {  	_ = 	snop  }
0x7: {  	_ = 	snop  }
__scs_overlays_trampoline_lowered:
0x8: {  	[smem:$0x3FA2] =	sst s0  }
0x9: {  	[smem:$0x3FA3] =	sst s1  }
0xa: {  	[smem:$0x3FA4] =	sst s2  }
0xb: {  	[smem:$0x3FA5] =	sst s3  }
0xc: {  	[smem:$0x3FA6] =	sst s4  }
0xd: {  	[smem:$0x3FA7] =	sst s5  }
0xe: {  	[smem:$0x3FA8] =	sst s6  }
0xf: {  	[smem:$0x3FA9] =	sst s7  }
0x10: {  	[smem:$0x3FAA] =	sst s8  }
0x11: {  	[smem:$0x3FAB] =	sst s9;
	s0 =	simm.s32 @!p0 $0x0  }
0x12: {  	s1 =	sld [smem:$0x3F91];
	s0 =	simm.s32 @p0 $0x1  }
0x13: {  	[smem:$0x3FAC] =	sst s0;
	s0 =	simm.s32 @!p1 $0x0  }
0x14: {  	s2 =	sld [smem:$0x3F90];
	s0 =	simm.s32 @p1 $0x1  }
0x15: {  	[smem:$0x3FAD] =	sst s0;
	s0 =	simm.s32 @!p2 $0x0  }
0x16: {  	s3 =	sld [smem:$0x3FDB];
	s0 =	simm.s32 @p2 $0x1  }
0x17: {  	s4 =	simm.s32 $0x1BF5;
	[smem:$0x3FAF] =	sst s0  }
0x18: {  	s0 =	sld [smem:$0x3F92];
	_ =	swait.ge [sflag:s4], $0x0  }
0x19: {  	s7 =	sld [smem:$0x3F93]  }
0x1a: {  	s8 =	sadd.s32 $0xFFFFE003, lr  }
0x1b: {  	s9 =	sadd.s32 $0xFFFFFEF7, lr;
	s5 =	simm.s32 $0xFFFFFFFF;
	p2 =	slt.u32 s8, $0xFFFFF086  }
0x1c: {  	p1 =	slt.u32 s9, $0xF7A;
	s5 =	simm.s32 @!p2 $0x0  }
0x1d: {  	s5 =	simm.s32 @p1 $0x1;
	p0 =	seq.s32 s7, s2  }
0x1e: {  	s7 =	smul.u32 @!p0 $0xF7A, s2;
	p2 =	seq.s32 @!p0 s5, $0x0  }
0x1f: {  	s9 =	smul.u32 $0xF7A, s1;
	s8 =	simm.s32 @!p0 $0x1BF5;
	p2 =	por !p2, p0  }
0x20: {  	[sflag:s8] =	ssyncset.s32 @!p0 $0xFFFFF086;
	s6 =	sadd.s32 @!p0 s3, s7;
	s7 =	simm.s32 @!p0 $0x108  }
0x21: {  	s3 =	sadd.s32 s3, s9;
	s6 =	sadd.s32 @!p0 $0x88, s6;
	s7 =	simm.s32 @p2 $0x1082  }
0x22: {  	[simem:s7], [sflag:s8] =	dma.local @!p0 [hbm:s6], $0xF7A  }
0x23: {  	s9 =	sor.u32 $0xD0000000, s2;
	s6 =	simm.s32 $0x108;
	_ =	swait.ge @!p0 [sflag:s8], $0x0  }
0x24: {  	s3 =	sadd.s32 $0x88, s3;
	s6 =	simm.s32 @!p1 $0x1082;
	[sflag:s4] =	ssyncset.s32 $0xFFFFF086  }
0x25: {  	[simem:s6], [sflag:s4] =	dma.local [hbm:s3], $0xF7A  }
0x26: {  	[smem:$0x3F93] =	sst s1;
	(tag) =	ssettag s2;
	_ =	strace s9  }
0x27: {  	s1 =	sld [smem:$0x3FA3]  }
0x28: {  	s2 =	sld [smem:$0x3FA4]  }
0x29: {  	s4 =	sld [smem:$0x3FA6]  }
0x2a: {  	p0 =	seq.s32 s5, $0x0;
	s5 =	sld [smem:$0x3FA7]  }
0x2b: {  	s6 =	sld [smem:$0x3FA8]  }
0x2c: {  	s7 =	sld [smem:$0x3FA9]  }
0x2d: {  	s3 =	simm.s32 $0x108;
	s8 =	sld [smem:$0x3FAA]  }
0x2e: {  	s3 =	simm.s32 @!p0 $0x1082;
	s9 =	sld [smem:$0x3FAB]  }
0x2f: {  	lr =	sadd.s32 s0, s3;
	s0 =	sld [smem:$0x3FA2]  }
0x30: {  	s3 =	sld [smem:$0x3FA5]  }
0x31: {  	[smem:$0x3FAE] =	sst s10  }
0x32: {  	s10 =	sld [smem:$0x3FAC];
	_ =	sdelay $0x3  }
0x33: {  	p0 =	seq.s32 s10, $0x1;
	s10 =	sld [smem:$0x3FAE];
	_ =	sdelay $0x3  }
0x34: {  	[smem:$0x3FAE] =	sst s10  }
0x35: {  	s10 =	sld [smem:$0x3FAD];
	_ =	sdelay $0x3  }
0x36: {  	p1 =	seq.s32 s10, $0x1;
	s10 =	sld [smem:$0x3FAE];
	_ =	sdelay $0x3  }
0x37: {  	[smem:$0x3FAE] =	sst s10  }
0x38: {  	s10 =	sld [smem:$0x3FAF]  }
0x39: {  	_ = 	snop;
	(pc) =	sbr.ind lr, $3  }
0x3a: {  	_ = 	snop  }
0x3b: {  	_ = 	snop  }
0x3c: {  	p2 =	seq.s32 s10, $0x1;
	s10 =	sld [smem:$0x3FAE]  }
0x3d: {  	_ =	shalt  }
0x3e: {  	_ =	shalt  }
0x3f: {  	_ =	shalt  }
0x40: {  	_ =	shalt  }
0x41: {  	_ =	shalt  }
0x42: {  	_ =	shalt  }
0x43: {  	_ =	shalt  }
0x44: {  	_ =	shalt  }
0x45: {  	_ =	shalt  }
0x46: {  	_ =	shalt  }
0x47: {  	_ =	shalt  }
0x48: {  	_ =	shalt  }
0x49: {  	_ =	shalt  }
0x4a: {  	_ =	shalt  }
0x4b: {  	_ =	shalt  }
0x4c: {  	_ =	shalt  }
0x4d: {  	_ =	shalt  }
0x4e: {  	_ =	shalt  }
0x4f: {  	_ =	shalt  }
0x50: {  	_ =	shalt  }
0x51: {  	_ =	shalt  }
0x52: {  	_ =	shalt  }
0x53: {  	_ =	shalt  }
0x54: {  	_ =	shalt  }
0x55: {  	_ =	shalt  }
0x56: {  	_ =	shalt  }
0x57: {  	_ =	shalt  }
0x58: {  	_ =	shalt  }
0x59: {  	_ =	shalt  }
0x5a: {  	_ =	shalt  }
0x5b: {  	_ =	shalt  }
0x5c: {  	_ =	shalt  }
0x5d: {  	_ =	shalt  }
0x5e: {  	_ =	shalt  }
0x5f: {  	_ =	shalt  }
0x60: {  	_ =	shalt  }
0x61: {  	_ =	shalt  }
0x62: {  	_ =	shalt  }
0x63: {  	_ =	shalt  }
0x64: {  	_ =	shalt  }
0x65: {  	_ =	shalt  }
0x66: {  	_ =	shalt  }
0x67: {  	_ =	shalt  }
0x68: {  	_ =	shalt  }
0x69: {  	_ =	shalt  }
0x6a: {  	_ =	shalt  }
0x6b: {  	_ =	shalt  }
0x6c: {  	_ =	shalt  }
0x6d: {  	_ =	shalt  }
0x6e: {  	_ =	shalt  }
0x6f: {  	_ =	shalt  }
0x70: {  	_ =	shalt  }
0x71: {  	_ =	shalt  }
0x72: {  	_ =	shalt  }
0x73: {  	_ =	shalt  }
0x74: {  	_ =	shalt  }
0x75: {  	_ =	shalt  }
0x76: {  	_ =	shalt  }
0x77: {  	_ =	shalt  }
0x78: {  	_ =	shalt  }
0x79: {  	_ =	shalt  }
0x7a: {  	_ =	shalt  }
0x7b: {  	_ =	shalt  }
0x7c: {  	_ =	shalt  }
0x7d: {  	_ =	shalt  }
0x7e: {  	_ =	shalt  }
0x7f: {  	_ =	shalt  }
0x80: {  	_ =	shalt  }
0x81: {  	_ =	shalt  }
0x82: {  	_ =	shalt  }
0x83: {  	_ =	shalt  }
0x84: {  	_ =	shalt  }
0x85: {  	_ =	shalt  }
0x86: {  	_ =	shalt  }
0x87: {  	_ =	shalt  }
.Lfunc_end0:
.L_simem_size_0:
called_computation_lowered:
.L_overlay_start_0:
0x88: {  	s2 =	sld [smem:$0x3FD9]  }
0x89: {  	s3 =	sld [smem:$0x3FFE];
	_ =	sdelay $0x1  }
0x8a: {  	s1 =	srdreg.scid  }
0x8b: {  	s0 =	sand.u32 $0x1, s1  }
0x8c: {  	s14 =	sshll.u32 s0, $0xA;
	s2 =	sadd.s32 s3, s2  }
0x8d: {  	s2 =	sadd.s32 s2, s14  }
0x8e: {  	[smem:$0x3FBA] =	sst s2  }
0x8f: {  	_ = 	snop  }
0x90: {  	s2 =	sld [smem:$0x3FD0];
	_ =	sdelay $0x2  }
0x91: {  	s15 =	simm.s32 $0xA;
	s4 =	simm.s32 $0x10  }
0x92: {  	[smem:s4], [sflag:s15] =	dma.local [hbm:s2], $0x1  }
0x93: {  	_ =	swait.eq [sflag:s15], $0x1  }
0x94: {  	[sflag:s15] =	ssyncset.done $0x0  }
0x95: {  	[sflag:s15] =	ssyncadd.s32 $0xFFFFFFFF  }
0x96: {  	s16 =	sld [smem:$0x10];
	(tm) =	ssettm $0x1  }
0x97: {  	s17 =	sld [smem:$0x3FFB];
	_ =	sdelay $0x3  }
0x98: {  	_ =	strace s17  }
0x99: {  	s3 =	sld [smem:$0x3FFC];
	_ =	sdelay $0x3  }
0x9a: {  	_ =	strace s3  }
0x9b: {  	s3 =	sld [smem:$0x3FFD];
	_ =	sdelay $0x3  }
0x9c: {  	_ =	strace s3  }
0x9d: {  	_ =	strace $0x8FFFFFFF  }
0x9e: {  	s18 =	sld [smem:$0x3FDB];
	_ =	sdelay $0x1  }
0x9f: {  	s19 =	simm.s32 $_scs_section_size  }
0xa0: {  	s5 =	simm.s32 $_size__tile_overlayer_lowered;
	s6 =	simm.s32 $_tile_overlayer_lowered  }
0xa1: {  	s22 =	simm.s32 $0x1BFF;
	s21 =	sshll.u32 s6, $0x1;
	s3 =	sadd.s32 s19, s18  }
0xa2: {  	s7 =	simm.s32 $0x0;
	s20 =	sshll.u32 s5, $0x1;
	s5 =	sadd.s32 s21, s3  }
0xa3: {  	[timem:s7], [sflag:s22] =	dma.local [hbm:s5], s20  }
0xa4: {  	_ =	swait.ge [sflag:s22], s20  }
0xa5: {  	s4 =	ssub.s32 $0x0, s20;
	[sflag:s22] =	ssyncset.done $0x0  }
0xa6: {  	[sflag:s22] =	ssyncadd.s32 s4;
	_ =	sdelay $0x1  }
0xa7: {  	s23 =	simm.s32 $0x1B8B  }
0xa8: {  	_ =	swait.ge [sflag:s23], $0x1  }
0xa9: {  	[sflag:s23] =	ssyncset.done $0x0  }
0xaa: {  	s25 =	simm.s32 $0x1B8E;
	s24 =	sld [smem:$0x3FFE];
	[sflag:s23] =	ssyncadd.s32 $0xFFFFFFFF  }
0xab: {  	s26 =	simm.s32 $execute0_lowered;
	[smem:$0x3FD2] =	sst s25  }
0xac: {  	s5 =	sshll.u32 s26, $0x1;
	_ =	strace $0x80000046;
	[dreg:$0x1] =	wrdreg $0xFFFFFFFF  }
0xad: {  	s28 =	simm.s32 $_size_execute0_lowered;
	s3 =	sadd.s32 s3, s5;
	[dreg:$0x0] =	wrdreg $0x0  }
0xae: {  	s5 =	sshll.u32 s28, $0x1;
	[dreg:$0x2] =	wrdreg s3  }
0xaf: {  	[dreg:$0x3] =	wrdreg s5  }
0xb0: {  	[dreg:$0x4] =	wrdreg $0xC0  }
0xb1: {  	_ =	task [dreg:s7], $0x5FFFF  }
0xb2: {  	[dreg:$0x1] =	wrdreg $0xFFFFFFFF  }
0xb3: {  	[dreg:$0x0] =	wrdreg $0x60  }
0xb4: {  	[dreg:$0x2] =	wrdreg s16  }
0xb5: {  	[dreg:$0x3] =	wrdreg s24  }
0xb6: {  	[dreg:$0x4] =	wrdreg $0x0  }
0xb7: {  	[dreg:$0x5] =	wrdreg $0x9  }
0xb8: {  	_ =	task.clear_ibuf [dreg:s7], $0x6FFFF;
	_ =	strace $0x90000046  }
0xb9: {  	s29 =	simm.s32 $0x9;
	_ =	strace $0x80000048  }
0xba: {  	_ =	swait.ge [sflag:s29], $0x1  }
0xbb: {  	[sflag:s29] =	ssyncadd.s32 $0xFFFFFFFF  }
0xbc: {  	_ =	strace $0x90000048  }
0xbd: {  	_ =	sfence  }
0xbe: {  	s30 =	sld [smem:$0x0];
	_ =	sdelay $0x2  }
0xbf: {  	s31 =	sshll.u32 s1, $0xD;
	s1 =	sshrl.u32 s1, $0x2  }
0xc0: {  	s3 =	sand.u32 $0x4000, s31;
	s1 =	sadd.s32 s1, s30  }
0xc1: {  	s0 =	sor.u32 s3, s0;
	s1 =	sshll.u32 s1, $0x11  }
0xc2: {  	s0 =	sor.u32 s1, s0  }
0xc3: {  	s0 =	sadd.s32 $0x8F2B, s0  }
0xc4: {  	[sflag:s0] =	ssyncadd.remote.s32 $0x1  }
0xc5: {  	_ =	sfence.sel $0xFFFF  }
0xc6: {  	[dreg:$0x0] =	wrdreg $0xFFFFFFFF;
	(pc) =	sbr.abs _section_cstart, $3  }
0xc7: {  	[dreg:$0x1] =	wrdreg $0xFFFFFFFF  }
0xc8: {  	_ =	task.clear_ibuf [dreg:s7], $0x2FFFF;
	_ =	strace $0x9FFFFFFF  }
0xc9: {  	(tm) =	ssettm $0x7FFFFFFF  }
tec
execute0_lowered:
.L_overlay_start_1:
0x0: {  	(tag) =	ssettag $0x1  }
0x1: {  	s3 =	rddreg [dreg:$0x0]  }
0x2: {  	s4 =	rddreg [dreg:$0x1]  }
0x3: {  	s1 =	rddreg [dreg:$0x2]  }
0x4: {  	s0 =	rddreg [dreg:$0x3]  }
0x5: {  	s2 =	simm.s32 $0x0;
	s5 =	srdreg.scid;
	s6 =	stileid.u32  }
0x6: {  	[smem:$0x7FF] =	sst s2;
	s5 =	sand.u32 $0x1, s5;
	s9 =	sshll.u32 s6, $0xB  }
0x7: {  	p0 =	sne.s32 s6, $0x0;
	s6 =	simm.s32 $0x42F8;
	_ =	strace $0x80000047  }
0x8: {  	s7 =	sshll.u32 s5, $0x4;
	s8 =	ssub.s32 $0x2, s5;
	s5 =	sshll.u32 s5, $0xF  }
0x9: {  	s3 =	sadd.s32 s3, s9;
	s9 =	simm.s32 $0x50;
	s11 =	sshrl.u32 @!p0 s1, $0x3  }
0xa: {  	s10 =	sshrl.u32 s8, $0x1;
	s4 =	sadd.s32 s7, s4;
	s3 =	sadd.s32 s5, s3  }
0xb: {  	s7 =	simm.s32 $0x1;
	s31 =	ssub.s32 s8, s10;
	s4 =	sadd.s32 $0x19200, s4  }
0xc: {  	v0 =	vimm.f32 $1.000000000e+00;
	v1 =	vimm.f32 $0.0e+00;
	s8 =	simm.s32 $0x278;
	s10 =	simm.s32 $0x4278;
	s5 =	smax.u32 s31, $0x1  }
.LBB2_1:
.Ltmp0:
0xd: {  	[tilespmem:$0x4278] =	vst v0;
	(pc) =	sbr.rel @p0 .LBB2_5-.Ltmp0, $4  }
0xe: {  	[tilespmem:$0x4288] =	vst v0  }
0xf: {  	[tilespmem:$0x4298] =	vst v0  }
0x10: {  	[tilespmem:$0x42A8] =	vst v0  }
0x11: {  	[tilespmem:$0x42B8] =	vst v0  }
0x12: {  	s12 =	simm.s32 $0x40;
	s13 =	simm.s32 $0x0  }
.LBB2_3:
0x13: {  	p1 =	sne.s32 s12, $0x9C00;
	[tilespmem:s13+$0x42F8] =	vst v1;
	s13 =	smov.u32 s12;
	s12 =	sadd.s32 $0x40, s12  }
.Ltmp1:
0x14: {  	(pc) =	sbr.rel @p1 .LBB2_3-.Ltmp1, $2  }
0x15: {  	_ =	sdelay $0x2  }
0x16: {  	s13 =	sshra.s32 s13, $0x2  }
0x17: {  	[tilespmem:s13+$0x42F8] =	vst v1  }
0x18: {  	[spmem:s1] =	stream.linear.scatter [tilespmem:s6], [sflag:$0x1], $0x2780, $0x38;
	[tilespmem:$0x6A78] =	vst v63  }
0x19: {  	_ =	swait.ge [sflag:s7], $0x2780  }
0x1a: {  	[sflag:s7] =	ssyncset.done $0x0  }
0x1b: {  	[sflag:s7] =	ssyncadd.s32 $0xFFFFD880  }
.LBB2_5:
0x1c: {  	[bflag:$0x0] =	sbarrier.arrive $0xFFFF;
	s12 =	simm.s32 $0x0  }
0x1d: {  	[tilespmem:s8], [sflag:$0x1] =	stream.linear.gather [hbm4b:s3+s12], $0x3E80, $0x38;
	[tilespmem:$0x6A78] =	vst v63  }
0x1e: {  	_ =	swait.ge [sflag:s7], $0x3E80  }
0x1f: {  	[sflag:s7] =	ssyncset.done $0x0  }
0x20: {  	s31 =	simm.s32 $0x278;
	[sflag:s7] =	ssyncadd.s32 $0xFFFFC180  }
0x21: {  	[spmem:s1] =	stream.indirect.scatter.add.f32 [tilespmem:s10], [sflag:$0x1], $0x1, s31, s9, $0xb8;
	[tilespmem:$0x6A78] =	vst v63  }
0x22: {  	s12 =	simm.s32 $0x200;
	_ =	swait.ge [sflag:s7], $0x50  }
.LBB2_6:
0x23: {  	s13 =	sshra.s32 s12, $0x2;
	[sflag:s7] =	ssyncset.done $0x0;
	p1 =	sne.s32 s12, $0xF800  }
.Ltmp2:
0x24: {  	s13 =	sadd.s32 $0x278, s13;
	[sflag:s7] =	ssyncadd.s32 $0xFFFFFFB0;
	(pc) =	sbr.rel @p1 .LBB2_6-.Ltmp2, $3  }
0x25: {  	[spmem:s1] =	stream.indirect.scatter.add.f32 [tilespmem:s10], [sflag:$0x1], $0x1, s13, s9, $0xb8;
	[tilespmem:$0x6A78] =	vst v63  }
0x26: {  	s12 =	sadd.s32 $0x200, s12;
	_ =	sdelay $0x1  }
0x27: {  	_ =	swait.ge [sflag:s7], $0x50  }
0x28: {  	[sflag:s7] =	ssyncset.done $0x0  }
0x29: {  	s12 =	simm.s32 @!p0 $0x1;
	s13 =	simm.s32 @!p0 $0x20;
	s2 =	sadd.s32 $0x1, s2  }
0x2a: {  	s14 =	simm.s32 @!p0 $0x10;
	[sflag:s7] =	ssyncadd.s32 $0xFFFFFFB0;
	p1 =	sne.s32 s2, s5  }
.Ltmp3:
0x2b: {  	s15 =	simm.s32 @!p0 $0x1C01;
	[bflag:$0x0] =	sbarrier.arrive $0xFFFF;
	(pc) =	sbr.rel @p1 .LBB2_1-.Ltmp3, $4  }
0x2c: {  	[hbm:s4@s13], [sflag:s15] =	dma.strided @!p0 [spmem:s11@s14], $0x4F0, s12, $0x10   }
0x2d: {  	_ =	swait.ge @!p0 [sflag:s12], $0x4F0  }
0x2e: {  	[sflag:s12] =	ssyncset.done @!p0 $0x0  }
0x2f: {  	[sflag:s12] =	ssyncadd.s32 @!p0 $0xFFFFFB10  }
0x30: {  	_ =	sfence.sel $0x180000  }
0x31: {  	[bflag:$0x0] =	sbarrier.arrive $0xFFFF  }
0x32: {  	_ =	strace $0x90000047  }
0x33: {  	s0 =	sadd.s32 @!p0 $0x100000, s0;
	[bflag:$0x2] =	sbarrier.arrive $0xFFFF  }
0x34: {  	[sflag:s0] =	ssyncadd.tile.s32 @!p0 $0x1;
	_ =	shalt  }
.Lfunc_end2:
_tile_overlayer_lowered:
.L_overlay_start_2:
0x35: {  	(tag) =	ssettag $0x2  }
0x36: {  	s0 =	rddreg [dreg:$0x0];
	s2 =	stileid.u32  }
0x37: {  	s1 =	rddreg [dreg:$0x1];
	p0 =	sne.s32 s2, $0x0  }
0x38: {  	s3 =	rddreg [dreg:$0x2];
	[bflag:$0x3] =	sbarrier.arrive $0xFFFF;
	s2 =	simm.s32 @!p0 $0x1C01  }
0x39: {  	[timem:s3], [sflag:s2] =	dma.local @!p0 [hbm:s0], s1  }
0x3a: {  	s0 =	simm.s32 @!p0 $0x1  }
0x3b: {  	_ =	swait.ge @!p0 [sflag:s0], s1  }
0x3c: {  	s1 =	ssub.s32 @!p0 $0x0, s1;
	[sflag:s0] =	ssyncset.done @!p0 $0x0  }
0x3d: {  	[sflag:s0] =	ssyncadd.s32 @!p0 s1  }
0x3e: {  	[bflag:$0x3] =	sbarrier.arrive $0xFFFF  }
0x3f: {  	_ =	shalt  }

// kernel: kernel.13.cloned.1.call-start
scs
__scs_entry_jumppad:
0x0: {  	(pc) =	sbr.rel $0x88, $3  }
0x1: {  	(tag) =	ssettag $0x0;
	lr =	simm.s32 $0x1  }
0x2: {  	[smem:$0x3F93] =	sst lr;
	_ =	strace $0xD0000000  }
0x3: {  	_ = 	snop  }
0x4: {  	_ = 	snop  }
0x5: {  	_ = 	snop  }
0x6: {  	_ = 	snop  }
0x7: {  	_ = 	snop  }
__scs_overlays_trampoline_lowered:
0x8: {  	[smem:$0x3FA2] =	sst s0  }
0x9: {  	[smem:$0x3FA3] =	sst s1  }
0xa: {  	[smem:$0x3FA4] =	sst s2  }
0xb: {  	[smem:$0x3FA5] =	sst s3  }
0xc: {  	[smem:$0x3FA6] =	sst s4  }
0xd: {  	[smem:$0x3FA7] =	sst s5  }
0xe: {  	[smem:$0x3FA8] =	sst s6  }
0xf: {  	[smem:$0x3FA9] =	sst s7  }
0x10: {  	[smem:$0x3FAA] =	sst s8  }
0x11: {  	[smem:$0x3FAB] =	sst s9;
	s0 =	simm.s32 @!p0 $0x0  }
0x12: {  	s1 =	sld [smem:$0x3F91];
	s0 =	simm.s32 @p0 $0x1  }
0x13: {  	[smem:$0x3FAC] =	sst s0;
	s0 =	simm.s32 @!p1 $0x0  }
0x14: {  	s2 =	sld [smem:$0x3F90];
	s0 =	simm.s32 @p1 $0x1  }
0x15: {  	[smem:$0x3FAD] =	sst s0;
	s0 =	simm.s32 @!p2 $0x0  }
0x16: {  	s3 =	sld [smem:$0x3FDB];
	s0 =	simm.s32 @p2 $0x1  }
0x17: {  	s4 =	simm.s32 $0x1BF5;
	[smem:$0x3FAF] =	sst s0  }
0x18: {  	s0 =	sld [smem:$0x3F92];
	_ =	swait.ge [sflag:s4], $0x0  }
0x19: {  	s7 =	sld [smem:$0x3F93]  }
0x1a: {  	s8 =	sadd.s32 $0xFFFFE003, lr  }
0x1b: {  	s9 =	sadd.s32 $0xFFFFFEF7, lr;
	s5 =	simm.s32 $0xFFFFFFFF;
	p2 =	slt.u32 s8, $0xFFFFF086  }
0x1c: {  	p1 =	slt.u32 s9, $0xF7A;
	s5 =	simm.s32 @!p2 $0x0  }
0x1d: {  	s5 =	simm.s32 @p1 $0x1;
	p0 =	seq.s32 s7, s2  }
0x1e: {  	s7 =	smul.u32 @!p0 $0xF7A, s2;
	p2 =	seq.s32 @!p0 s5, $0x0  }
0x1f: {  	s9 =	smul.u32 $0xF7A, s1;
	s8 =	simm.s32 @!p0 $0x1BF5;
	p2 =	por !p2, p0  }
0x20: {  	[sflag:s8] =	ssyncset.s32 @!p0 $0xFFFFF086;
	s6 =	sadd.s32 @!p0 s3, s7;
	s7 =	simm.s32 @!p0 $0x108  }
0x21: {  	s3 =	sadd.s32 s3, s9;
	s6 =	sadd.s32 @!p0 $0x88, s6;
	s7 =	simm.s32 @p2 $0x1082  }
0x22: {  	[simem:s7], [sflag:s8] =	dma.local @!p0 [hbm:s6], $0xF7A  }
0x23: {  	s9 =	sor.u32 $0xD0000000, s2;
	s6 =	simm.s32 $0x108;
	_ =	swait.ge @!p0 [sflag:s8], $0x0  }
0x24: {  	s3 =	sadd.s32 $0x88, s3;
	s6 =	simm.s32 @!p1 $0x1082;
	[sflag:s4] =	ssyncset.s32 $0xFFFFF086  }
0x25: {  	[simem:s6], [sflag:s4] =	dma.local [hbm:s3], $0xF7A  }
0x26: {  	[smem:$0x3F93] =	sst s1;
	(tag) =	ssettag s2;
	_ =	strace s9  }
0x27: {  	s1 =	sld [smem:$0x3FA3]  }
0x28: {  	s2 =	sld [smem:$0x3FA4]  }
0x29: {  	s4 =	sld [smem:$0x3FA6]  }
0x2a: {  	p0 =	seq.s32 s5, $0x0;
	s5 =	sld [smem:$0x3FA7]  }
0x2b: {  	s6 =	sld [smem:$0x3FA8]  }
0x2c: {  	s7 =	sld [smem:$0x3FA9]  }
0x2d: {  	s3 =	simm.s32 $0x108;
	s8 =	sld [smem:$0x3FAA]  }
0x2e: {  	s3 =	simm.s32 @!p0 $0x1082;
	s9 =	sld [smem:$0x3FAB]  }
0x2f: {  	lr =	sadd.s32 s0, s3;
	s0 =	sld [smem:$0x3FA2]  }
0x30: {  	s3 =	sld [smem:$0x3FA5]  }
0x31: {  	[smem:$0x3FAE] =	sst s10  }
0x32: {  	s10 =	sld [smem:$0x3FAC];
	_ =	sdelay $0x3  }
0x33: {  	p0 =	seq.s32 s10, $0x1;
	s10 =	sld [smem:$0x3FAE];
	_ =	sdelay $0x3  }
0x34: {  	[smem:$0x3FAE] =	sst s10  }
0x35: {  	s10 =	sld [smem:$0x3FAD];
	_ =	sdelay $0x3  }
0x36: {  	p1 =	seq.s32 s10, $0x1;
	s10 =	sld [smem:$0x3FAE];
	_ =	sdelay $0x3  }
0x37: {  	[smem:$0x3FAE] =	sst s10  }
0x38: {  	s10 =	sld [smem:$0x3FAF]  }
0x39: {  	_ = 	snop;
	(pc) =	sbr.ind lr, $3  }
0x3a: {  	_ = 	snop  }
0x3b: {  	_ = 	snop  }
0x3c: {  	p2 =	seq.s32 s10, $0x1;
	s10 =	sld [smem:$0x3FAE]  }
0x3d: {  	_ =	shalt  }
0x3e: {  	_ =	shalt  }
0x3f: {  	_ =	shalt  }
0x40: {  	_ =	shalt  }
0x41: {  	_ =	shalt  }
0x42: {  	_ =	shalt  }
0x43: {  	_ =	shalt  }
0x44: {  	_ =	shalt  }
0x45: {  	_ =	shalt  }
0x46: {  	_ =	shalt  }
0x47: {  	_ =	shalt  }
0x48: {  	_ =	shalt  }
0x49: {  	_ =	shalt  }
0x4a: {  	_ =	shalt  }
0x4b: {  	_ =	shalt  }
0x4c: {  	_ =	shalt  }
0x4d: {  	_ =	shalt  }
0x4e: {  	_ =	shalt  }
0x4f: {  	_ =	shalt  }
0x50: {  	_ =	shalt  }
0x51: {  	_ =	shalt  }
0x52: {  	_ =	shalt  }
0x53: {  	_ =	shalt  }
0x54: {  	_ =	shalt  }
0x55: {  	_ =	shalt  }
0x56: {  	_ =	shalt  }
0x57: {  	_ =	shalt  }
0x58: {  	_ =	shalt  }
0x59: {  	_ =	shalt  }
0x5a: {  	_ =	shalt  }
0x5b: {  	_ =	shalt  }
0x5c: {  	_ =	shalt  }
0x5d: {  	_ =	shalt  }
0x5e: {  	_ =	shalt  }
0x5f: {  	_ =	shalt  }
0x60: {  	_ =	shalt  }
0x61: {  	_ =	shalt  }
0x62: {  	_ =	shalt  }
0x63: {  	_ =	shalt  }
0x64: {  	_ =	shalt  }
0x65: {  	_ =	shalt  }
0x66: {  	_ =	shalt  }
0x67: {  	_ =	shalt  }
0x68: {  	_ =	shalt  }
0x69: {  	_ =	shalt  }
0x6a: {  	_ =	shalt  }
0x6b: {  	_ =	shalt  }
0x6c: {  	_ =	shalt  }
0x6d: {  	_ =	shalt  }
0x6e: {  	_ =	shalt  }
0x6f: {  	_ =	shalt  }
0x70: {  	_ =	shalt  }
0x71: {  	_ =	shalt  }
0x72: {  	_ =	shalt  }
0x73: {  	_ =	shalt  }
0x74: {  	_ =	shalt  }
0x75: {  	_ =	shalt  }
0x76: {  	_ =	shalt  }
0x77: {  	_ =	shalt  }
0x78: {  	_ =	shalt  }
0x79: {  	_ =	shalt  }
0x7a: {  	_ =	shalt  }
0x7b: {  	_ =	shalt  }
0x7c: {  	_ =	shalt  }
0x7d: {  	_ =	shalt  }
0x7e: {  	_ =	shalt  }
0x7f: {  	_ =	shalt  }
0x80: {  	_ =	shalt  }
0x81: {  	_ =	shalt  }
0x82: {  	_ =	shalt  }
0x83: {  	_ =	shalt  }
0x84: {  	_ =	shalt  }
0x85: {  	_ =	shalt  }
0x86: {  	_ =	shalt  }
0x87: {  	_ =	shalt  }
.Lfunc_end0:
.L_simem_size_0:
called_computation.1_lowered:
.L_overlay_start_0:
0x88: {  	s2 =	sld [smem:$0x3FD9]  }
0x89: {  	s3 =	sld [smem:$0x3FFE];
	_ =	sdelay $0x1  }
0x8a: {  	s1 =	srdreg.scid  }
0x8b: {  	s0 =	sand.u32 $0x1, s1  }
0x8c: {  	s14 =	sshll.u32 s0, $0xA;
	s2 =	sadd.s32 s3, s2  }
0x8d: {  	s2 =	sadd.s32 s2, s14  }
0x8e: {  	[smem:$0x3FBA] =	sst s2  }
0x8f: {  	_ = 	snop  }
0x90: {  	s2 =	sld [smem:$0x3FD0];
	_ =	sdelay $0x2  }
0x91: {  	s15 =	simm.s32 $0xA;
	s4 =	simm.s32 $0x10  }
0x92: {  	[smem:s4], [sflag:s15] =	dma.local [hbm:s2], $0x1  }
0x93: {  	_ =	swait.eq [sflag:s15], $0x1  }
0x94: {  	[sflag:s15] =	ssyncset.done $0x0  }
0x95: {  	[sflag:s15] =	ssyncadd.s32 $0xFFFFFFFF  }
0x96: {  	s16 =	sld [smem:$0x10];
	(tm) =	ssettm $0x1  }
0x97: {  	s17 =	sld [smem:$0x3FFB];
	_ =	sdelay $0x3  }
0x98: {  	_ =	strace s17  }
0x99: {  	s3 =	sld [smem:$0x3FFC];
	_ =	sdelay $0x3  }
0x9a: {  	_ =	strace s3  }
0x9b: {  	s3 =	sld [smem:$0x3FFD];
	_ =	sdelay $0x3  }
0x9c: {  	_ =	strace s3  }
0x9d: {  	_ =	strace $0x8FFFFFFF  }
0x9e: {  	s18 =	sld [smem:$0x3FDB];
	_ =	sdelay $0x1  }
0x9f: {  	s19 =	simm.s32 $_scs_section_size  }
0xa0: {  	s5 =	simm.s32 $_size__tile_overlayer_lowered;
	s6 =	simm.s32 $_tile_overlayer_lowered  }
0xa1: {  	s22 =	simm.s32 $0x1BFF;
	s21 =	sshll.u32 s6, $0x1;
	s3 =	sadd.s32 s19, s18  }
0xa2: {  	s7 =	simm.s32 $0x0;
	s20 =	sshll.u32 s5, $0x1;
	s5 =	sadd.s32 s21, s3  }
0xa3: {  	[timem:s7], [sflag:s22] =	dma.local [hbm:s5], s20  }
0xa4: {  	_ =	swait.ge [sflag:s22], s20  }
0xa5: {  	s4 =	ssub.s32 $0x0, s20;
	[sflag:s22] =	ssyncset.done $0x0  }
0xa6: {  	[sflag:s22] =	ssyncadd.s32 s4;
	_ =	sdelay $0x1  }
0xa7: {  	s23 =	simm.s32 $0x1B8B  }
0xa8: {  	_ =	swait.ge [sflag:s23], $0x1  }
0xa9: {  	[sflag:s23] =	ssyncset.done $0x0  }
0xaa: {  	s25 =	simm.s32 $0x1B8E;
	s24 =	sld [smem:$0x3FFE];
	[sflag:s23] =	ssyncadd.s32 $0xFFFFFFFF  }
0xab: {  	s26 =	simm.s32 $execute0_lowered;
	[smem:$0x3FD2] =	sst s25  }
0xac: {  	s5 =	sshll.u32 s26, $0x1;
	_ =	strace $0x80000049;
	[dreg:$0x1] =	wrdreg $0xFFFFFFFF  }
0xad: {  	s28 =	simm.s32 $_size_execute0_lowered;
	s3 =	sadd.s32 s3, s5;
	[dreg:$0x0] =	wrdreg $0x0  }
0xae: {  	s5 =	sshll.u32 s28, $0x1;
	[dreg:$0x2] =	wrdreg s3  }
0xaf: {  	[dreg:$0x3] =	wrdreg s5  }
0xb0: {  	[dreg:$0x4] =	wrdreg $0xC0  }
0xb1: {  	_ =	task [dreg:s7], $0x5FFFF  }
0xb2: {  	[dreg:$0x1] =	wrdreg $0xFFFFFFFF  }
0xb3: {  	[dreg:$0x0] =	wrdreg $0x60  }
0xb4: {  	[dreg:$0x2] =	wrdreg s16  }
0xb5: {  	[dreg:$0x3] =	wrdreg s24  }
0xb6: {  	[dreg:$0x4] =	wrdreg $0x0  }
0xb7: {  	[dreg:$0x5] =	wrdreg $0x9  }
0xb8: {  	_ =	task.clear_ibuf [dreg:s7], $0x6FFFF;
	_ =	strace $0x90000049  }
0xb9: {  	s29 =	simm.s32 $0x9;
	_ =	strace $0x8000004B  }
0xba: {  	_ =	swait.ge [sflag:s29], $0x1  }
0xbb: {  	[sflag:s29] =	ssyncadd.s32 $0xFFFFFFFF  }
0xbc: {  	_ =	strace $0x9000004B  }
0xbd: {  	_ =	sfence  }
0xbe: {  	s30 =	sld [smem:$0x0];
	_ =	sdelay $0x2  }
0xbf: {  	s31 =	sshll.u32 s1, $0xD;
	s1 =	sshrl.u32 s1, $0x2  }
0xc0: {  	s3 =	sand.u32 $0x4000, s31;
	s1 =	sadd.s32 s1, s30  }
0xc1: {  	s0 =	sor.u32 s3, s0;
	s1 =	sshll.u32 s1, $0x11  }
0xc2: {  	s0 =	sor.u32 s1, s0  }
0xc3: {  	s0 =	sadd.s32 $0x8F2B, s0  }
0xc4: {  	[sflag:s0] =	ssyncadd.remote.s32 $0x1  }
0xc5: {  	_ =	sfence.sel $0xFFFF  }
0xc6: {  	[dreg:$0x0] =	wrdreg $0xFFFFFFFF;
	(pc) =	sbr.abs _section_cstart, $3  }
0xc7: {  	[dreg:$0x1] =	wrdreg $0xFFFFFFFF  }
0xc8: {  	_ =	task.clear_ibuf [dreg:s7], $0x2FFFF;
	_ =	strace $0x9FFFFFFF  }
0xc9: {  	(tm) =	ssettm $0x7FFFFFFF  }
tec
execute0_lowered:
.L_overlay_start_1:
0x0: {  	(tag) =	ssettag $0x1  }
0x1: {  	s0 =	rddreg [dreg:$0x0]  }
0x2: {  	s1 =	srdreg.scid;
	s5 =	rddreg [dreg:$0x1]  }
0x3: {  	s12 =	stileid.u32;
	s2 =	rddreg [dreg:$0x2]  }
0x4: {  	s3 =	simm.s32 $0x0;
	s17 =	simm.s32 $0x50;
	s18 =	simm.s32 $0x18780  }
0x5: {  	s19 =	simm.s32 $0x138D0;
	s20 =	simm.s32 $0x1AF80;
	s21 =	simm.s32 $0x1D780  }
0x6: {  	s22 =	simm.s32 $0x1;
	s23 =	simm.s32 $0x2;
	s28 =	simm.s32 $0x0  }
0x7: {  	s4 =	sand.u32 $0x1, s1;
	[smem:$0x7FF] =	sst s3;
	s7 =	smul.u32 $0x4E000, s12  }
0x8: {  	s10 =	smul.u32 $0x13800, s12;
	s11 =	sadd.s32 $0x40400, s5;
	s26 =	sshll.u32 s12, $0x6  }
0x9: {  	s15 =	sadd.s32 $0x138000, s2;
	p0 =	sne.s32 s12, $0x0;
	s1 =	sshll.u32 s4, $0x4  }
0xa: {  	_ =	strace $0x8000004A;
	s24 =	ssub.s32 $0x2, s4;
	s29 =	smul.u32 $0x138800, s4  }
0xb: {  	s6 =	sor.u32 s12, s1;
	s9 =	sshrl.u32 s24, $0x1;
	s7 =	sshrl.u32 s7, $0x2  }
0xc: {  	s25 =	sshrl.u32 s10, $0x3;
	s6 =	smul.u32 $0x4E2, s6;
	s13 =	ssub.s32 s24, s9  }
0xd: {  	s14 =	sadd.s32 s7, s2;
	s4 =	sadd.s32 s0, s25;
	s30 =	sadd.s32 s10, s29  }
0xe: {  	s31 =	sshrl.u32 s29, $0x3;
	s24 =	simm.s32 $0x3;
	s25 =	simm.s32 $0x18670  }
0xf: {  	s9 =	sshrl.u32 s30, $0x3;
	s10 =	sadd.s32 s11, s31;
	s12 =	sshrl.u32 s14, $0x3  }
0x10: {  	s14 =	sshrl.u32 @!p0 s15, $0x3;
	s15 =	simm.s32 $0x13880;
	s8 =	sadd.s32 s6, s5  }
0x11: {  	s5 =	sor.u32 $0x1C04, s26;
	s6 =	sadd.s32 $0x27000, s0;
	s9 =	sadd.s32 s11, s9  }
0x12: {  	s10 =	sadd.s32 $0x27000, s10;
	s11 =	smax.u32 s13, $0x1;
	s13 =	simm.s32 $0x4  }
0x13: {  	s26 =	simm.s32 $0x186C0;
	s7 =	sadd.s32 $0x5600, s8;
	s8 =	sadd.s32 $0xF400, s8  }
.LBB2_1:
0x14: {  	[spmem:s12], [sflag:s5] =	dma.local [hbm:s4], $0x2700  }
0x15: {  	_ =	swait.ge [sflag:s13], $0x2700  }
0x16: {  	[sflag:s13] =	ssyncset.done $0x0  }
0x17: {  	s29 =	simm.s32 @!p0 $0x4;
	[sflag:s13] =	ssyncadd.s32 $0xFFFFD900  }
0x18: {  	[spmem:s14], [sflag:s5] =	dma.local @!p0 [hbm:s6], $0x100  }
0x19: {  	_ =	swait.ge @!p0 [sflag:s29], $0x100  }
0x1a: {  	[sflag:s29] =	ssyncset.done @!p0 $0x0  }
0x1b: {  	[sflag:s29] =	ssyncadd.s32 @!p0 $0xFFFFFF00  }
0x1c: {  	[bflag:$0x0] =	sbarrier.arrive $0xFFFF  }
0x1d: {  	[tilespmem:s15], [sflag:$0x4] =	stream.linear.gather [hbm4b:s7+s3], $0x2710, $0x38;
	[tilespmem:$0x1FF80] =	vst v63  }
0x1e: {  	_ =	swait.ge [sflag:s13], $0x2710  }
0x1f: {  	[sflag:s13] =	ssyncset.done $0x0  }
0x20: {  	s1 =	simm.s32 $0x16000;
	[sflag:s13] =	ssyncadd.s32 $0xFFFFD8F0  }
0x21: {  	[tilespmem:s1], [sflag:$0x4] =	stream.linear.gather [hbm4b:s8+s3], $0x2710, $0x38;
	[tilespmem:$0x1FF80] =	vst v63  }
0x22: {  	_ =	swait.ge [sflag:s13], $0x2710  }
0x23: {  	[sflag:s13] =	ssyncset.done $0x0  }
0x24: {  	[sflag:s13] =	ssyncadd.s32 $0xFFFFD8F0  }
0x25: {  	[tilespmem:s18], [sflag:$0x1] =	stream.indirect.gather [hbm4b:s0+s17], $0x80, s15, s17, $0xb8;
	[tilespmem:$0x1FF80] =	vst v63  }
0x26: {  	_ = 	snop  }
0x27: {  	[tilespmem:s20], [sflag:$0x2] =	stream.indirect.gather [hbm4b:s0+s17], $0x80, s19, s17, $0xb8;
	[tilespmem:$0x1FF80] =	vst v63  }
0x28: {  	s29 =	simm.s32 $0x13920  }
0x29: {  	[tilespmem:s21], [sflag:$0x3] =	stream.indirect.gather [hbm4b:s0+s17], $0x80, s29, s17, $0xb8;
	[tilespmem:$0x1FF80] =	vst v63  }
0x2a: {  	_ =	swait.ge [sflag:s22], $0x2800  }
0x2b: {  	[sflag:s22] =	ssyncset.done $0x0  }
0x2c: {  	s29 =	simm.s32 $0x16000;
	[sflag:s22] =	ssyncadd.s32 $0xFFFFD800  }
0x2d: {  	[spmem:s2] =	stream.indirect.scatter.add.f32 [tilespmem:s18], [sflag:$0x4], $0x80, s29, s17, $0xb8;
	[tilespmem:$0x1FF80] =	vst v63  }
0x2e: {  	_ =	swait.ge [sflag:s13], $0x2800  }
0x2f: {  	[sflag:s13] =	ssyncset.done $0x0  }
0x30: {  	s29 =	simm.s32 $0x13970;
	[sflag:s13] =	ssyncadd.s32 $0xFFFFD800  }
0x31: {  	[tilespmem:s18], [sflag:$0x1] =	stream.indirect.gather [hbm4b:s0+s17], $0x80, s29, s17, $0xb8;
	[tilespmem:$0x1FF80] =	vst v63  }
0x32: {  	_ =	swait.ge [sflag:s23], $0x2800  }
0x33: {  	[sflag:s23] =	ssyncset.done $0x0  }
0x34: {  	s29 =	simm.s32 $0x16050;
	[sflag:s23] =	ssyncadd.s32 $0xFFFFD800  }
0x35: {  	[spmem:s2] =	stream.indirect.scatter.add.f32 [tilespmem:s20], [sflag:$0x4], $0x80, s29, s17, $0xb8;
	[tilespmem:$0x1FF80] =	vst v63  }
0x36: {  	_ =	swait.ge [sflag:s13], $0x2800  }
0x37: {  	[sflag:s13] =	ssyncset.done $0x0  }
0x38: {  	s29 =	simm.s32 $0x139C0;
	[sflag:s13] =	ssyncadd.s32 $0xFFFFD800  }
0x39: {  	[tilespmem:s20], [sflag:$0x2] =	stream.indirect.gather [hbm4b:s0+s17], $0x80, s29, s17, $0xb8;
	[tilespmem:$0x1FF80] =	vst v63  }
0x3a: {  	_ =	swait.ge [sflag:s24], $0x2800  }
0x3b: {  	[sflag:s24] =	ssyncset.done $0x0  }
0x3c: {  	s29 =	simm.s32 $0x160A0;
	[sflag:s24] =	ssyncadd.s32 $0xFFFFD800  }
0x3d: {  	[spmem:s2] =	stream.indirect.scatter.add.f32 [tilespmem:s21], [sflag:$0x4], $0x80, s29, s17, $0xb8;
	[tilespmem:$0x1FF80] =	vst v63  }
0x3e: {  	_ =	swait.ge [sflag:s13], $0x2800  }
0x3f: {  	s30 =	simm.s32 $0x780;
	s29 =	simm.s32 $0xF0;
	[sflag:s13] =	ssyncset.done $0x0  }
.LBB2_2:
0x40: {  	s31 =	sadd.s32 $0x13920, s29  }
0x41: {  	[sflag:s13] =	ssyncadd.s32 $0xFFFFD800;
	s1 =	smov.u32 s30;
	s16 =	sadd.s32 $0x3C0, s30  }
0x42: {  	[tilespmem:s21], [sflag:$0x3] =	stream.indirect.gather [hbm4b:s0+s17], $0x80, s31, s17, $0xb8;
	[tilespmem:$0x1FF80] =	vst v63  }
0x43: {  	p1 =	sne.s32 s30, $0x9600;
	_ =	swait.ge [sflag:s22], $0x2800  }
0x44: {  	[sflag:s22] =	ssyncset.done $0x0  }
0x45: {  	s30 =	sadd.s32 $0x16000, s29;
	[sflag:s22] =	ssyncadd.s32 $0xFFFFD800  }
0x46: {  	[spmem:s2] =	stream.indirect.scatter.add.f32 [tilespmem:s18], [sflag:$0x4], $0x80, s30, s17, $0xb8;
	[tilespmem:$0x1FF80] =	vst v63  }
0x47: {  	_ =	swait.ge [sflag:s13], $0x2800  }
0x48: {  	[sflag:s13] =	ssyncset.done $0x0  }
0x49: {  	s30 =	sadd.s32 $0x13970, s29;
	[sflag:s13] =	ssyncadd.s32 $0xFFFFD800  }
0x4a: {  	[tilespmem:s18], [sflag:$0x1] =	stream.indirect.gather [hbm4b:s0+s17], $0x80, s30, s17, $0xb8;
	[tilespmem:$0x1FF80] =	vst v63  }
0x4b: {  	_ =	swait.ge [sflag:s23], $0x2800  }
0x4c: {  	[sflag:s23] =	ssyncset.done $0x0  }
0x4d: {  	s30 =	sadd.s32 $0x16050, s29;
	[sflag:s23] =	ssyncadd.s32 $0xFFFFD800  }
0x4e: {  	[spmem:s2] =	stream.indirect.scatter.add.f32 [tilespmem:s20], [sflag:$0x4], $0x80, s30, s17, $0xb8;
	[tilespmem:$0x1FF80] =	vst v63  }
0x4f: {  	_ =	swait.ge [sflag:s13], $0x2800  }
0x50: {  	[sflag:s13] =	ssyncset.done $0x0  }
0x51: {  	s30 =	sadd.s32 $0x139C0, s29;
	[sflag:s13] =	ssyncadd.s32 $0xFFFFD800  }
0x52: {  	[tilespmem:s20], [sflag:$0x2] =	stream.indirect.gather [hbm4b:s0+s17], $0x80, s30, s17, $0xb8;
	[tilespmem:$0x1FF80] =	vst v63  }
0x53: {  	_ =	swait.ge [sflag:s24], $0x2800  }
.Ltmp0:
0x54: {  	[sflag:s24] =	ssyncset.done $0x0;
	(pc) =	sbr.rel @p1 .LBB2_2-.Ltmp0, $4  }
0x55: {  	s29 =	sadd.s32 $0x160A0, s29;
	[sflag:s24] =	ssyncadd.s32 $0xFFFFD800  }
0x56: {  	[spmem:s2] =	stream.indirect.scatter.add.f32 [tilespmem:s21], [sflag:$0x4], $0x80, s29, s17, $0xb8;
	[tilespmem:$0x1FF80] =	vst v63  }
0x57: {  	_ =	swait.ge [sflag:s13], $0x2800  }
0x58: {  	s30 =	smov.u32 s16;
	s29 =	sshra.s32 s1, $0x2;
	[sflag:s13] =	ssyncset.done $0x0  }
0x59: {  	s1 =	sadd.s32 $0x13920, s29;
	[sflag:s13] =	ssyncadd.s32 $0xFFFFD800  }
0x5a: {  	[tilespmem:s21], [sflag:$0x3] =	stream.indirect.gather [hbm4b:s0+s17], $0x80, s1, s17, $0xb8;
	[tilespmem:$0x1FF80] =	vst v63  }
0x5b: {  	_ =	swait.ge [sflag:s22], $0x2800  }
0x5c: {  	[sflag:s22] =	ssyncset.done $0x0  }
0x5d: {  	s30 =	sadd.s32 $0x16000, s29;
	[sflag:s22] =	ssyncadd.s32 $0xFFFFD800  }
0x5e: {  	[spmem:s2] =	stream.indirect.scatter.add.f32 [tilespmem:s18], [sflag:$0x4], $0x80, s30, s17, $0xb8;
	[tilespmem:$0x1FF80] =	vst v63  }
0x5f: {  	_ =	swait.ge [sflag:s13], $0x2800  }
0x60: {  	[sflag:s13] =	ssyncset.done $0x0  }
0x61: {  	s31 =	sadd.s32 $0x13970, s29;
	[sflag:s13] =	ssyncadd.s32 $0xFFFFD800  }
0x62: {  	[tilespmem:s18], [sflag:$0x1] =	stream.indirect.gather [hbm4b:s0+s17], $0x80, s31, s17, $0xb8;
	[tilespmem:$0x1FF80] =	vst v63  }
0x63: {  	_ =	swait.ge [sflag:s23], $0x2800  }
0x64: {  	[sflag:s23] =	ssyncset.done $0x0  }
0x65: {  	s16 =	sadd.s32 $0x16050, s29;
	[sflag:s23] =	ssyncadd.s32 $0xFFFFD800  }
0x66: {  	[spmem:s2] =	stream.indirect.scatter.add.f32 [tilespmem:s20], [sflag:$0x4], $0x80, s16, s17, $0xb8;
	[tilespmem:$0x1FF80] =	vst v63  }
0x67: {  	_ =	swait.ge [sflag:s13], $0x2800  }
0x68: {  	[sflag:s13] =	ssyncset.done $0x0  }
0x69: {  	s30 =	sadd.s32 $0x139C0, s29;
	[sflag:s13] =	ssyncadd.s32 $0xFFFFD800  }
0x6a: {  	[tilespmem:s20], [sflag:$0x2] =	stream.indirect.gather [hbm4b:s0+s17], $0x80, s30, s17, $0xb8;
	[tilespmem:$0x1FF80] =	vst v63  }
0x6b: {  	_ =	swait.ge [sflag:s24], $0x2800  }
0x6c: {  	[sflag:s24] =	ssyncset.done $0x0  }
0x6d: {  	s31 =	sadd.s32 $0x160A0, s29;
	[sflag:s24] =	ssyncadd.s32 $0xFFFFD800  }
0x6e: {  	[spmem:s2] =	stream.indirect.scatter.add.f32 [tilespmem:s21], [sflag:$0x4], $0x80, s31, s17, $0xb8;
	[tilespmem:$0x1FF80] =	vst v63  }
0x6f: {  	_ =	swait.ge [sflag:s13], $0x2800  }
0x70: {  	[sflag:s13] =	ssyncset.done $0x0  }
0x71: {  	[sflag:s13] =	ssyncadd.s32 $0xFFFFD800  }
0x72: {  	_ =	swait.ge [sflag:s22], $0x2800  }
0x73: {  	[sflag:s22] =	ssyncset.done $0x0  }
0x74: {  	[sflag:s22] =	ssyncadd.s32 $0xFFFFD800  }
0x75: {  	[spmem:s2] =	stream.indirect.scatter.add.f32 [tilespmem:s18], [sflag:$0x4], $0x80, s25, s17, $0xb8;
	[tilespmem:$0x1FF80] =	vst v63  }
0x76: {  	_ =	swait.ge [sflag:s13], $0x2800  }
0x77: {  	[sflag:s13] =	ssyncset.done $0x0  }
0x78: {  	[sflag:s13] =	ssyncadd.s32 $0xFFFFD800  }
0x79: {  	_ =	swait.ge [sflag:s23], $0x2800  }
0x7a: {  	[sflag:s23] =	ssyncset.done $0x0  }
0x7b: {  	[sflag:s23] =	ssyncadd.s32 $0xFFFFD800  }
0x7c: {  	[spmem:s2] =	stream.indirect.scatter.add.f32 [tilespmem:s20], [sflag:$0x4], $0x80, s26, s17, $0xb8;
	[tilespmem:$0x1FF80] =	vst v63  }
0x7d: {  	_ =	swait.ge [sflag:s13], $0x2800  }
0x7e: {  	[sflag:s13] =	ssyncset.done $0x0  }
0x7f: {  	[sflag:s13] =	ssyncadd.s32 $0xFFFFD800  }
0x80: {  	[bflag:$0x0] =	sbarrier.arrive $0xFFFF  }
0x81: {  	[hbm:s9], [sflag:s5] =	dma.local [spmem:s12], $0x2700  }
0x82: {  	s28 =	sadd.s32 $0x1, s28;
	_ =	swait.ge [sflag:s13], $0x2700  }
0x83: {  	p1 =	sne.s32 s28, s11;
	[sflag:s13] =	ssyncset.done $0x0  }
.Ltmp1:
0x84: {  	s1 =	simm.s32 @!p0 $0x4;
	[sflag:s13] =	ssyncadd.s32 $0xFFFFD900;
	(pc) =	sbr.rel @p1 .LBB2_1-.Ltmp1, $4  }
0x85: {  	[hbm:s10], [sflag:s5] =	dma.local @!p0 [spmem:s14], $0x100  }
0x86: {  	_ =	swait.ge @!p0 [sflag:s1], $0x100  }
0x87: {  	[sflag:s1] =	ssyncset.done @!p0 $0x0  }
0x88: {  	[sflag:s1] =	ssyncadd.s32 @!p0 $0xFFFFFF00  }
0x89: {  	_ =	sfence.sel $0x180000  }
0x8a: {  	[bflag:$0x0] =	sbarrier.arrive $0xFFFF  }
0x8b: {  	_ =	strace $0x9000004A  }
0x8c: {  	[bflag:$0x2] =	sbarrier.arrive $0xFFFF  }
0x8d: {  	s0 =	rddreg [dreg:$0x3]  }
0x8e: {  	s0 =	sadd.s32 @!p0 $0x100000, s0  }
0x8f: {  	[sflag:s0] =	ssyncadd.tile.s32 @!p0 $0x1;
	_ =	shalt  }
.Lfunc_end2:
_tile_overlayer_lowered:
.L_overlay_start_2:
0x90: {  	(tag) =	ssettag $0x2  }
0x91: {  	s0 =	rddreg [dreg:$0x0];
	s2 =	stileid.u32  }
0x92: {  	s1 =	rddreg [dreg:$0x1];
	p0 =	sne.s32 s2, $0x0  }
0x93: {  	s3 =	rddreg [dreg:$0x2];
	[bflag:$0x3] =	sbarrier.arrive $0xFFFF;
	s2 =	simm.s32 @!p0 $0x1C04  }
0x94: {  	[timem:s3], [sflag:s2] =	dma.local @!p0 [hbm:s0], s1  }
0x95: {  	s0 =	simm.s32 @!p0 $0x4  }
0x96: {  	_ =	swait.ge @!p0 [sflag:s0], s1  }
0x97: {  	s1 =	ssub.s32 @!p0 $0x0, s1;
	[sflag:s0] =	ssyncset.done @!p0 $0x0  }
0x98: {  	[sflag:s0] =	ssyncadd.s32 @!p0 s1  }
0x99: {  	[bflag:$0x3] =	sbarrier.arrive $0xFFFF  }
0x9a: {  	_ =	shalt  }

// kernel: kernel.16.cloned.1.call-start
scs
__scs_entry_jumppad:
0x0: {  	(pc) =	sbr.rel $0x88, $3  }
0x1: {  	(tag) =	ssettag $0x0;
	lr =	simm.s32 $0x1  }
0x2: {  	[smem:$0x3F93] =	sst lr;
	_ =	strace $0xD0000000  }
0x3: {  	_ = 	snop  }
0x4: {  	_ = 	snop  }
0x5: {  	_ = 	snop  }
0x6: {  	_ = 	snop  }
0x7: {  	_ = 	snop  }
__scs_overlays_trampoline_lowered:
0x8: {  	[smem:$0x3FA2] =	sst s0  }
0x9: {  	[smem:$0x3FA3] =	sst s1  }
0xa: {  	[smem:$0x3FA4] =	sst s2  }
0xb: {  	[smem:$0x3FA5] =	sst s3  }
0xc: {  	[smem:$0x3FA6] =	sst s4  }
0xd: {  	[smem:$0x3FA7] =	sst s5  }
0xe: {  	[smem:$0x3FA8] =	sst s6  }
0xf: {  	[smem:$0x3FA9] =	sst s7  }
0x10: {  	[smem:$0x3FAA] =	sst s8  }
0x11: {  	[smem:$0x3FAB] =	sst s9;
	s0 =	simm.s32 @!p0 $0x0  }
0x12: {  	s1 =	sld [smem:$0x3F91];
	s0 =	simm.s32 @p0 $0x1  }
0x13: {  	[smem:$0x3FAC] =	sst s0;
	s0 =	simm.s32 @!p1 $0x0  }
0x14: {  	s2 =	sld [smem:$0x3F90];
	s0 =	simm.s32 @p1 $0x1  }
0x15: {  	[smem:$0x3FAD] =	sst s0;
	s0 =	simm.s32 @!p2 $0x0  }
0x16: {  	s3 =	sld [smem:$0x3FDB];
	s0 =	simm.s32 @p2 $0x1  }
0x17: {  	s4 =	simm.s32 $0x1BF5;
	[smem:$0x3FAF] =	sst s0  }
0x18: {  	s0 =	sld [smem:$0x3F92];
	_ =	swait.ge [sflag:s4], $0x0  }
0x19: {  	s7 =	sld [smem:$0x3F93]  }
0x1a: {  	s8 =	sadd.s32 $0xFFFFE003, lr  }
0x1b: {  	s9 =	sadd.s32 $0xFFFFFEF7, lr;
	s5 =	simm.s32 $0xFFFFFFFF;
	p2 =	slt.u32 s8, $0xFFFFF086  }
0x1c: {  	p1 =	slt.u32 s9, $0xF7A;
	s5 =	simm.s32 @!p2 $0x0  }
0x1d: {  	s5 =	simm.s32 @p1 $0x1;
	p0 =	seq.s32 s7, s2  }
0x1e: {  	s7 =	smul.u32 @!p0 $0xF7A, s2;
	p2 =	seq.s32 @!p0 s5, $0x0  }
0x1f: {  	s9 =	smul.u32 $0xF7A, s1;
	s8 =	simm.s32 @!p0 $0x1BF5;
	p2 =	por !p2, p0  }
0x20: {  	[sflag:s8] =	ssyncset.s32 @!p0 $0xFFFFF086;
	s6 =	sadd.s32 @!p0 s3, s7;
	s7 =	simm.s32 @!p0 $0x108  }
0x21: {  	s3 =	sadd.s32 s3, s9;
	s6 =	sadd.s32 @!p0 $0x88, s6;
	s7 =	simm.s32 @p2 $0x1082  }
0x22: {  	[simem:s7], [sflag:s8] =	dma.local @!p0 [hbm:s6], $0xF7A  }
0x23: {  	s9 =	sor.u32 $0xD0000000, s2;
	s6 =	simm.s32 $0x108;
	_ =	swait.ge @!p0 [sflag:s8], $0x0  }
0x24: {  	s3 =	sadd.s32 $0x88, s3;
	s6 =	simm.s32 @!p1 $0x1082;
	[sflag:s4] =	ssyncset.s32 $0xFFFFF086  }
0x25: {  	[simem:s6], [sflag:s4] =	dma.local [hbm:s3], $0xF7A  }
0x26: {  	[smem:$0x3F93] =	sst s1;
	(tag) =	ssettag s2;
	_ =	strace s9  }
0x27: {  	s1 =	sld [smem:$0x3FA3]  }
0x28: {  	s2 =	sld [smem:$0x3FA4]  }
0x29: {  	s4 =	sld [smem:$0x3FA6]  }
0x2a: {  	p0 =	seq.s32 s5, $0x0;
	s5 =	sld [smem:$0x3FA7]  }
0x2b: {  	s6 =	sld [smem:$0x3FA8]  }
0x2c: {  	s7 =	sld [smem:$0x3FA9]  }
0x2d: {  	s3 =	simm.s32 $0x108;
	s8 =	sld [smem:$0x3FAA]  }
0x2e: {  	s3 =	simm.s32 @!p0 $0x1082;
	s9 =	sld [smem:$0x3FAB]  }
0x2f: {  	lr =	sadd.s32 s0, s3;
	s0 =	sld [smem:$0x3FA2]  }
0x30: {  	s3 =	sld [smem:$0x3FA5]  }
0x31: {  	[smem:$0x3FAE] =	sst s10  }
0x32: {  	s10 =	sld [smem:$0x3FAC];
	_ =	sdelay $0x3  }
0x33: {  	p0 =	seq.s32 s10, $0x1;
	s10 =	sld [smem:$0x3FAE];
	_ =	sdelay $0x3  }
0x34: {  	[smem:$0x3FAE] =	sst s10  }
0x35: {  	s10 =	sld [smem:$0x3FAD];
	_ =	sdelay $0x3  }
0x36: {  	p1 =	seq.s32 s10, $0x1;
	s10 =	sld [smem:$0x3FAE];
	_ =	sdelay $0x3  }
0x37: {  	[smem:$0x3FAE] =	sst s10  }
0x38: {  	s10 =	sld [smem:$0x3FAF]  }
0x39: {  	_ = 	snop;
	(pc) =	sbr.ind lr, $3  }
0x3a: {  	_ = 	snop  }
0x3b: {  	_ = 	snop  }
0x3c: {  	p2 =	seq.s32 s10, $0x1;
	s10 =	sld [smem:$0x3FAE]  }
0x3d: {  	_ =	shalt  }
0x3e: {  	_ =	shalt  }
0x3f: {  	_ =	shalt  }
0x40: {  	_ =	shalt  }
0x41: {  	_ =	shalt  }
0x42: {  	_ =	shalt  }
0x43: {  	_ =	shalt  }
0x44: {  	_ =	shalt  }
0x45: {  	_ =	shalt  }
0x46: {  	_ =	shalt  }
0x47: {  	_ =	shalt  }
0x48: {  	_ =	shalt  }
0x49: {  	_ =	shalt  }
0x4a: {  	_ =	shalt  }
0x4b: {  	_ =	shalt  }
0x4c: {  	_ =	shalt  }
0x4d: {  	_ =	shalt  }
0x4e: {  	_ =	shalt  }
0x4f: {  	_ =	shalt  }
0x50: {  	_ =	shalt  }
0x51: {  	_ =	shalt  }
0x52: {  	_ =	shalt  }
0x53: {  	_ =	shalt  }
0x54: {  	_ =	shalt  }
0x55: {  	_ =	shalt  }
0x56: {  	_ =	shalt  }
0x57: {  	_ =	shalt  }
0x58: {  	_ =	shalt  }
0x59: {  	_ =	shalt  }
0x5a: {  	_ =	shalt  }
0x5b: {  	_ =	shalt  }
0x5c: {  	_ =	shalt  }
0x5d: {  	_ =	shalt  }
0x5e: {  	_ =	shalt  }
0x5f: {  	_ =	shalt  }
0x60: {  	_ =	shalt  }
0x61: {  	_ =	shalt  }
0x62: {  	_ =	shalt  }
0x63: {  	_ =	shalt  }
0x64: {  	_ =	shalt  }
0x65: {  	_ =	shalt  }
0x66: {  	_ =	shalt  }
0x67: {  	_ =	shalt  }
0x68: {  	_ =	shalt  }
0x69: {  	_ =	shalt  }
0x6a: {  	_ =	shalt  }
0x6b: {  	_ =	shalt  }
0x6c: {  	_ =	shalt  }
0x6d: {  	_ =	shalt  }
0x6e: {  	_ =	shalt  }
0x6f: {  	_ =	shalt  }
0x70: {  	_ =	shalt  }
0x71: {  	_ =	shalt  }
0x72: {  	_ =	shalt  }
0x73: {  	_ =	shalt  }
0x74: {  	_ =	shalt  }
0x75: {  	_ =	shalt  }
0x76: {  	_ =	shalt  }
0x77: {  	_ =	shalt  }
0x78: {  	_ =	shalt  }
0x79: {  	_ =	shalt  }
0x7a: {  	_ =	shalt  }
0x7b: {  	_ =	shalt  }
0x7c: {  	_ =	shalt  }
0x7d: {  	_ =	shalt  }
0x7e: {  	_ =	shalt  }
0x7f: {  	_ =	shalt  }
0x80: {  	_ =	shalt  }
0x81: {  	_ =	shalt  }
0x82: {  	_ =	shalt  }
0x83: {  	_ =	shalt  }
0x84: {  	_ =	shalt  }
0x85: {  	_ =	shalt  }
0x86: {  	_ =	shalt  }
0x87: {  	_ =	shalt  }
.Lfunc_end0:
.L_simem_size_0:
called_computation.2_lowered:
.L_overlay_start_0:
0x88: {  	s2 =	sld [smem:$0x3FD9]  }
0x89: {  	s3 =	sld [smem:$0x3FFE];
	_ =	sdelay $0x1  }
0x8a: {  	s1 =	srdreg.scid  }
0x8b: {  	s0 =	sand.u32 $0x1, s1  }
0x8c: {  	s14 =	sshll.u32 s0, $0xA;
	s2 =	sadd.s32 s3, s2  }
0x8d: {  	s2 =	sadd.s32 s2, s14  }
0x8e: {  	[smem:$0x3FBA] =	sst s2  }
0x8f: {  	_ = 	snop  }
0x90: {  	s2 =	sld [smem:$0x3FD0];
	_ =	sdelay $0x2  }
0x91: {  	s15 =	simm.s32 $0xA;
	s4 =	simm.s32 $0x10  }
0x92: {  	[smem:s4], [sflag:s15] =	dma.local [hbm:s2], $0x1  }
0x93: {  	_ =	swait.eq [sflag:s15], $0x1  }
0x94: {  	[sflag:s15] =	ssyncset.done $0x0  }
0x95: {  	[sflag:s15] =	ssyncadd.s32 $0xFFFFFFFF  }
0x96: {  	s16 =	sld [smem:$0x10];
	(tm) =	ssettm $0x1  }
0x97: {  	s17 =	sld [smem:$0x3FFB];
	_ =	sdelay $0x3  }
0x98: {  	_ =	strace s17  }
0x99: {  	s3 =	sld [smem:$0x3FFC];
	_ =	sdelay $0x3  }
0x9a: {  	_ =	strace s3  }
0x9b: {  	s3 =	sld [smem:$0x3FFD];
	_ =	sdelay $0x3  }
0x9c: {  	_ =	strace s3  }
0x9d: {  	_ =	strace $0x8FFFFFFF  }
0x9e: {  	s18 =	sld [smem:$0x3FDB];
	_ =	sdelay $0x1  }
0x9f: {  	s19 =	simm.s32 $_scs_section_size  }
0xa0: {  	s5 =	simm.s32 $_size__tile_overlayer_lowered;
	s6 =	simm.s32 $_tile_overlayer_lowered  }
0xa1: {  	s22 =	simm.s32 $0x1BFF;
	s21 =	sshll.u32 s6, $0x1;
	s3 =	sadd.s32 s19, s18  }
0xa2: {  	s7 =	simm.s32 $0x0;
	s20 =	sshll.u32 s5, $0x1;
	s5 =	sadd.s32 s21, s3  }
0xa3: {  	[timem:s7], [sflag:s22] =	dma.local [hbm:s5], s20  }
0xa4: {  	_ =	swait.ge [sflag:s22], s20  }
0xa5: {  	s4 =	ssub.s32 $0x0, s20;
	[sflag:s22] =	ssyncset.done $0x0  }
0xa6: {  	[sflag:s22] =	ssyncadd.s32 s4;
	_ =	sdelay $0x1  }
0xa7: {  	s23 =	simm.s32 $0x1B8B  }
0xa8: {  	_ =	swait.ge [sflag:s23], $0x1  }
0xa9: {  	[sflag:s23] =	ssyncset.done $0x0  }
0xaa: {  	s25 =	simm.s32 $0x1B8E;
	s24 =	sld [smem:$0x3FFE];
	[sflag:s23] =	ssyncadd.s32 $0xFFFFFFFF  }
0xab: {  	s26 =	simm.s32 $execute0_lowered;
	[smem:$0x3FD2] =	sst s25  }
0xac: {  	s5 =	sshll.u32 s26, $0x1;
	_ =	strace $0x8000004C;
	[dreg:$0x1] =	wrdreg $0xFFFFFFFF  }
0xad: {  	s28 =	simm.s32 $_size_execute0_lowered;
	s3 =	sadd.s32 s3, s5;
	[dreg:$0x0] =	wrdreg $0x0  }
0xae: {  	s5 =	sshll.u32 s28, $0x1;
	[dreg:$0x2] =	wrdreg s3  }
0xaf: {  	[dreg:$0x3] =	wrdreg s5  }
0xb0: {  	[dreg:$0x4] =	wrdreg $0xC0  }
0xb1: {  	_ =	task [dreg:s7], $0x5FFFF  }
0xb2: {  	[dreg:$0x1] =	wrdreg $0xFFFFFFFF  }
0xb3: {  	[dreg:$0x0] =	wrdreg $0x60  }
0xb4: {  	[dreg:$0x2] =	wrdreg s16  }
0xb5: {  	[dreg:$0x3] =	wrdreg s24  }
0xb6: {  	[dreg:$0x4] =	wrdreg $0x0  }
0xb7: {  	[dreg:$0x5] =	wrdreg $0x9  }
0xb8: {  	_ =	task.clear_ibuf [dreg:s7], $0x6FFFF;
	_ =	strace $0x9000004C  }
0xb9: {  	s29 =	simm.s32 $0x9;
	_ =	strace $0x8000004E  }
0xba: {  	_ =	swait.ge [sflag:s29], $0x1  }
0xbb: {  	[sflag:s29] =	ssyncadd.s32 $0xFFFFFFFF  }
0xbc: {  	_ =	strace $0x9000004E  }
0xbd: {  	_ =	sfence  }
0xbe: {  	s30 =	sld [smem:$0x0];
	_ =	sdelay $0x2  }
0xbf: {  	s31 =	sshll.u32 s1, $0xD;
	s1 =	sshrl.u32 s1, $0x2  }
0xc0: {  	s3 =	sand.u32 $0x4000, s31;
	s1 =	sadd.s32 s1, s30  }
0xc1: {  	s0 =	sor.u32 s3, s0;
	s1 =	sshll.u32 s1, $0x11  }
0xc2: {  	s0 =	sor.u32 s1, s0  }
0xc3: {  	s0 =	sadd.s32 $0x8F2B, s0  }
0xc4: {  	[sflag:s0] =	ssyncadd.remote.s32 $0x1  }
0xc5: {  	_ =	sfence.sel $0xFFFF  }
0xc6: {  	[dreg:$0x0] =	wrdreg $0xFFFFFFFF;
	(pc) =	sbr.abs _section_cstart, $3  }
0xc7: {  	[dreg:$0x1] =	wrdreg $0xFFFFFFFF  }
0xc8: {  	_ =	task.clear_ibuf [dreg:s7], $0x2FFFF;
	_ =	strace $0x9FFFFFFF  }
0xc9: {  	(tm) =	ssettm $0x7FFFFFFF  }
tec
execute0_lowered:
.L_overlay_start_1:
0x0: {  	(tag) =	ssettag $0x1  }
0x1: {  	s0 =	rddreg [dreg:$0x0]  }
0x2: {  	s1 =	srdreg.scid;
	s5 =	rddreg [dreg:$0x1]  }
0x3: {  	s12 =	stileid.u32;
	s2 =	rddreg [dreg:$0x2]  }
0x4: {  	s3 =	simm.s32 $0x0;
	s17 =	simm.s32 $0x50;
	s18 =	simm.s32 $0x18780  }
0x5: {  	s19 =	simm.s32 $0x138D0;
	s20 =	simm.s32 $0x1AF80;
	s21 =	simm.s32 $0x1D780  }
0x6: {  	s22 =	simm.s32 $0x1;
	s23 =	simm.s32 $0x2;
	s28 =	simm.s32 $0x0  }
0x7: {  	s4 =	sand.u32 $0x1, s1;
	[smem:$0x7FF] =	sst s3;
	s7 =	smul.u32 $0x4E000, s12  }
0x8: {  	s10 =	smul.u32 $0x13800, s12;
	s11 =	sadd.s32 $0x40400, s5;
	s26 =	sshll.u32 s12, $0x6  }
0x9: {  	s15 =	sadd.s32 $0x138000, s2;
	p0 =	sne.s32 s12, $0x0;
	s1 =	sshll.u32 s4, $0x4  }
0xa: {  	_ =	strace $0x8000004D;
	s24 =	ssub.s32 $0x2, s4;
	s29 =	smul.u32 $0x138800, s4  }
0xb: {  	s6 =	sor.u32 s12, s1;
	s9 =	sshrl.u32 s24, $0x1;
	s7 =	sshrl.u32 s7, $0x2  }
0xc: {  	s25 =	sshrl.u32 s10, $0x3;
	s6 =	smul.u32 $0x4E2, s6;
	s13 =	ssub.s32 s24, s9  }
0xd: {  	s14 =	sadd.s32 s7, s2;
	s4 =	sadd.s32 s0, s25;
	s30 =	sadd.s32 s10, s29  }
0xe: {  	s31 =	sshrl.u32 s29, $0x3;
	s24 =	simm.s32 $0x3;
	s25 =	simm.s32 $0x18670  }
0xf: {  	s9 =	sshrl.u32 s30, $0x3;
	s10 =	sadd.s32 s11, s31;
	s12 =	sshrl.u32 s14, $0x3  }
0x10: {  	s14 =	sshrl.u32 @!p0 s15, $0x3;
	s15 =	simm.s32 $0x13880;
	s8 =	sadd.s32 s6, s5  }
0x11: {  	s5 =	sor.u32 $0x1C04, s26;
	s6 =	sadd.s32 $0x27000, s0;
	s9 =	sadd.s32 s11, s9  }
0x12: {  	s10 =	sadd.s32 $0x27000, s10;
	s11 =	smax.u32 s13, $0x1;
	s13 =	simm.s32 $0x4  }
0x13: {  	s26 =	simm.s32 $0x186C0;
	s7 =	sadd.s32 $0x5600, s8;
	s8 =	sadd.s32 $0xF400, s8  }
.LBB2_1:
0x14: {  	[spmem:s12], [sflag:s5] =	dma.local [hbm:s4], $0x2700  }
0x15: {  	_ =	swait.ge [sflag:s13], $0x2700  }
0x16: {  	[sflag:s13] =	ssyncset.done $0x0  }
0x17: {  	s29 =	simm.s32 @!p0 $0x4;
	[sflag:s13] =	ssyncadd.s32 $0xFFFFD900  }
0x18: {  	[spmem:s14], [sflag:s5] =	dma.local @!p0 [hbm:s6], $0x100  }
0x19: {  	_ =	swait.ge @!p0 [sflag:s29], $0x100  }
0x1a: {  	[sflag:s29] =	ssyncset.done @!p0 $0x0  }
0x1b: {  	[sflag:s29] =	ssyncadd.s32 @!p0 $0xFFFFFF00  }
0x1c: {  	[bflag:$0x0] =	sbarrier.arrive $0xFFFF  }
0x1d: {  	[tilespmem:s15], [sflag:$0x4] =	stream.linear.gather [hbm4b:s7+s3], $0x2710, $0x38;
	[tilespmem:$0x1FF80] =	vst v63  }
0x1e: {  	_ =	swait.ge [sflag:s13], $0x2710  }
0x1f: {  	[sflag:s13] =	ssyncset.done $0x0  }
0x20: {  	s1 =	simm.s32 $0x16000;
	[sflag:s13] =	ssyncadd.s32 $0xFFFFD8F0  }
0x21: {  	[tilespmem:s1], [sflag:$0x4] =	stream.linear.gather [hbm4b:s8+s3], $0x2710, $0x38;
	[tilespmem:$0x1FF80] =	vst v63  }
0x22: {  	_ =	swait.ge [sflag:s13], $0x2710  }
0x23: {  	[sflag:s13] =	ssyncset.done $0x0  }
0x24: {  	[sflag:s13] =	ssyncadd.s32 $0xFFFFD8F0  }
0x25: {  	[tilespmem:s18], [sflag:$0x1] =	stream.indirect.gather [hbm4b:s0+s17], $0x80, s15, s17, $0xb8;
	[tilespmem:$0x1FF80] =	vst v63  }
0x26: {  	_ = 	snop  }
0x27: {  	[tilespmem:s20], [sflag:$0x2] =	stream.indirect.gather [hbm4b:s0+s17], $0x80, s19, s17, $0xb8;
	[tilespmem:$0x1FF80] =	vst v63  }
0x28: {  	s29 =	simm.s32 $0x13920  }
0x29: {  	[tilespmem:s21], [sflag:$0x3] =	stream.indirect.gather [hbm4b:s0+s17], $0x80, s29, s17, $0xb8;
	[tilespmem:$0x1FF80] =	vst v63  }
0x2a: {  	_ =	swait.ge [sflag:s22], $0x2800  }
0x2b: {  	[sflag:s22] =	ssyncset.done $0x0  }
0x2c: {  	s29 =	simm.s32 $0x16000;
	[sflag:s22] =	ssyncadd.s32 $0xFFFFD800  }
0x2d: {  	[spmem:s2] =	stream.indirect.scatter.add.f32 [tilespmem:s18], [sflag:$0x4], $0x80, s29, s17, $0xb8;
	[tilespmem:$0x1FF80] =	vst v63  }
0x2e: {  	_ =	swait.ge [sflag:s13], $0x2800  }
0x2f: {  	[sflag:s13] =	ssyncset.done $0x0  }
0x30: {  	s29 =	simm.s32 $0x13970;
	[sflag:s13] =	ssyncadd.s32 $0xFFFFD800  }
0x31: {  	[tilespmem:s18], [sflag:$0x1] =	stream.indirect.gather [hbm4b:s0+s17], $0x80, s29, s17, $0xb8;
	[tilespmem:$0x1FF80] =	vst v63  }
0x32: {  	_ =	swait.ge [sflag:s23], $0x2800  }
0x33: {  	[sflag:s23] =	ssyncset.done $0x0  }
0x34: {  	s29 =	simm.s32 $0x16050;
	[sflag:s23] =	ssyncadd.s32 $0xFFFFD800  }
0x35: {  	[spmem:s2] =	stream.indirect.scatter.add.f32 [tilespmem:s20], [sflag:$0x4], $0x80, s29, s17, $0xb8;
	[tilespmem:$0x1FF80] =	vst v63  }
0x36: {  	_ =	swait.ge [sflag:s13], $0x2800  }
0x37: {  	[sflag:s13] =	ssyncset.done $0x0  }
0x38: {  	s29 =	simm.s32 $0x139C0;
	[sflag:s13] =	ssyncadd.s32 $0xFFFFD800  }
0x39: {  	[tilespmem:s20], [sflag:$0x2] =	stream.indirect.gather [hbm4b:s0+s17], $0x80, s29, s17, $0xb8;
	[tilespmem:$0x1FF80] =	vst v63  }
0x3a: {  	_ =	swait.ge [sflag:s24], $0x2800  }
0x3b: {  	[sflag:s24] =	ssyncset.done $0x0  }
0x3c: {  	s29 =	simm.s32 $0x160A0;
	[sflag:s24] =	ssyncadd.s32 $0xFFFFD800  }
0x3d: {  	[spmem:s2] =	stream.indirect.scatter.add.f32 [tilespmem:s21], [sflag:$0x4], $0x80, s29, s17, $0xb8;
	[tilespmem:$0x1FF80] =	vst v63  }
0x3e: {  	_ =	swait.ge [sflag:s13], $0x2800  }
0x3f: {  	s30 =	simm.s32 $0x780;
	s29 =	simm.s32 $0xF0;
	[sflag:s13] =	ssyncset.done $0x0  }
.LBB2_2:
0x40: {  	s31 =	sadd.s32 $0x13920, s29  }
0x41: {  	[sflag:s13] =	ssyncadd.s32 $0xFFFFD800;
	s1 =	smov.u32 s30;
	s16 =	sadd.s32 $0x3C0, s30  }
0x42: {  	[tilespmem:s21], [sflag:$0x3] =	stream.indirect.gather [hbm4b:s0+s17], $0x80, s31, s17, $0xb8;
	[tilespmem:$0x1FF80] =	vst v63  }
0x43: {  	p1 =	sne.s32 s30, $0x9600;
	_ =	swait.ge [sflag:s22], $0x2800  }
0x44: {  	[sflag:s22] =	ssyncset.done $0x0  }
0x45: {  	s30 =	sadd.s32 $0x16000, s29;
	[sflag:s22] =	ssyncadd.s32 $0xFFFFD800  }
0x46: {  	[spmem:s2] =	stream.indirect.scatter.add.f32 [tilespmem:s18], [sflag:$0x4], $0x80, s30, s17, $0xb8;
	[tilespmem:$0x1FF80] =	vst v63  }
0x47: {  	_ =	swait.ge [sflag:s13], $0x2800  }
0x48: {  	[sflag:s13] =	ssyncset.done $0x0  }
0x49: {  	s30 =	sadd.s32 $0x13970, s29;
	[sflag:s13] =	ssyncadd.s32 $0xFFFFD800  }
0x4a: {  	[tilespmem:s18], [sflag:$0x1] =	stream.indirect.gather [hbm4b:s0+s17], $0x80, s30, s17, $0xb8;
	[tilespmem:$0x1FF80] =	vst v63  }
0x4b: {  	_ =	swait.ge [sflag:s23], $0x2800  }
0x4c: {  	[sflag:s23] =	ssyncset.done $0x0  }
0x4d: {  	s30 =	sadd.s32 $0x16050, s29;
	[sflag:s23] =	ssyncadd.s32 $0xFFFFD800  }
0x4e: {  	[spmem:s2] =	stream.indirect.scatter.add.f32 [tilespmem:s20], [sflag:$0x4], $0x80, s30, s17, $0xb8;
	[tilespmem:$0x1FF80] =	vst v63  }
0x4f: {  	_ =	swait.ge [sflag:s13], $0x2800  }
0x50: {  	[sflag:s13] =	ssyncset.done $0x0  }
0x51: {  	s30 =	sadd.s32 $0x139C0, s29;
	[sflag:s13] =	ssyncadd.s32 $0xFFFFD800  }
0x52: {  	[tilespmem:s20], [sflag:$0x2] =	stream.indirect.gather [hbm4b:s0+s17], $0x80, s30, s17, $0xb8;
	[tilespmem:$0x1FF80] =	vst v63  }
0x53: {  	_ =	swait.ge [sflag:s24], $0x2800  }
.Ltmp0:
0x54: {  	[sflag:s24] =	ssyncset.done $0x0;
	(pc) =	sbr.rel @p1 .LBB2_2-.Ltmp0, $4  }
0x55: {  	s29 =	sadd.s32 $0x160A0, s29;
	[sflag:s24] =	ssyncadd.s32 $0xFFFFD800  }
0x56: {  	[spmem:s2] =	stream.indirect.scatter.add.f32 [tilespmem:s21], [sflag:$0x4], $0x80, s29, s17, $0xb8;
	[tilespmem:$0x1FF80] =	vst v63  }
0x57: {  	_ =	swait.ge [sflag:s13], $0x2800  }
0x58: {  	s30 =	smov.u32 s16;
	s29 =	sshra.s32 s1, $0x2;
	[sflag:s13] =	ssyncset.done $0x0  }
0x59: {  	s1 =	sadd.s32 $0x13920, s29;
	[sflag:s13] =	ssyncadd.s32 $0xFFFFD800  }
0x5a: {  	[tilespmem:s21], [sflag:$0x3] =	stream.indirect.gather [hbm4b:s0+s17], $0x80, s1, s17, $0xb8;
	[tilespmem:$0x1FF80] =	vst v63  }
0x5b: {  	_ =	swait.ge [sflag:s22], $0x2800  }
0x5c: {  	[sflag:s22] =	ssyncset.done $0x0  }
0x5d: {  	s30 =	sadd.s32 $0x16000, s29;
	[sflag:s22] =	ssyncadd.s32 $0xFFFFD800  }
0x5e: {  	[spmem:s2] =	stream.indirect.scatter.add.f32 [tilespmem:s18], [sflag:$0x4], $0x80, s30, s17, $0xb8;
	[tilespmem:$0x1FF80] =	vst v63  }
0x5f: {  	_ =	swait.ge [sflag:s13], $0x2800  }
0x60: {  	[sflag:s13] =	ssyncset.done $0x0  }
0x61: {  	s31 =	sadd.s32 $0x13970, s29;
	[sflag:s13] =	ssyncadd.s32 $0xFFFFD800  }
0x62: {  	[tilespmem:s18], [sflag:$0x1] =	stream.indirect.gather [hbm4b:s0+s17], $0x80, s31, s17, $0xb8;
	[tilespmem:$0x1FF80] =	vst v63  }
0x63: {  	_ =	swait.ge [sflag:s23], $0x2800  }
0x64: {  	[sflag:s23] =	ssyncset.done $0x0  }
0x65: {  	s16 =	sadd.s32 $0x16050, s29;
	[sflag:s23] =	ssyncadd.s32 $0xFFFFD800  }
0x66: {  	[spmem:s2] =	stream.indirect.scatter.add.f32 [tilespmem:s20], [sflag:$0x4], $0x80, s16, s17, $0xb8;
	[tilespmem:$0x1FF80] =	vst v63  }
0x67: {  	_ =	swait.ge [sflag:s13], $0x2800  }
0x68: {  	[sflag:s13] =	ssyncset.done $0x0  }
0x69: {  	s30 =	sadd.s32 $0x139C0, s29;
	[sflag:s13] =	ssyncadd.s32 $0xFFFFD800  }
0x6a: {  	[tilespmem:s20], [sflag:$0x2] =	stream.indirect.gather [hbm4b:s0+s17], $0x80, s30, s17, $0xb8;
	[tilespmem:$0x1FF80] =	vst v63  }
0x6b: {  	_ =	swait.ge [sflag:s24], $0x2800  }
0x6c: {  	[sflag:s24] =	ssyncset.done $0x0  }
0x6d: {  	s31 =	sadd.s32 $0x160A0, s29;
	[sflag:s24] =	ssyncadd.s32 $0xFFFFD800  }
0x6e: {  	[spmem:s2] =	stream.indirect.scatter.add.f32 [tilespmem:s21], [sflag:$0x4], $0x80, s31, s17, $0xb8;
	[tilespmem:$0x1FF80] =	vst v63  }
0x6f: {  	_ =	swait.ge [sflag:s13], $0x2800  }
0x70: {  	[sflag:s13] =	ssyncset.done $0x0  }
0x71: {  	[sflag:s13] =	ssyncadd.s32 $0xFFFFD800  }
0x72: {  	_ =	swait.ge [sflag:s22], $0x2800  }
0x73: {  	[sflag:s22] =	ssyncset.done $0x0  }
0x74: {  	[sflag:s22] =	ssyncadd.s32 $0xFFFFD800  }
0x75: {  	[spmem:s2] =	stream.indirect.scatter.add.f32 [tilespmem:s18], [sflag:$0x4], $0x80, s25, s17, $0xb8;
	[tilespmem:$0x1FF80] =	vst v63  }
0x76: {  	_ =	swait.ge [sflag:s13], $0x2800  }
0x77: {  	[sflag:s13] =	ssyncset.done $0x0  }
0x78: {  	[sflag:s13] =	ssyncadd.s32 $0xFFFFD800  }
0x79: {  	_ =	swait.ge [sflag:s23], $0x2800  }
0x7a: {  	[sflag:s23] =	ssyncset.done $0x0  }
0x7b: {  	[sflag:s23] =	ssyncadd.s32 $0xFFFFD800  }
0x7c: {  	[spmem:s2] =	stream.indirect.scatter.add.f32 [tilespmem:s20], [sflag:$0x4], $0x80, s26, s17, $0xb8;
	[tilespmem:$0x1FF80] =	vst v63  }
0x7d: {  	_ =	swait.ge [sflag:s13], $0x2800  }
0x7e: {  	[sflag:s13] =	ssyncset.done $0x0  }
0x7f: {  	[sflag:s13] =	ssyncadd.s32 $0xFFFFD800  }
0x80: {  	[bflag:$0x0] =	sbarrier.arrive $0xFFFF  }
0x81: {  	[hbm:s9], [sflag:s5] =	dma.local [spmem:s12], $0x2700  }
0x82: {  	s28 =	sadd.s32 $0x1, s28;
	_ =	swait.ge [sflag:s13], $0x2700  }
0x83: {  	p1 =	sne.s32 s28, s11;
	[sflag:s13] =	ssyncset.done $0x0  }
.Ltmp1:
0x84: {  	s1 =	simm.s32 @!p0 $0x4;
	[sflag:s13] =	ssyncadd.s32 $0xFFFFD900;
	(pc) =	sbr.rel @p1 .LBB2_1-.Ltmp1, $4  }
0x85: {  	[hbm:s10], [sflag:s5] =	dma.local @!p0 [spmem:s14], $0x100  }
0x86: {  	_ =	swait.ge @!p0 [sflag:s1], $0x100  }
0x87: {  	[sflag:s1] =	ssyncset.done @!p0 $0x0  }
0x88: {  	[sflag:s1] =	ssyncadd.s32 @!p0 $0xFFFFFF00  }
0x89: {  	_ =	sfence.sel $0x180000  }
0x8a: {  	[bflag:$0x0] =	sbarrier.arrive $0xFFFF  }
0x8b: {  	_ =	strace $0x9000004D  }
0x8c: {  	[bflag:$0x2] =	sbarrier.arrive $0xFFFF  }
0x8d: {  	s0 =	rddreg [dreg:$0x3]  }
0x8e: {  	s0 =	sadd.s32 @!p0 $0x100000, s0  }
0x8f: {  	[sflag:s0] =	ssyncadd.tile.s32 @!p0 $0x1;
	_ =	shalt  }
.Lfunc_end2:
_tile_overlayer_lowered:
.L_overlay_start_2:
0x90: {  	(tag) =	ssettag $0x2  }
0x91: {  	s0 =	rddreg [dreg:$0x0];
	s2 =	stileid.u32  }
0x92: {  	s1 =	rddreg [dreg:$0x1];
	p0 =	sne.s32 s2, $0x0  }
0x93: {  	s3 =	rddreg [dreg:$0x2];
	[bflag:$0x3] =	sbarrier.arrive $0xFFFF;
	s2 =	simm.s32 @!p0 $0x1C04  }
0x94: {  	[timem:s3], [sflag:s2] =	dma.local @!p0 [hbm:s0], s1  }
0x95: {  	s0 =	simm.s32 @!p0 $0x4  }
0x96: {  	_ =	swait.ge @!p0 [sflag:s0], s1  }
0x97: {  	s1 =	ssub.s32 @!p0 $0x0, s1;
	[sflag:s0] =	ssyncset.done @!p0 $0x0  }
0x98: {  	[sflag:s0] =	ssyncadd.s32 @!p0 s1  }
0x99: {  	[bflag:$0x3] =	sbarrier.arrive $0xFFFF  }
0x9a: {  	_ =	shalt  }

// kernel: kernel.19.cloned.1.call-start
scs
__scs_entry_jumppad:
0x0: {  	(pc) =	sbr.rel $0x88, $3  }
0x1: {  	(tag) =	ssettag $0x0;
	lr =	simm.s32 $0x1  }
0x2: {  	[smem:$0x3F93] =	sst lr;
	_ =	strace $0xD0000000  }
0x3: {  	_ = 	snop  }
0x4: {  	_ = 	snop  }
0x5: {  	_ = 	snop  }
0x6: {  	_ = 	snop  }
0x7: {  	_ = 	snop  }
__scs_overlays_trampoline_lowered:
0x8: {  	[smem:$0x3FA2] =	sst s0  }
0x9: {  	[smem:$0x3FA3] =	sst s1  }
0xa: {  	[smem:$0x3FA4] =	sst s2  }
0xb: {  	[smem:$0x3FA5] =	sst s3  }
0xc: {  	[smem:$0x3FA6] =	sst s4  }
0xd: {  	[smem:$0x3FA7] =	sst s5  }
0xe: {  	[smem:$0x3FA8] =	sst s6  }
0xf: {  	[smem:$0x3FA9] =	sst s7  }
0x10: {  	[smem:$0x3FAA] =	sst s8  }
0x11: {  	[smem:$0x3FAB] =	sst s9;
	s0 =	simm.s32 @!p0 $0x0  }
0x12: {  	s1 =	sld [smem:$0x3F91];
	s0 =	simm.s32 @p0 $0x1  }
0x13: {  	[smem:$0x3FAC] =	sst s0;
	s0 =	simm.s32 @!p1 $0x0  }
0x14: {  	s2 =	sld [smem:$0x3F90];
	s0 =	simm.s32 @p1 $0x1  }
0x15: {  	[smem:$0x3FAD] =	sst s0;
	s0 =	simm.s32 @!p2 $0x0  }
0x16: {  	s3 =	sld [smem:$0x3FDB];
	s0 =	simm.s32 @p2 $0x1  }
0x17: {  	s4 =	simm.s32 $0x1BF5;
	[smem:$0x3FAF] =	sst s0  }
0x18: {  	s0 =	sld [smem:$0x3F92];
	_ =	swait.ge [sflag:s4], $0x0  }
0x19: {  	s7 =	sld [smem:$0x3F93]  }
0x1a: {  	s8 =	sadd.s32 $0xFFFFE003, lr  }
0x1b: {  	s9 =	sadd.s32 $0xFFFFFEF7, lr;
	s5 =	simm.s32 $0xFFFFFFFF;
	p2 =	slt.u32 s8, $0xFFFFF086  }
0x1c: {  	p1 =	slt.u32 s9, $0xF7A;
	s5 =	simm.s32 @!p2 $0x0  }
0x1d: {  	s5 =	simm.s32 @p1 $0x1;
	p0 =	seq.s32 s7, s2  }
0x1e: {  	s7 =	smul.u32 @!p0 $0xF7A, s2;
	p2 =	seq.s32 @!p0 s5, $0x0  }
0x1f: {  	s9 =	smul.u32 $0xF7A, s1;
	s8 =	simm.s32 @!p0 $0x1BF5;
	p2 =	por !p2, p0  }
0x20: {  	[sflag:s8] =	ssyncset.s32 @!p0 $0xFFFFF086;
	s6 =	sadd.s32 @!p0 s3, s7;
	s7 =	simm.s32 @!p0 $0x108  }
0x21: {  	s3 =	sadd.s32 s3, s9;
	s6 =	sadd.s32 @!p0 $0x88, s6;
	s7 =	simm.s32 @p2 $0x1082  }
0x22: {  	[simem:s7], [sflag:s8] =	dma.local @!p0 [hbm:s6], $0xF7A  }
0x23: {  	s9 =	sor.u32 $0xD0000000, s2;
	s6 =	simm.s32 $0x108;
	_ =	swait.ge @!p0 [sflag:s8], $0x0  }
0x24: {  	s3 =	sadd.s32 $0x88, s3;
	s6 =	simm.s32 @!p1 $0x1082;
	[sflag:s4] =	ssyncset.s32 $0xFFFFF086  }
0x25: {  	[simem:s6], [sflag:s4] =	dma.local [hbm:s3], $0xF7A  }
0x26: {  	[smem:$0x3F93] =	sst s1;
	(tag) =	ssettag s2;
	_ =	strace s9  }
0x27: {  	s1 =	sld [smem:$0x3FA3]  }
0x28: {  	s2 =	sld [smem:$0x3FA4]  }
0x29: {  	s4 =	sld [smem:$0x3FA6]  }
0x2a: {  	p0 =	seq.s32 s5, $0x0;
	s5 =	sld [smem:$0x3FA7]  }
0x2b: {  	s6 =	sld [smem:$0x3FA8]  }
0x2c: {  	s7 =	sld [smem:$0x3FA9]  }
0x2d: {  	s3 =	simm.s32 $0x108;
	s8 =	sld [smem:$0x3FAA]  }
0x2e: {  	s3 =	simm.s32 @!p0 $0x1082;
	s9 =	sld [smem:$0x3FAB]  }
0x2f: {  	lr =	sadd.s32 s0, s3;
	s0 =	sld [smem:$0x3FA2]  }
0x30: {  	s3 =	sld [smem:$0x3FA5]  }
0x31: {  	[smem:$0x3FAE] =	sst s10  }
0x32: {  	s10 =	sld [smem:$0x3FAC];
	_ =	sdelay $0x3  }
0x33: {  	p0 =	seq.s32 s10, $0x1;
	s10 =	sld [smem:$0x3FAE];
	_ =	sdelay $0x3  }
0x34: {  	[smem:$0x3FAE] =	sst s10  }
0x35: {  	s10 =	sld [smem:$0x3FAD];
	_ =	sdelay $0x3  }
0x36: {  	p1 =	seq.s32 s10, $0x1;
	s10 =	sld [smem:$0x3FAE];
	_ =	sdelay $0x3  }
0x37: {  	[smem:$0x3FAE] =	sst s10  }
0x38: {  	s10 =	sld [smem:$0x3FAF]  }
0x39: {  	_ = 	snop;
	(pc) =	sbr.ind lr, $3  }
0x3a: {  	_ = 	snop  }
0x3b: {  	_ = 	snop  }
0x3c: {  	p2 =	seq.s32 s10, $0x1;
	s10 =	sld [smem:$0x3FAE]  }
0x3d: {  	_ =	shalt  }
0x3e: {  	_ =	shalt  }
0x3f: {  	_ =	shalt  }
0x40: {  	_ =	shalt  }
0x41: {  	_ =	shalt  }
0x42: {  	_ =	shalt  }
0x43: {  	_ =	shalt  }
0x44: {  	_ =	shalt  }
0x45: {  	_ =	shalt  }
0x46: {  	_ =	shalt  }
0x47: {  	_ =	shalt  }
0x48: {  	_ =	shalt  }
0x49: {  	_ =	shalt  }
0x4a: {  	_ =	shalt  }
0x4b: {  	_ =	shalt  }
0x4c: {  	_ =	shalt  }
0x4d: {  	_ =	shalt  }
0x4e: {  	_ =	shalt  }
0x4f: {  	_ =	shalt  }
0x50: {  	_ =	shalt  }
0x51: {  	_ =	shalt  }
0x52: {  	_ =	shalt  }
0x53: {  	_ =	shalt  }
0x54: {  	_ =	shalt  }
0x55: {  	_ =	shalt  }
0x56: {  	_ =	shalt  }
0x57: {  	_ =	shalt  }
0x58: {  	_ =	shalt  }
0x59: {  	_ =	shalt  }
0x5a: {  	_ =	shalt  }
0x5b: {  	_ =	shalt  }
0x5c: {  	_ =	shalt  }
0x5d: {  	_ =	shalt  }
0x5e: {  	_ =	shalt  }
0x5f: {  	_ =	shalt  }
0x60: {  	_ =	shalt  }
0x61: {  	_ =	shalt  }
0x62: {  	_ =	shalt  }
0x63: {  	_ =	shalt  }
0x64: {  	_ =	shalt  }
0x65: {  	_ =	shalt  }
0x66: {  	_ =	shalt  }
0x67: {  	_ =	shalt  }
0x68: {  	_ =	shalt  }
0x69: {  	_ =	shalt  }
0x6a: {  	_ =	shalt  }
0x6b: {  	_ =	shalt  }
0x6c: {  	_ =	shalt  }
0x6d: {  	_ =	shalt  }
0x6e: {  	_ =	shalt  }
0x6f: {  	_ =	shalt  }
0x70: {  	_ =	shalt  }
0x71: {  	_ =	shalt  }
0x72: {  	_ =	shalt  }
0x73: {  	_ =	shalt  }
0x74: {  	_ =	shalt  }
0x75: {  	_ =	shalt  }
0x76: {  	_ =	shalt  }
0x77: {  	_ =	shalt  }
0x78: {  	_ =	shalt  }
0x79: {  	_ =	shalt  }
0x7a: {  	_ =	shalt  }
0x7b: {  	_ =	shalt  }
0x7c: {  	_ =	shalt  }
0x7d: {  	_ =	shalt  }
0x7e: {  	_ =	shalt  }
0x7f: {  	_ =	shalt  }
0x80: {  	_ =	shalt  }
0x81: {  	_ =	shalt  }
0x82: {  	_ =	shalt  }
0x83: {  	_ =	shalt  }
0x84: {  	_ =	shalt  }
0x85: {  	_ =	shalt  }
0x86: {  	_ =	shalt  }
0x87: {  	_ =	shalt  }
.Lfunc_end0:
.L_simem_size_0:
called_computation.3_lowered:
.L_overlay_start_0:
0x88: {  	s2 =	sld [smem:$0x3FD9]  }
0x89: {  	s3 =	sld [smem:$0x3FFE];
	_ =	sdelay $0x1  }
0x8a: {  	s1 =	srdreg.scid  }
0x8b: {  	s0 =	sand.u32 $0x1, s1  }
0x8c: {  	s14 =	sshll.u32 s0, $0xA;
	s2 =	sadd.s32 s3, s2  }
0x8d: {  	s2 =	sadd.s32 s2, s14  }
0x8e: {  	[smem:$0x3FBA] =	sst s2  }
0x8f: {  	_ = 	snop  }
0x90: {  	s2 =	sld [smem:$0x3FD0];
	_ =	sdelay $0x2  }
0x91: {  	s15 =	simm.s32 $0xA;
	s4 =	simm.s32 $0x10  }
0x92: {  	[smem:s4], [sflag:s15] =	dma.local [hbm:s2], $0x1  }
0x93: {  	_ =	swait.eq [sflag:s15], $0x1  }
0x94: {  	[sflag:s15] =	ssyncset.done $0x0  }
0x95: {  	[sflag:s15] =	ssyncadd.s32 $0xFFFFFFFF  }
0x96: {  	s16 =	sld [smem:$0x10];
	(tm) =	ssettm $0x1  }
0x97: {  	s17 =	sld [smem:$0x3FFB];
	_ =	sdelay $0x3  }
0x98: {  	_ =	strace s17  }
0x99: {  	s3 =	sld [smem:$0x3FFC];
	_ =	sdelay $0x3  }
0x9a: {  	_ =	strace s3  }
0x9b: {  	s3 =	sld [smem:$0x3FFD];
	_ =	sdelay $0x3  }
0x9c: {  	_ =	strace s3  }
0x9d: {  	_ =	strace $0x8FFFFFFF  }
0x9e: {  	s18 =	sld [smem:$0x3FDB];
	_ =	sdelay $0x1  }
0x9f: {  	s19 =	simm.s32 $_scs_section_size  }
0xa0: {  	s5 =	simm.s32 $_size__tile_overlayer_lowered;
	s6 =	simm.s32 $_tile_overlayer_lowered  }
0xa1: {  	s22 =	simm.s32 $0x1BFF;
	s21 =	sshll.u32 s6, $0x1;
	s3 =	sadd.s32 s19, s18  }
0xa2: {  	s7 =	simm.s32 $0x0;
	s20 =	sshll.u32 s5, $0x1;
	s5 =	sadd.s32 s21, s3  }
0xa3: {  	[timem:s7], [sflag:s22] =	dma.local [hbm:s5], s20  }
0xa4: {  	_ =	swait.ge [sflag:s22], s20  }
0xa5: {  	s4 =	ssub.s32 $0x0, s20;
	[sflag:s22] =	ssyncset.done $0x0  }
0xa6: {  	[sflag:s22] =	ssyncadd.s32 s4;
	_ =	sdelay $0x1  }
0xa7: {  	s23 =	simm.s32 $0x1B8B  }
0xa8: {  	_ =	swait.ge [sflag:s23], $0x1  }
0xa9: {  	[sflag:s23] =	ssyncset.done $0x0  }
0xaa: {  	s25 =	simm.s32 $0x1B8E;
	s24 =	sld [smem:$0x3FFE];
	[sflag:s23] =	ssyncadd.s32 $0xFFFFFFFF  }
0xab: {  	s26 =	simm.s32 $execute0_lowered;
	[smem:$0x3FD2] =	sst s25  }
0xac: {  	s5 =	sshll.u32 s26, $0x1;
	_ =	strace $0x8000004F;
	[dreg:$0x1] =	wrdreg $0xFFFFFFFF  }
0xad: {  	s28 =	simm.s32 $_size_execute0_lowered;
	s3 =	sadd.s32 s3, s5;
	[dreg:$0x0] =	wrdreg $0x0  }
0xae: {  	s5 =	sshll.u32 s28, $0x1;
	[dreg:$0x2] =	wrdreg s3  }
0xaf: {  	[dreg:$0x3] =	wrdreg s5  }
0xb0: {  	[dreg:$0x4] =	wrdreg $0xC0  }
0xb1: {  	_ =	task [dreg:s7], $0x5FFFF  }
0xb2: {  	[dreg:$0x1] =	wrdreg $0xFFFFFFFF  }
0xb3: {  	[dreg:$0x0] =	wrdreg $0x60  }
0xb4: {  	[dreg:$0x2] =	wrdreg s16  }
0xb5: {  	[dreg:$0x3] =	wrdreg s24  }
0xb6: {  	[dreg:$0x4] =	wrdreg $0x0  }
0xb7: {  	[dreg:$0x5] =	wrdreg $0x9  }
0xb8: {  	_ =	task.clear_ibuf [dreg:s7], $0x6FFFF;
	_ =	strace $0x9000004F  }
0xb9: {  	s29 =	simm.s32 $0x9;
	_ =	strace $0x80000051  }
0xba: {  	_ =	swait.ge [sflag:s29], $0x1  }
0xbb: {  	[sflag:s29] =	ssyncadd.s32 $0xFFFFFFFF  }
0xbc: {  	_ =	strace $0x90000051  }
0xbd: {  	_ =	sfence  }
0xbe: {  	s30 =	sld [smem:$0x0];
	_ =	sdelay $0x2  }
0xbf: {  	s31 =	sshll.u32 s1, $0xD;
	s1 =	sshrl.u32 s1, $0x2  }
0xc0: {  	s3 =	sand.u32 $0x4000, s31;
	s1 =	sadd.s32 s1, s30  }
0xc1: {  	s0 =	sor.u32 s3, s0;
	s1 =	sshll.u32 s1, $0x11  }
0xc2: {  	s0 =	sor.u32 s1, s0  }
0xc3: {  	s0 =	sadd.s32 $0x8F2B, s0  }
0xc4: {  	[sflag:s0] =	ssyncadd.remote.s32 $0x1  }
0xc5: {  	_ =	sfence.sel $0xFFFF  }
0xc6: {  	[dreg:$0x0] =	wrdreg $0xFFFFFFFF;
	(pc) =	sbr.abs _section_cstart, $3  }
0xc7: {  	[dreg:$0x1] =	wrdreg $0xFFFFFFFF  }
0xc8: {  	_ =	task.clear_ibuf [dreg:s7], $0x2FFFF;
	_ =	strace $0x9FFFFFFF  }
0xc9: {  	(tm) =	ssettm $0x7FFFFFFF  }
tec
execute0_lowered:
.L_overlay_start_1:
0x0: {  	(tag) =	ssettag $0x1  }
0x1: {  	s0 =	rddreg [dreg:$0x0]  }
0x2: {  	s1 =	srdreg.scid;
	s5 =	rddreg [dreg:$0x1]  }
0x3: {  	s12 =	stileid.u32;
	s2 =	rddreg [dreg:$0x2]  }
0x4: {  	s3 =	simm.s32 $0x0;
	s17 =	simm.s32 $0x50;
	s18 =	simm.s32 $0x18780  }
0x5: {  	s19 =	simm.s32 $0x138D0;
	s20 =	simm.s32 $0x1AF80;
	s21 =	simm.s32 $0x1D780  }
0x6: {  	s22 =	simm.s32 $0x1;
	s23 =	simm.s32 $0x2;
	s28 =	simm.s32 $0x0  }
0x7: {  	s4 =	sand.u32 $0x1, s1;
	[smem:$0x7FF] =	sst s3;
	s7 =	smul.u32 $0x4E000, s12  }
0x8: {  	s10 =	smul.u32 $0x13800, s12;
	s11 =	sadd.s32 $0x40400, s5;
	s26 =	sshll.u32 s12, $0x6  }
0x9: {  	s15 =	sadd.s32 $0x138000, s2;
	p0 =	sne.s32 s12, $0x0;
	s1 =	sshll.u32 s4, $0x4  }
0xa: {  	_ =	strace $0x80000050;
	s24 =	ssub.s32 $0x2, s4;
	s29 =	smul.u32 $0x138800, s4  }
0xb: {  	s6 =	sor.u32 s12, s1;
	s9 =	sshrl.u32 s24, $0x1;
	s7 =	sshrl.u32 s7, $0x2  }
0xc: {  	s25 =	sshrl.u32 s10, $0x3;
	s6 =	smul.u32 $0x4E2, s6;
	s13 =	ssub.s32 s24, s9  }
0xd: {  	s14 =	sadd.s32 s7, s2;
	s4 =	sadd.s32 s0, s25;
	s30 =	sadd.s32 s10, s29  }
0xe: {  	s31 =	sshrl.u32 s29, $0x3;
	s24 =	simm.s32 $0x3;
	s25 =	simm.s32 $0x18670  }
0xf: {  	s9 =	sshrl.u32 s30, $0x3;
	s10 =	sadd.s32 s11, s31;
	s12 =	sshrl.u32 s14, $0x3  }
0x10: {  	s14 =	sshrl.u32 @!p0 s15, $0x3;
	s15 =	simm.s32 $0x13880;
	s8 =	sadd.s32 s6, s5  }
0x11: {  	s5 =	sor.u32 $0x1C04, s26;
	s6 =	sadd.s32 $0x27000, s0;
	s9 =	sadd.s32 s11, s9  }
0x12: {  	s10 =	sadd.s32 $0x27000, s10;
	s11 =	smax.u32 s13, $0x1;
	s13 =	simm.s32 $0x4  }
0x13: {  	s26 =	simm.s32 $0x186C0;
	s7 =	sadd.s32 $0x5600, s8;
	s8 =	sadd.s32 $0xF400, s8  }
.LBB2_1:
0x14: {  	[spmem:s12], [sflag:s5] =	dma.local [hbm:s4], $0x2700  }
0x15: {  	_ =	swait.ge [sflag:s13], $0x2700  }
0x16: {  	[sflag:s13] =	ssyncset.done $0x0  }
0x17: {  	s29 =	simm.s32 @!p0 $0x4;
	[sflag:s13] =	ssyncadd.s32 $0xFFFFD900  }
0x18: {  	[spmem:s14], [sflag:s5] =	dma.local @!p0 [hbm:s6], $0x100  }
0x19: {  	_ =	swait.ge @!p0 [sflag:s29], $0x100  }
0x1a: {  	[sflag:s29] =	ssyncset.done @!p0 $0x0  }
0x1b: {  	[sflag:s29] =	ssyncadd.s32 @!p0 $0xFFFFFF00  }
0x1c: {  	[bflag:$0x0] =	sbarrier.arrive $0xFFFF  }
0x1d: {  	[tilespmem:s15], [sflag:$0x4] =	stream.linear.gather [hbm4b:s7+s3], $0x2710, $0x38;
	[tilespmem:$0x1FF80] =	vst v63  }
0x1e: {  	_ =	swait.ge [sflag:s13], $0x2710  }
0x1f: {  	[sflag:s13] =	ssyncset.done $0x0  }
0x20: {  	s1 =	simm.s32 $0x16000;
	[sflag:s13] =	ssyncadd.s32 $0xFFFFD8F0  }
0x21: {  	[tilespmem:s1], [sflag:$0x4] =	stream.linear.gather [hbm4b:s8+s3], $0x2710, $0x38;
	[tilespmem:$0x1FF80] =	vst v63  }
0x22: {  	_ =	swait.ge [sflag:s13], $0x2710  }
0x23: {  	[sflag:s13] =	ssyncset.done $0x0  }
0x24: {  	[sflag:s13] =	ssyncadd.s32 $0xFFFFD8F0  }
0x25: {  	[tilespmem:s18], [sflag:$0x1] =	stream.indirect.gather [hbm4b:s0+s17], $0x80, s15, s17, $0xb8;
	[tilespmem:$0x1FF80] =	vst v63  }
0x26: {  	_ = 	snop  }
0x27: {  	[tilespmem:s20], [sflag:$0x2] =	stream.indirect.gather [hbm4b:s0+s17], $0x80, s19, s17, $0xb8;
	[tilespmem:$0x1FF80] =	vst v63  }
0x28: {  	s29 =	simm.s32 $0x13920  }
0x29: {  	[tilespmem:s21], [sflag:$0x3] =	stream.indirect.gather [hbm4b:s0+s17], $0x80, s29, s17, $0xb8;
	[tilespmem:$0x1FF80] =	vst v63  }
0x2a: {  	_ =	swait.ge [sflag:s22], $0x2800  }
0x2b: {  	[sflag:s22] =	ssyncset.done $0x0  }
0x2c: {  	s29 =	simm.s32 $0x16000;
	[sflag:s22] =	ssyncadd.s32 $0xFFFFD800  }
0x2d: {  	[spmem:s2] =	stream.indirect.scatter.add.f32 [tilespmem:s18], [sflag:$0x4], $0x80, s29, s17, $0xb8;
	[tilespmem:$0x1FF80] =	vst v63  }
0x2e: {  	_ =	swait.ge [sflag:s13], $0x2800  }
0x2f: {  	[sflag:s13] =	ssyncset.done $0x0  }
0x30: {  	s29 =	simm.s32 $0x13970;
	[sflag:s13] =	ssyncadd.s32 $0xFFFFD800  }
0x31: {  	[tilespmem:s18], [sflag:$0x1] =	stream.indirect.gather [hbm4b:s0+s17], $0x80, s29, s17, $0xb8;
	[tilespmem:$0x1FF80] =	vst v63  }
0x32: {  	_ =	swait.ge [sflag:s23], $0x2800  }
0x33: {  	[sflag:s23] =	ssyncset.done $0x0  }
0x34: {  	s29 =	simm.s32 $0x16050;
	[sflag:s23] =	ssyncadd.s32 $0xFFFFD800  }
0x35: {  	[spmem:s2] =	stream.indirect.scatter.add.f32 [tilespmem:s20], [sflag:$0x4], $0x80, s29, s17, $0xb8;
	[tilespmem:$0x1FF80] =	vst v63  }
0x36: {  	_ =	swait.ge [sflag:s13], $0x2800  }
0x37: {  	[sflag:s13] =	ssyncset.done $0x0  }
0x38: {  	s29 =	simm.s32 $0x139C0;
	[sflag:s13] =	ssyncadd.s32 $0xFFFFD800  }
0x39: {  	[tilespmem:s20], [sflag:$0x2] =	stream.indirect.gather [hbm4b:s0+s17], $0x80, s29, s17, $0xb8;
	[tilespmem:$0x1FF80] =	vst v63  }
0x3a: {  	_ =	swait.ge [sflag:s24], $0x2800  }
0x3b: {  	[sflag:s24] =	ssyncset.done $0x0  }
0x3c: {  	s29 =	simm.s32 $0x160A0;
	[sflag:s24] =	ssyncadd.s32 $0xFFFFD800  }
0x3d: {  	[spmem:s2] =	stream.indirect.scatter.add.f32 [tilespmem:s21], [sflag:$0x4], $0x80, s29, s17, $0xb8;
	[tilespmem:$0x1FF80] =	vst v63  }
0x3e: {  	_ =	swait.ge [sflag:s13], $0x2800  }
0x3f: {  	s30 =	simm.s32 $0x780;
	s29 =	simm.s32 $0xF0;
	[sflag:s13] =	ssyncset.done $0x0  }
.LBB2_2:
0x40: {  	s31 =	sadd.s32 $0x13920, s29  }
0x41: {  	[sflag:s13] =	ssyncadd.s32 $0xFFFFD800;
	s1 =	smov.u32 s30;
	s16 =	sadd.s32 $0x3C0, s30  }
0x42: {  	[tilespmem:s21], [sflag:$0x3] =	stream.indirect.gather [hbm4b:s0+s17], $0x80, s31, s17, $0xb8;
	[tilespmem:$0x1FF80] =	vst v63  }
0x43: {  	p1 =	sne.s32 s30, $0x9600;
	_ =	swait.ge [sflag:s22], $0x2800  }
0x44: {  	[sflag:s22] =	ssyncset.done $0x0  }
0x45: {  	s30 =	sadd.s32 $0x16000, s29;
	[sflag:s22] =	ssyncadd.s32 $0xFFFFD800  }
0x46: {  	[spmem:s2] =	stream.indirect.scatter.add.f32 [tilespmem:s18], [sflag:$0x4], $0x80, s30, s17, $0xb8;
	[tilespmem:$0x1FF80] =	vst v63  }
0x47: {  	_ =	swait.ge [sflag:s13], $0x2800  }
0x48: {  	[sflag:s13] =	ssyncset.done $0x0  }
0x49: {  	s30 =	sadd.s32 $0x13970, s29;
	[sflag:s13] =	ssyncadd.s32 $0xFFFFD800  }
0x4a: {  	[tilespmem:s18], [sflag:$0x1] =	stream.indirect.gather [hbm4b:s0+s17], $0x80, s30, s17, $0xb8;
	[tilespmem:$0x1FF80] =	vst v63  }
0x4b: {  	_ =	swait.ge [sflag:s23], $0x2800  }
0x4c: {  	[sflag:s23] =	ssyncset.done $0x0  }
0x4d: {  	s30 =	sadd.s32 $0x16050, s29;
	[sflag:s23] =	ssyncadd.s32 $0xFFFFD800  }
0x4e: {  	[spmem:s2] =	stream.indirect.scatter.add.f32 [tilespmem:s20], [sflag:$0x4], $0x80, s30, s17, $0xb8;
	[tilespmem:$0x1FF80] =	vst v63  }
0x4f: {  	_ =	swait.ge [sflag:s13], $0x2800  }
0x50: {  	[sflag:s13] =	ssyncset.done $0x0  }
0x51: {  	s30 =	sadd.s32 $0x139C0, s29;
	[sflag:s13] =	ssyncadd.s32 $0xFFFFD800  }
0x52: {  	[tilespmem:s20], [sflag:$0x2] =	stream.indirect.gather [hbm4b:s0+s17], $0x80, s30, s17, $0xb8;
	[tilespmem:$0x1FF80] =	vst v63  }
0x53: {  	_ =	swait.ge [sflag:s24], $0x2800  }
.Ltmp0:
0x54: {  	[sflag:s24] =	ssyncset.done $0x0;
	(pc) =	sbr.rel @p1 .LBB2_2-.Ltmp0, $4  }
0x55: {  	s29 =	sadd.s32 $0x160A0, s29;
	[sflag:s24] =	ssyncadd.s32 $0xFFFFD800  }
0x56: {  	[spmem:s2] =	stream.indirect.scatter.add.f32 [tilespmem:s21], [sflag:$0x4], $0x80, s29, s17, $0xb8;
	[tilespmem:$0x1FF80] =	vst v63  }
0x57: {  	_ =	swait.ge [sflag:s13], $0x2800  }
0x58: {  	s30 =	smov.u32 s16;
	s29 =	sshra.s32 s1, $0x2;
	[sflag:s13] =	ssyncset.done $0x0  }
0x59: {  	s1 =	sadd.s32 $0x13920, s29;
	[sflag:s13] =	ssyncadd.s32 $0xFFFFD800  }
0x5a: {  	[tilespmem:s21], [sflag:$0x3] =	stream.indirect.gather [hbm4b:s0+s17], $0x80, s1, s17, $0xb8;
	[tilespmem:$0x1FF80] =	vst v63  }
0x5b: {  	_ =	swait.ge [sflag:s22], $0x2800  }
0x5c: {  	[sflag:s22] =	ssyncset.done $0x0  }
0x5d: {  	s30 =	sadd.s32 $0x16000, s29;
	[sflag:s22] =	ssyncadd.s32 $0xFFFFD800  }
0x5e: {  	[spmem:s2] =	stream.indirect.scatter.add.f32 [tilespmem:s18], [sflag:$0x4], $0x80, s30, s17, $0xb8;
	[tilespmem:$0x1FF80] =	vst v63  }
0x5f: {  	_ =	swait.ge [sflag:s13], $0x2800  }
0x60: {  	[sflag:s13] =	ssyncset.done $0x0  }
0x61: {  	s31 =	sadd.s32 $0x13970, s29;
	[sflag:s13] =	ssyncadd.s32 $0xFFFFD800  }
0x62: {  	[tilespmem:s18], [sflag:$0x1] =	stream.indirect.gather [hbm4b:s0+s17], $0x80, s31, s17, $0xb8;
	[tilespmem:$0x1FF80] =	vst v63  }
0x63: {  	_ =	swait.ge [sflag:s23], $0x2800  }
0x64: {  	[sflag:s23] =	ssyncset.done $0x0  }
0x65: {  	s16 =	sadd.s32 $0x16050, s29;
	[sflag:s23] =	ssyncadd.s32 $0xFFFFD800  }
0x66: {  	[spmem:s2] =	stream.indirect.scatter.add.f32 [tilespmem:s20], [sflag:$0x4], $0x80, s16, s17, $0xb8;
	[tilespmem:$0x1FF80] =	vst v63  }
0x67: {  	_ =	swait.ge [sflag:s13], $0x2800  }
0x68: {  	[sflag:s13] =	ssyncset.done $0x0  }
0x69: {  	s30 =	sadd.s32 $0x139C0, s29;
	[sflag:s13] =	ssyncadd.s32 $0xFFFFD800  }
0x6a: {  	[tilespmem:s20], [sflag:$0x2] =	stream.indirect.gather [hbm4b:s0+s17], $0x80, s30, s17, $0xb8;
	[tilespmem:$0x1FF80] =	vst v63  }
0x6b: {  	_ =	swait.ge [sflag:s24], $0x2800  }
0x6c: {  	[sflag:s24] =	ssyncset.done $0x0  }
0x6d: {  	s31 =	sadd.s32 $0x160A0, s29;
	[sflag:s24] =	ssyncadd.s32 $0xFFFFD800  }
0x6e: {  	[spmem:s2] =	stream.indirect.scatter.add.f32 [tilespmem:s21], [sflag:$0x4], $0x80, s31, s17, $0xb8;
	[tilespmem:$0x1FF80] =	vst v63  }
0x6f: {  	_ =	swait.ge [sflag:s13], $0x2800  }
0x70: {  	[sflag:s13] =	ssyncset.done $0x0  }
0x71: {  	[sflag:s13] =	ssyncadd.s32 $0xFFFFD800  }
0x72: {  	_ =	swait.ge [sflag:s22], $0x2800  }
0x73: {  	[sflag:s22] =	ssyncset.done $0x0  }
0x74: {  	[sflag:s22] =	ssyncadd.s32 $0xFFFFD800  }
0x75: {  	[spmem:s2] =	stream.indirect.scatter.add.f32 [tilespmem:s18], [sflag:$0x4], $0x80, s25, s17, $0xb8;
	[tilespmem:$0x1FF80] =	vst v63  }
0x76: {  	_ =	swait.ge [sflag:s13], $0x2800  }
0x77: {  	[sflag:s13] =	ssyncset.done $0x0  }
0x78: {  	[sflag:s13] =	ssyncadd.s32 $0xFFFFD800  }
0x79: {  	_ =	swait.ge [sflag:s23], $0x2800  }
0x7a: {  	[sflag:s23] =	ssyncset.done $0x0  }
0x7b: {  	[sflag:s23] =	ssyncadd.s32 $0xFFFFD800  }
0x7c: {  	[spmem:s2] =	stream.indirect.scatter.add.f32 [tilespmem:s20], [sflag:$0x4], $0x80, s26, s17, $0xb8;
	[tilespmem:$0x1FF80] =	vst v63  }
0x7d: {  	_ =	swait.ge [sflag:s13], $0x2800  }
0x7e: {  	[sflag:s13] =	ssyncset.done $0x0  }
0x7f: {  	[sflag:s13] =	ssyncadd.s32 $0xFFFFD800  }
0x80: {  	[bflag:$0x0] =	sbarrier.arrive $0xFFFF  }
0x81: {  	[hbm:s9], [sflag:s5] =	dma.local [spmem:s12], $0x2700  }
0x82: {  	s28 =	sadd.s32 $0x1, s28;
	_ =	swait.ge [sflag:s13], $0x2700  }
0x83: {  	p1 =	sne.s32 s28, s11;
	[sflag:s13] =	ssyncset.done $0x0  }
.Ltmp1:
0x84: {  	s1 =	simm.s32 @!p0 $0x4;
	[sflag:s13] =	ssyncadd.s32 $0xFFFFD900;
	(pc) =	sbr.rel @p1 .LBB2_1-.Ltmp1, $4  }
0x85: {  	[hbm:s10], [sflag:s5] =	dma.local @!p0 [spmem:s14], $0x100  }
0x86: {  	_ =	swait.ge @!p0 [sflag:s1], $0x100  }
0x87: {  	[sflag:s1] =	ssyncset.done @!p0 $0x0  }
0x88: {  	[sflag:s1] =	ssyncadd.s32 @!p0 $0xFFFFFF00  }
0x89: {  	_ =	sfence.sel $0x180000  }
0x8a: {  	[bflag:$0x0] =	sbarrier.arrive $0xFFFF  }
0x8b: {  	_ =	strace $0x90000050  }
0x8c: {  	[bflag:$0x2] =	sbarrier.arrive $0xFFFF  }
0x8d: {  	s0 =	rddreg [dreg:$0x3]  }
0x8e: {  	s0 =	sadd.s32 @!p0 $0x100000, s0  }
0x8f: {  	[sflag:s0] =	ssyncadd.tile.s32 @!p0 $0x1;
	_ =	shalt  }
.Lfunc_end2:
_tile_overlayer_lowered:
.L_overlay_start_2:
0x90: {  	(tag) =	ssettag $0x2  }
0x91: {  	s0 =	rddreg [dreg:$0x0];
	s2 =	stileid.u32  }
0x92: {  	s1 =	rddreg [dreg:$0x1];
	p0 =	sne.s32 s2, $0x0  }
0x93: {  	s3 =	rddreg [dreg:$0x2];
	[bflag:$0x3] =	sbarrier.arrive $0xFFFF;
	s2 =	simm.s32 @!p0 $0x1C04  }
0x94: {  	[timem:s3], [sflag:s2] =	dma.local @!p0 [hbm:s0], s1  }
0x95: {  	s0 =	simm.s32 @!p0 $0x4  }
0x96: {  	_ =	swait.ge @!p0 [sflag:s0], s1  }
0x97: {  	s1 =	ssub.s32 @!p0 $0x0, s1;
	[sflag:s0] =	ssyncset.done @!p0 $0x0  }
0x98: {  	[sflag:s0] =	ssyncadd.s32 @!p0 s1  }
0x99: {  	[bflag:$0x3] =	sbarrier.arrive $0xFFFF  }
0x9a: {  	_ =	shalt  }

</sc_bundles>
